<compile_context>
chip_gen: v7x
topology: tpu7x:2x2x1
jax: 0.10.2.dev20260603
libtpu: 0.0.44.dev20260713+nightly
codegen_flags: <defaults>
</compile_context>

<pallas_src>
import dataclasses

import jax
import jax.numpy as jnp
from jax import lax
from jax.experimental import pallas as pl
from jax.experimental.pallas import tpu as pltpu
from jax.experimental.pallas import tpu_sc as plsc

T = 64
D_OUT = 128
NCORES = 2
NSUB = 16
NW = NCORES * NSUB
KCH = 4


def _stochastic_round_delays(log_delay, N, C):
    D = log_delay.shape[0]
    delay = jnp.concatenate([jnp.exp(log_delay), jnp.exp(log_delay[::-1])],
                            axis=1)
    db = jnp.broadcast_to(delay[None, None, :, :], (N, C, D, 2))
    fl = jnp.floor(db)
    p = db - fl
    bern = jax.random.bernoulli(jax.random.key(42), p)
    return jnp.where(bern, fl + 1.0, fl).astype(jnp.int32)


def _sc_body(x_hbm, rd_hbm, lw_hbm, out_hbm,
             xstage, xbuf, rdbuf, wbuf, tile0, tile1, sem0, sem1):
    ch_per_w = xbuf.shape[0]
    wid = lax.axis_index("c") * NSUB + lax.axis_index("s")
    base_ch = wid * ch_per_w

    pltpu.sync_copy(x_hbm.at[pl.ds(base_ch, ch_per_w)], xstage)
    pltpu.sync_copy(rd_hbm.at[pl.ds(base_ch, ch_per_w)], rdbuf)
    pltpu.sync_copy(lw_hbm, wbuf)
    wv = jnp.exp(wbuf[...])

    @pl.loop(0, ch_per_w)
    def _(i):
        for j in range(2):
            for k in range(T // 16):
                v = xstage[i, j, pl.ds(16 * k, 16)] * wv
                xbuf[i, j, pl.ds(16 * k, 16)] = v
                xbuf[i, j, pl.ds(T + 16 * k, 16)] = v

    iota16 = lax.broadcasted_iota(jnp.int32, (16,), 0)
    tiles = (tile0, tile1)
    sems = (sem0, sem1)
    ngroups = ch_per_w // KCH

    def compute_channel(tile, i, cc):
        caps = []
        for j in range(2):
            m = jnp.max(xbuf[i, j, pl.ds(0, 16)])
            for k in range(1, T // 16):
                m = jnp.maximum(m, jnp.max(xbuf[i, j, pl.ds(16 * k, 16)]))
            best = jnp.int32(T)
            for k in range(T // 16):
                ck = xbuf[i, j, pl.ds(16 * k, 16)]
                idxs = jnp.where(ck == m, iota16 + 16 * k, jnp.int32(127))
                best = jnp.minimum(best, jnp.min(idxs))
            caps.append(jnp.int32(T - 1) - best)
        i16 = jnp.broadcast_to(i, (16,)).astype(jnp.int32)
        z16 = jnp.zeros((16,), jnp.int32)
        o16 = jnp.ones((16,), jnp.int32)
        bs = []
        for k8 in range(D_OUT // 16):
            dsl = pl.ds(16 * k8, 16)
            rd0 = jnp.minimum(rdbuf[i, 0, dsl], caps[0]) & (T - 1)
            rd1 = jnp.minimum(rdbuf[i, 1, dsl], caps[1]) & (T - 1)
            bs.append((T - rd0, T - rd1))

        @plsc.parallel_loop(0, T, step=1, unroll=4)
        def _(t):
            for k8 in range(D_OUT // 16):
                b0, b1 = bs[k8]
                g0 = plsc.load_gather(xbuf, [i16, z16, b0 + t])
                g1 = plsc.load_gather(xbuf, [i16, o16, b1 + t])
                tile[t, cc, pl.ds(16 * k8, 16)] = g0 + g1

    @pl.loop(0, ngroups // 2)
    def _(gp):
        for b in range(2):
            g = gp * 2 + b
            ch0 = base_ch + g * KCH

            @pl.when(gp > 0)
            def _():
                pltpu.make_async_copy(
                    tiles[b], out_hbm.at[:, pl.ds(ch0, KCH), :], sems[b]).wait()

            @pl.loop(0, KCH)
            def _(cc):
                compute_channel(tiles[b], g * KCH + cc, cc)

            pltpu.async_copy(tiles[b], out_hbm.at[:, pl.ds(ch0, KCH), :],
                             sems[b])

    for b in range(2):
        pltpu.make_async_copy(
            tiles[b], out_hbm.at[:, pl.ds(base_ch, KCH), :], sems[b]).wait()


def kernel(input, log_delay, log_weight):
    Tt, N, C, _ = input.shape
    D = log_delay.shape[0]
    NC = N * C
    ch_per_w = NC // NW

    rd_pre = _stochastic_round_delays(log_delay, N, C)
    rdf = jnp.transpose(rd_pre, (0, 1, 3, 2)).reshape(NC, 2, D)
    xf = jnp.transpose(input, (1, 2, 3, 0)).reshape(NC, 2, Tt)
    lwv = jnp.full((16,), log_weight, jnp.float32)

    mesh = plsc.VectorSubcoreMesh(core_axis_name="c", subcore_axis_name="s")
    cp = pltpu.CompilerParams()
    if "needs_layout_passes" in pltpu.CompilerParams.__dataclass_fields__:
        cp = dataclasses.replace(cp, needs_layout_passes=False)
    run = pl.kernel(
        _sc_body,
        out_type=jax.ShapeDtypeStruct((Tt, NC, D), jnp.float32),
        mesh=mesh,
        scratch_types=[
            pltpu.VMEM((ch_per_w, 2, Tt), jnp.float32),
            pltpu.VMEM((ch_per_w, 2, 2 * Tt), jnp.float32),
            pltpu.VMEM((ch_per_w, 2, D), jnp.int32),
            pltpu.VMEM((16,), jnp.float32),
            pltpu.VMEM((Tt, KCH, D), jnp.float32),
            pltpu.VMEM((Tt, KCH, D), jnp.float32),
            pltpu.SemaphoreType.DMA,
            pltpu.SemaphoreType.DMA,
        ],
        compiler_params=cp,
    )
    out = run(xf, rdf, lwv)
    return out.reshape(Tt, N, C, D)

# --- scband reference (transcript-rebuilt; emitter-appended) ---
"""Pipeline reference for scband-jeffress-linear-49641232007669 (READ-ONLY COPY).

The authoritative reference and input builder live on the scoring server;
editing this copy changes nothing except your own understanding.
"""

import jax, jax.numpy as jnp
import numpy as np

T, N, C, D_OUT = 64, 16, 128, 128


def setup_inputs(seed: int = 0) -> dict:
    key = jax.random.key(seed)
    k1, = jax.random.split(key, 1)
    inp = {}
    inp['input'] = jax.random.normal(k1, (T, N, C, 2), dtype=jnp.float32)
    # parameters sized per init_kwargs (out_features=128)
    inp['log_delay'] = jnp.linspace(-4.0, 0.0, D_OUT).reshape(-1, 1).astype(jnp.float32)
    inp['log_weight'] = jnp.log(jnp.array(2.0, dtype=jnp.float32))
    return inp


def _shift_vec(x, delay):
    # x: (T, N, C, D_out, 2), delay: (N, C, D_out, 2) int
    Tt = x.shape[0]
    t = jnp.arange(Tt).reshape(Tt, 1, 1, 1, 1)
    idx = (t - delay[None, ...]) % Tt
    idx = jnp.broadcast_to(idx, x.shape)
    return jnp.take_along_axis(x, idx, axis=0)


def reference(input, log_delay, log_weight):
    Tt, Nn, Cc, _ = input.shape
    Dout = log_delay.shape[0]
    # delay property: cat([exp(log_delay), exp(flip(log_delay))], dim=1) -> (D_out, 2)
    delay = jnp.concatenate([jnp.exp(log_delay), jnp.exp(log_delay[::-1])], axis=1)
    # tile input over new D_out axis: (T, N, C, D_out, 2)
    out = jnp.broadcast_to(input[:, :, :, None, :], (Tt, Nn, Cc, Dout, 2))
    # broadcast delay to (N, C, D_out, 2)
    d = jnp.broadcast_to(delay[None, None, :, :], (Nn, Cc, Dout, 2))
    # StochasticRound: floor(x) + Bernoulli(x - floor(x)); output is integer
    fl = jnp.floor(d)
    p = d - fl
    bern = jax.random.bernoulli(jax.random.key(42), p)
    rd = jnp.where(bern, fl + 1.0, fl).astype(jnp.int32)
    # clamp(max = T - 1 - argmax over time)
    argm = jnp.argmax(out, axis=0).astype(jnp.int32)
    rd = jnp.minimum(rd, (Tt - 1) - argm)
    # JeffressDelay forward: modular time-axis gather
    shifted = _shift_vec(out, rd)
    shifted = shifted * jnp.exp(log_weight)
    return shifted.sum(axis=-1)

if __name__ == "__main__":
    import jax
    _d = setup_inputs()
    print(jax.jit(kernel)(*tuple(_d.values())))

</pallas_src>

<mosaic_0001>
#map = affine_map<(d0, d1) -> (0, 0, 0)>
#map1 = affine_map<(d0, d1) -> (0)>
module attributes {stable_mosaic.version = 14 : i64} {
  func.func @_sc_body(%arg0: i32, %arg1: i32, %arg2: memref<2048x2x64xf32, #tpu.memory_space<hbm>>, %arg3: memref<2048x2x128xi32, #tpu.memory_space<hbm>>, %arg4: memref<16xf32, #tpu.memory_space<hbm>>, %arg5: memref<64x2048x128xf32, #tpu.memory_space<hbm>>, %arg6: memref<64x2x64xf32, #tpu.memory_space<vmem>>, %arg7: memref<64x2x128xf32, #tpu.memory_space<vmem>>, %arg8: memref<64x2x128xi32, #tpu.memory_space<vmem>>, %arg9: memref<16xf32, #tpu.memory_space<vmem>>, %arg10: memref<64x4x128xf32, #tpu.memory_space<vmem>>, %arg11: memref<64x4x128xf32, #tpu.memory_space<vmem>>, %arg12: memref<!tpu.dma_semaphore, #tpu.memory_space<semaphore_mem>>, %arg13: memref<!tpu.dma_semaphore, #tpu.memory_space<semaphore_mem>>) attributes {dimension_semantics = [#tpu.dimension_semantics<core_parallel>, #tpu.dimension_semantics<subcore_parallel>], iteration_bounds = array<i64: 2, 16>, scalar_prefetch = 0 : i64, scratch_operands = 8 : i64, tpu.core_type = #tpu.core_type<sc_vector_subcore>, window_params = [{transform_indices = #map}, {transform_indices = #map}, {transform_indices = #map1}, {transform_indices = #map}]} {
    %mul3A = arith.constant 16 : i32
    %mul3A_0 = arith.muli %arg0, %mul3A : i32
    %add3A = arith.addi %mul3A_0, %arg1 : i32
    %mul3A_1 = arith.constant 64 : i32
    %mul3A_2 = arith.muli %add3A, %mul3A_1 : i32
    "tpu.region"() ({
      %run_scoped3A = tpu.sem_alloc : memref<!tpu.dma_semaphore, #tpu.memory_space<semaphore_mem>>
      %dma_start3A = arith.constant 0 : i32
      %dma_start3A_24 = arith.constant 0 : i32
      %dma_start3A_25 = tpu.memref_slice %arg2[%mul3A_2, %dma_start3A, %dma_start3A_24] : memref<2048x2x64xf32, #tpu.memory_space<hbm>> -> memref<64x2x64xf32, #tpu.memory_space<hbm>>
      %dma_start3A_26 = arith.constant 0 : i32
      %dma_start3A_27 = arith.constant 0 : i32
      %dma_start3A_28 = tpu.memref_slice %arg2[%mul3A_2, %dma_start3A_26, %dma_start3A_27] : memref<2048x2x64xf32, #tpu.memory_space<hbm>> -> memref<64x2x64xf32, #tpu.memory_space<hbm>>
      tpu.enqueue_dma source(%dma_start3A_28 : memref<64x2x64xf32, #tpu.memory_space<hbm>>) target(%arg6 : memref<64x2x64xf32, #tpu.memory_space<vmem>>) target_semaphore(%run_scoped3A : memref<!tpu.dma_semaphore, #tpu.memory_space<semaphore_mem>>)
      %dma_wait3A_29 = arith.constant 0 : i32
      %dma_wait3A_30 = arith.constant 0 : i32
      %dma_wait3A_31 = tpu.memref_slice %arg2[%mul3A_2, %dma_wait3A_29, %dma_wait3A_30] : memref<2048x2x64xf32, #tpu.memory_space<hbm>> -> memref<64x2x64xf32, #tpu.memory_space<hbm>>
      %dma_wait3A_32 = arith.constant 0 : i32
      %dma_wait3A_33 = arith.constant 0 : i32
      %dma_wait3A_34 = tpu.memref_slice %arg2[%mul3A_2, %dma_wait3A_32, %dma_wait3A_33] : memref<2048x2x64xf32, #tpu.memory_space<hbm>> -> memref<64x2x64xf32, #tpu.memory_space<hbm>>
      tpu.wait_dma2 semaphore(%run_scoped3A : memref<!tpu.dma_semaphore, #tpu.memory_space<semaphore_mem>>) src(%dma_wait3A_34 : memref<64x2x64xf32, #tpu.memory_space<hbm>>) dst(%arg6 : memref<64x2x64xf32, #tpu.memory_space<vmem>>)
      tpu.yield
    }) : () -> ()
    "tpu.region"() ({
      %run_scoped3A = tpu.sem_alloc : memref<!tpu.dma_semaphore, #tpu.memory_space<semaphore_mem>>
      %dma_start3A = arith.constant 0 : i32
      %dma_start3A_24 = arith.constant 0 : i32
      %dma_start3A_25 = tpu.memref_slice %arg3[%mul3A_2, %dma_start3A, %dma_start3A_24] : memref<2048x2x128xi32, #tpu.memory_space<hbm>> -> memref<64x2x128xi32, #tpu.memory_space<hbm>>
      %dma_start3A_26 = arith.constant 0 : i32
      %dma_start3A_27 = arith.constant 0 : i32
      %dma_start3A_28 = tpu.memref_slice %arg3[%mul3A_2, %dma_start3A_26, %dma_start3A_27] : memref<2048x2x128xi32, #tpu.memory_space<hbm>> -> memref<64x2x128xi32, #tpu.memory_space<hbm>>
      tpu.enqueue_dma source(%dma_start3A_28 : memref<64x2x128xi32, #tpu.memory_space<hbm>>) target(%arg8 : memref<64x2x128xi32, #tpu.memory_space<vmem>>) target_semaphore(%run_scoped3A : memref<!tpu.dma_semaphore, #tpu.memory_space<semaphore_mem>>)
      %dma_wait3A_29 = arith.constant 0 : i32
      %dma_wait3A_30 = arith.constant 0 : i32
      %dma_wait3A_31 = tpu.memref_slice %arg3[%mul3A_2, %dma_wait3A_29, %dma_wait3A_30] : memref<2048x2x128xi32, #tpu.memory_space<hbm>> -> memref<64x2x128xi32, #tpu.memory_space<hbm>>
      %dma_wait3A_32 = arith.constant 0 : i32
      %dma_wait3A_33 = arith.constant 0 : i32
      %dma_wait3A_34 = tpu.memref_slice %arg3[%mul3A_2, %dma_wait3A_32, %dma_wait3A_33] : memref<2048x2x128xi32, #tpu.memory_space<hbm>> -> memref<64x2x128xi32, #tpu.memory_space<hbm>>
      tpu.wait_dma2 semaphore(%run_scoped3A : memref<!tpu.dma_semaphore, #tpu.memory_space<semaphore_mem>>) src(%dma_wait3A_34 : memref<64x2x128xi32, #tpu.memory_space<hbm>>) dst(%arg8 : memref<64x2x128xi32, #tpu.memory_space<vmem>>)
      tpu.yield
    }) : () -> ()
    "tpu.region"() ({
      %run_scoped3A = tpu.sem_alloc : memref<!tpu.dma_semaphore, #tpu.memory_space<semaphore_mem>>
      tpu.enqueue_dma source(%arg4 : memref<16xf32, #tpu.memory_space<hbm>>) target(%arg9 : memref<16xf32, #tpu.memory_space<vmem>>) target_semaphore(%run_scoped3A : memref<!tpu.dma_semaphore, #tpu.memory_space<semaphore_mem>>)
      tpu.wait_dma2 semaphore(%run_scoped3A : memref<!tpu.dma_semaphore, #tpu.memory_space<semaphore_mem>>) src(%arg4 : memref<16xf32, #tpu.memory_space<hbm>>) dst(%arg9 : memref<16xf32, #tpu.memory_space<vmem>>)
      tpu.yield
    }) : () -> ()
    %get3A = arith.constant 0 : index
    %get3A_3 = tpu.vector_load %arg9[%get3A] {strides = array<i32>} : memref<16xf32, #tpu.memory_space<vmem>>, vector<16xf32>,
    %exp3A = math.exp %get3A_3 : vector<16xf32>
    %scan3A = arith.constant 0 : i32
    %scan3A_4 = arith.constant 64 : i32
    %scan3A_5 = arith.addi %scan3A, %scan3A_4 : i32
    %scan3A_6 = arith.constant 1 : i32
    scf.for %scan3A_24 = %scan3A to %scan3A_5 step %scan3A_6  : i32 {
      %mul3A_25 = arith.constant 1 : i32
      %mul3A_26 = arith.muli %scan3A_24, %mul3A_25 : i32
      %add3A_27 = arith.constant 0 : i32
      %add3A_28 = arith.addi %add3A_27, %mul3A_26 : i32
      %get3A_29 = arith.constant 0 : i32
      %get3A_30 = arith.index_cast %add3A_28 : i32 to index
      %get3A_31 = arith.index_cast %get3A_29 : i32 to index
      %get3A_32 = arith.constant 0 : index
      %get3A_33 = tpu.vector_load %arg6[%get3A_30, %get3A_31, %get3A_32] {strides = array<i32>} : memref<64x2x64xf32, #tpu.memory_space<vmem>>, vector<16xf32>,
      %mul3A_34 = arith.mulf %get3A_33, %exp3A : vector<16xf32>
      %swap3A = arith.constant 0 : i32
      %swap3A_35 = arith.index_cast %add3A_28 : i32 to index
      %swap3A_36 = arith.index_cast %swap3A : i32 to index
      %swap3A_37 = arith.constant 0 : index
      %swap3A_38 = tpu.vector_load %arg7[%swap3A_35, %swap3A_36, %swap3A_37] {strides = array<i32>} : memref<64x2x128xf32, #tpu.memory_space<vmem>>, vector<16xf32>,
      tpu.vector_store %arg7[%swap3A_35, %swap3A_36, %swap3A_37], %mul3A_34 {strides = array<i32>} : memref<64x2x128xf32, #tpu.memory_space<vmem>>, vector<16xf32>,
      %swap3A_39 = arith.constant 0 : i32
      %swap3A_40 = arith.index_cast %add3A_28 : i32 to index
      %swap3A_41 = arith.index_cast %swap3A_39 : i32 to index
      %swap3A_42 = arith.constant 64 : index
      %swap3A_43 = tpu.vector_load %arg7[%swap3A_40, %swap3A_41, %swap3A_42] {strides = array<i32>} : memref<64x2x128xf32, #tpu.memory_space<vmem>>, vector<16xf32>,
      tpu.vector_store %arg7[%swap3A_40, %swap3A_41, %swap3A_42], %mul3A_34 {strides = array<i32>} : memref<64x2x128xf32, #tpu.memory_space<vmem>>, vector<16xf32>,
      %get3A_44 = arith.constant 0 : i32
      %get3A_45 = arith.index_cast %add3A_28 : i32 to index
      %get3A_46 = arith.index_cast %get3A_44 : i32 to index
      %get3A_47 = arith.constant 16 : index
      %get3A_48 = tpu.vector_load %arg6[%get3A_45, %get3A_46, %get3A_47] {strides = array<i32>} : memref<64x2x64xf32, #tpu.memory_space<vmem>>, vector<16xf32>,
      %mul3A_49 = arith.mulf %get3A_48, %exp3A : vector<16xf32>
      %swap3A_50 = arith.constant 0 : i32
      %swap3A_51 = arith.index_cast %add3A_28 : i32 to index
      %swap3A_52 = arith.index_cast %swap3A_50 : i32 to index
      %swap3A_53 = arith.constant 16 : index
      %swap3A_54 = tpu.vector_load %arg7[%swap3A_51, %swap3A_52, %swap3A_53] {strides = array<i32>} : memref<64x2x128xf32, #tpu.memory_space<vmem>>, vector<16xf32>,
      tpu.vector_store %arg7[%swap3A_51, %swap3A_52, %swap3A_53], %mul3A_49 {strides = array<i32>} : memref<64x2x128xf32, #tpu.memory_space<vmem>>, vector<16xf32>,
      %swap3A_55 = arith.constant 0 : i32
      %swap3A_56 = arith.index_cast %add3A_28 : i32 to index
      %swap3A_57 = arith.index_cast %swap3A_55 : i32 to index
      %swap3A_58 = arith.constant 80 : index
      %swap3A_59 = tpu.vector_load %arg7[%swap3A_56, %swap3A_57, %swap3A_58] {strides = array<i32>} : memref<64x2x128xf32, #tpu.memory_space<vmem>>, vector<16xf32>,
      tpu.vector_store %arg7[%swap3A_56, %swap3A_57, %swap3A_58], %mul3A_49 {strides = array<i32>} : memref<64x2x128xf32, #tpu.memory_space<vmem>>, vector<16xf32>,
      %get3A_60 = arith.constant 0 : i32
      %get3A_61 = arith.index_cast %add3A_28 : i32 to index
      %get3A_62 = arith.index_cast %get3A_60 : i32 to index
      %get3A_63 = arith.constant 32 : index
      %get3A_64 = tpu.vector_load %arg6[%get3A_61, %get3A_62, %get3A_63] {strides = array<i32>} : memref<64x2x64xf32, #tpu.memory_space<vmem>>, vector<16xf32>,
      %mul3A_65 = arith.mulf %get3A_64, %exp3A : vector<16xf32>
      %swap3A_66 = arith.constant 0 : i32
      %swap3A_67 = arith.index_cast %add3A_28 : i32 to index
      %swap3A_68 = arith.index_cast %swap3A_66 : i32 to index
      %swap3A_69 = arith.constant 32 : index
      %swap3A_70 = tpu.vector_load %arg7[%swap3A_67, %swap3A_68, %swap3A_69] {strides = array<i32>} : memref<64x2x128xf32, #tpu.memory_space<vmem>>, vector<16xf32>,
      tpu.vector_store %arg7[%swap3A_67, %swap3A_68, %swap3A_69], %mul3A_65 {strides = array<i32>} : memref<64x2x128xf32, #tpu.memory_space<vmem>>, vector<16xf32>,
      %swap3A_71 = arith.constant 0 : i32
      %swap3A_72 = arith.index_cast %add3A_28 : i32 to index
      %swap3A_73 = arith.index_cast %swap3A_71 : i32 to index
      %swap3A_74 = arith.constant 96 : index
      %swap3A_75 = tpu.vector_load %arg7[%swap3A_72, %swap3A_73, %swap3A_74] {strides = array<i32>} : memref<64x2x128xf32, #tpu.memory_space<vmem>>, vector<16xf32>,
      tpu.vector_store %arg7[%swap3A_72, %swap3A_73, %swap3A_74], %mul3A_65 {strides = array<i32>} : memref<64x2x128xf32, #tpu.memory_space<vmem>>, vector<16xf32>,
      %get3A_76 = arith.constant 0 : i32
      %get3A_77 = arith.index_cast %add3A_28 : i32 to index
      %get3A_78 = arith.index_cast %get3A_76 : i32 to index
      %get3A_79 = arith.constant 48 : index
      %get3A_80 = tpu.vector_load %arg6[%get3A_77, %get3A_78, %get3A_79] {strides = array<i32>} : memref<64x2x64xf32, #tpu.memory_space<vmem>>, vector<16xf32>,
      %mul3A_81 = arith.mulf %get3A_80, %exp3A : vector<16xf32>
      %swap3A_82 = arith.constant 0 : i32
      %swap3A_83 = arith.index_cast %add3A_28 : i32 to index
      %swap3A_84 = arith.index_cast %swap3A_82 : i32 to index
      %swap3A_85 = arith.constant 48 : index
      %swap3A_86 = tpu.vector_load %arg7[%swap3A_83, %swap3A_84, %swap3A_85] {strides = array<i32>} : memref<64x2x128xf32, #tpu.memory_space<vmem>>, vector<16xf32>,
      tpu.vector_store %arg7[%swap3A_83, %swap3A_84, %swap3A_85], %mul3A_81 {strides = array<i32>} : memref<64x2x128xf32, #tpu.memory_space<vmem>>, vector<16xf32>,
      %swap3A_87 = arith.constant 0 : i32
      %swap3A_88 = arith.index_cast %add3A_28 : i32 to index
      %swap3A_89 = arith.index_cast %swap3A_87 : i32 to index
      %swap3A_90 = arith.constant 112 : index
      %swap3A_91 = tpu.vector_load %arg7[%swap3A_88, %swap3A_89, %swap3A_90] {strides = array<i32>} : memref<64x2x128xf32, #tpu.memory_space<vmem>>, vector<16xf32>,
      tpu.vector_store %arg7[%swap3A_88, %swap3A_89, %swap3A_90], %mul3A_81 {strides = array<i32>} : memref<64x2x128xf32, #tpu.memory_space<vmem>>, vector<16xf32>,
      %get3A_92 = arith.constant 1 : i32
      %get3A_93 = arith.index_cast %add3A_28 : i32 to index
      %get3A_94 = arith.index_cast %get3A_92 : i32 to index
      %get3A_95 = arith.constant 0 : index
      %get3A_96 = tpu.vector_load %arg6[%get3A_93, %get3A_94, %get3A_95] {strides = array<i32>} : memref<64x2x64xf32, #tpu.memory_space<vmem>>, vector<16xf32>,
      %mul3A_97 = arith.mulf %get3A_96, %exp3A : vector<16xf32>
      %swap3A_98 = arith.constant 1 : i32
      %swap3A_99 = arith.index_cast %add3A_28 : i32 to index
      %swap3A_100 = arith.index_cast %swap3A_98 : i32 to index
      %swap3A_101 = arith.constant 0 : index
      %swap3A_102 = tpu.vector_load %arg7[%swap3A_99, %swap3A_100, %swap3A_101] {strides = array<i32>} : memref<64x2x128xf32, #tpu.memory_space<vmem>>, vector<16xf32>,
      tpu.vector_store %arg7[%swap3A_99, %swap3A_100, %swap3A_101], %mul3A_97 {strides = array<i32>} : memref<64x2x128xf32, #tpu.memory_space<vmem>>, vector<16xf32>,
      %swap3A_103 = arith.constant 1 : i32
      %swap3A_104 = arith.index_cast %add3A_28 : i32 to index
      %swap3A_105 = arith.index_cast %swap3A_103 : i32 to index
      %swap3A_106 = arith.constant 64 : index
      %swap3A_107 = tpu.vector_load %arg7[%swap3A_104, %swap3A_105, %swap3A_106] {strides = array<i32>} : memref<64x2x128xf32, #tpu.memory_space<vmem>>, vector<16xf32>,
      tpu.vector_store %arg7[%swap3A_104, %swap3A_105, %swap3A_106], %mul3A_97 {strides = array<i32>} : memref<64x2x128xf32, #tpu.memory_space<vmem>>, vector<16xf32>,
      %get3A_108 = arith.constant 1 : i32
      %get3A_109 = arith.index_cast %add3A_28 : i32 to index
      %get3A_110 = arith.index_cast %get3A_108 : i32 to index
      %get3A_111 = arith.constant 16 : index
      %get3A_112 = tpu.vector_load %arg6[%get3A_109, %get3A_110, %get3A_111] {strides = array<i32>} : memref<64x2x64xf32, #tpu.memory_space<vmem>>, vector<16xf32>,
      %mul3A_113 = arith.mulf %get3A_112, %exp3A : vector<16xf32>
      %swap3A_114 = arith.constant 1 : i32
      %swap3A_115 = arith.index_cast %add3A_28 : i32 to index
      %swap3A_116 = arith.index_cast %swap3A_114 : i32 to index
      %swap3A_117 = arith.constant 16 : index
      %swap3A_118 = tpu.vector_load %arg7[%swap3A_115, %swap3A_116, %swap3A_117] {strides = array<i32>} : memref<64x2x128xf32, #tpu.memory_space<vmem>>, vector<16xf32>,
      tpu.vector_store %arg7[%swap3A_115, %swap3A_116, %swap3A_117], %mul3A_113 {strides = array<i32>} : memref<64x2x128xf32, #tpu.memory_space<vmem>>, vector<16xf32>,
      %swap3A_119 = arith.constant 1 : i32
      %swap3A_120 = arith.index_cast %add3A_28 : i32 to index
      %swap3A_121 = arith.index_cast %swap3A_119 : i32 to index
      %swap3A_122 = arith.constant 80 : index
      %swap3A_123 = tpu.vector_load %arg7[%swap3A_120, %swap3A_121, %swap3A_122] {strides = array<i32>} : memref<64x2x128xf32, #tpu.memory_space<vmem>>, vector<16xf32>,
      tpu.vector_store %arg7[%swap3A_120, %swap3A_121, %swap3A_122], %mul3A_113 {strides = array<i32>} : memref<64x2x128xf32, #tpu.memory_space<vmem>>, vector<16xf32>,
      %get3A_124 = arith.constant 1 : i32
      %get3A_125 = arith.index_cast %add3A_28 : i32 to index
      %get3A_126 = arith.index_cast %get3A_124 : i32 to index
      %get3A_127 = arith.constant 32 : index
      %get3A_128 = tpu.vector_load %arg6[%get3A_125, %get3A_126, %get3A_127] {strides = array<i32>} : memref<64x2x64xf32, #tpu.memory_space<vmem>>, vector<16xf32>,
      %mul3A_129 = arith.mulf %get3A_128, %exp3A : vector<16xf32>
      %swap3A_130 = arith.constant 1 : i32
      %swap3A_131 = arith.index_cast %add3A_28 : i32 to index
      %swap3A_132 = arith.index_cast %swap3A_130 : i32 to index
      %swap3A_133 = arith.constant 32 : index
      %swap3A_134 = tpu.vector_load %arg7[%swap3A_131, %swap3A_132, %swap3A_133] {strides = array<i32>} : memref<64x2x128xf32, #tpu.memory_space<vmem>>, vector<16xf32>,
      tpu.vector_store %arg7[%swap3A_131, %swap3A_132, %swap3A_133], %mul3A_129 {strides = array<i32>} : memref<64x2x128xf32, #tpu.memory_space<vmem>>, vector<16xf32>,
      %swap3A_135 = arith.constant 1 : i32
      %swap3A_136 = arith.index_cast %add3A_28 : i32 to index
      %swap3A_137 = arith.index_cast %swap3A_135 : i32 to index
      %swap3A_138 = arith.constant 96 : index
      %swap3A_139 = tpu.vector_load %arg7[%swap3A_136, %swap3A_137, %swap3A_138] {strides = array<i32>} : memref<64x2x128xf32, #tpu.memory_space<vmem>>, vector<16xf32>,
      tpu.vector_store %arg7[%swap3A_136, %swap3A_137, %swap3A_138], %mul3A_129 {strides = array<i32>} : memref<64x2x128xf32, #tpu.memory_space<vmem>>, vector<16xf32>,
      %get3A_140 = arith.constant 1 : i32
      %get3A_141 = arith.index_cast %add3A_28 : i32 to index
      %get3A_142 = arith.index_cast %get3A_140 : i32 to index
      %get3A_143 = arith.constant 48 : index
      %get3A_144 = tpu.vector_load %arg6[%get3A_141, %get3A_142, %get3A_143] {strides = array<i32>} : memref<64x2x64xf32, #tpu.memory_space<vmem>>, vector<16xf32>,
      %mul3A_145 = arith.mulf %get3A_144, %exp3A : vector<16xf32>
      %swap3A_146 = arith.constant 1 : i32
      %swap3A_147 = arith.index_cast %add3A_28 : i32 to index
      %swap3A_148 = arith.index_cast %swap3A_146 : i32 to index
      %swap3A_149 = arith.constant 48 : index
      %swap3A_150 = tpu.vector_load %arg7[%swap3A_147, %swap3A_148, %swap3A_149] {strides = array<i32>} : memref<64x2x128xf32, #tpu.memory_space<vmem>>, vector<16xf32>,
      tpu.vector_store %arg7[%swap3A_147, %swap3A_148, %swap3A_149], %mul3A_145 {strides = array<i32>} : memref<64x2x128xf32, #tpu.memory_space<vmem>>, vector<16xf32>,
      %swap3A_151 = arith.constant 1 : i32
      %swap3A_152 = arith.index_cast %add3A_28 : i32 to index
      %swap3A_153 = arith.index_cast %swap3A_151 : i32 to index
      %swap3A_154 = arith.constant 112 : index
      %swap3A_155 = tpu.vector_load %arg7[%swap3A_152, %swap3A_153, %swap3A_154] {strides = array<i32>} : memref<64x2x128xf32, #tpu.memory_space<vmem>>, vector<16xf32>,
      tpu.vector_store %arg7[%swap3A_152, %swap3A_153, %swap3A_154], %mul3A_145 {strides = array<i32>} : memref<64x2x128xf32, #tpu.memory_space<vmem>>, vector<16xf32>,
    }
    %scan3A_7 = arith.constant 64 : i32
    %iota3A = tpu.iota {dimensions = array<i32: 0>} : vector<16xi32>
    %scan3A_8 = arith.constant 0 : i32
    %scan3A_9 = arith.constant 8 : i32
    %scan3A_10 = arith.addi %scan3A_8, %scan3A_9 : i32
    %scan3A_11 = arith.constant 1 : i32
    scf.for %scan3A_24 = %scan3A_8 to %scan3A_10 step %scan3A_11  : i32 {
      %mul3A_25 = arith.constant 1 : i32
      %mul3A_26 = arith.muli %scan3A_24, %mul3A_25 : i32
      %add3A_27 = arith.constant 0 : i32
      %add3A_28 = arith.addi %add3A_27, %mul3A_26 : i32
      %mul3A_29 = arith.constant 2 : i32
      %mul3A_30 = arith.muli %add3A_28, %mul3A_29 : i32
      %add3A_31 = arith.constant 0 : i32
      %add3A_32 = arith.addi %mul3A_30, %add3A_31 : i32
      %mul3A_33 = arith.constant 4 : i32
      %mul3A_34 = arith.muli %add3A_32, %mul3A_33 : i32
      %add3A_35 = arith.addi %mul3A_2, %mul3A_34 : i32
      %gt3A = arith.constant 0 : i32
      %gt3A_36 = arith.cmpi sgt, %add3A_28, %gt3A : i32
      %convert_element_type3A = arith.extui %gt3A_36 : i1 to i32
      %cond3A = arith.constant 0 : i32
      %cond3A_37 = arith.cmpi ne, %convert_element_type3A, %cond3A : i32
      scf.if %cond3A_37 {
        %dma_wait3A_71 = arith.constant 0 : i32
        %dma_wait3A_72 = arith.constant 0 : i32
        %dma_wait3A_73 = tpu.memref_slice %arg5[%dma_wait3A_71, %add3A_35, %dma_wait3A_72] : memref<64x2048x128xf32, #tpu.memory_space<hbm>> -> memref<64x4x128xf32, #tpu.memory_space<hbm>>
        %dma_wait3A_74 = arith.constant 0 : i32
        %dma_wait3A_75 = arith.constant 0 : i32
        %dma_wait3A_76 = tpu.memref_slice %arg5[%dma_wait3A_74, %add3A_35, %dma_wait3A_75] : memref<64x2048x128xf32, #tpu.memory_space<hbm>> -> memref<64x4x128xf32, #tpu.memory_space<hbm>>
        tpu.wait_dma2 semaphore(%arg12 : memref<!tpu.dma_semaphore, #tpu.memory_space<semaphore_mem>>) src(%arg10 : memref<64x4x128xf32, #tpu.memory_space<vmem>>) dst(%dma_wait3A_76 : memref<64x4x128xf32, #tpu.memory_space<hbm>>)
      } else {
      }
      %scan3A_38 = arith.constant 0 : i32
      %scan3A_39 = arith.constant 4 : i32
      %scan3A_40 = arith.addi %scan3A_38, %scan3A_39 : i32
      %scan3A_41 = arith.constant 1 : i32
      scf.for %scan3A_71 = %scan3A_38 to %scan3A_40 step %scan3A_41  : i32 {
        %mul3A_72 = arith.constant 1 : i32
        %mul3A_73 = arith.muli %scan3A_71, %mul3A_72 : i32
        %add3A_74 = arith.constant 0 : i32
        %add3A_75 = arith.addi %add3A_74, %mul3A_73 : i32
        %mul3A_76 = arith.constant 4 : i32
        %mul3A_77 = arith.muli %add3A_32, %mul3A_76 : i32
        %add3A_78 = arith.addi %mul3A_77, %add3A_75 : i32
        %get3A_79 = arith.constant 0 : i32
        %get3A_80 = arith.index_cast %add3A_78 : i32 to index
        %get3A_81 = arith.index_cast %get3A_79 : i32 to index
        %get3A_82 = arith.constant 0 : index
        %get3A_83 = tpu.vector_load %arg7[%get3A_80, %get3A_81, %get3A_82] {strides = array<i32>} : memref<64x2x128xf32, #tpu.memory_space<vmem>>, vector<16xf32>,
        %reduce_max3A = arith.constant true
        %reduce_max3A_84 = vector.broadcast %reduce_max3A : i1 to vector<16xi1>
        %reduce_max3A_85 = tpu.scan <max>, %get3A_83 masked %reduce_max3A_84 : vector<16xf32>, vector<16xi1> -> vector<16xf32>
        %reduce_max3A_86 = vector.extract %reduce_max3A_85[15] : f32 from vector<16xf32>
        %get3A_87 = arith.constant 0 : i32
        %get3A_88 = arith.index_cast %add3A_78 : i32 to index
        %get3A_89 = arith.index_cast %get3A_87 : i32 to index
        %get3A_90 = arith.constant 16 : index
        %get3A_91 = tpu.vector_load %arg7[%get3A_88, %get3A_89, %get3A_90] {strides = array<i32>} : memref<64x2x128xf32, #tpu.memory_space<vmem>>, vector<16xf32>,
        %reduce_max3A_92 = arith.constant true
        %reduce_max3A_93 = vector.broadcast %reduce_max3A_92 : i1 to vector<16xi1>
        %reduce_max3A_94 = tpu.scan <max>, %get3A_91 masked %reduce_max3A_93 : vector<16xf32>, vector<16xi1> -> vector<16xf32>
        %reduce_max3A_95 = vector.extract %reduce_max3A_94[15] : f32 from vector<16xf32>
        %max3A = arith.maximumf %reduce_max3A_86, %reduce_max3A_95 : f32
        %get3A_96 = arith.constant 0 : i32
        %get3A_97 = arith.index_cast %add3A_78 : i32 to index
        %get3A_98 = arith.index_cast %get3A_96 : i32 to index
        %get3A_99 = arith.constant 32 : index
        %get3A_100 = tpu.vector_load %arg7[%get3A_97, %get3A_98, %get3A_99] {strides = array<i32>} : memref<64x2x128xf32, #tpu.memory_space<vmem>>, vector<16xf32>,
        %reduce_max3A_101 = arith.constant true
        %reduce_max3A_102 = vector.broadcast %reduce_max3A_101 : i1 to vector<16xi1>
        %reduce_max3A_103 = tpu.scan <max>, %get3A_100 masked %reduce_max3A_102 : vector<16xf32>, vector<16xi1> -> vector<16xf32>
        %reduce_max3A_104 = vector.extract %reduce_max3A_103[15] : f32 from vector<16xf32>
        %max3A_105 = arith.maximumf %max3A, %reduce_max3A_104 : f32
        %get3A_106 = arith.constant 0 : i32
        %get3A_107 = arith.index_cast %add3A_78 : i32 to index
        %get3A_108 = arith.index_cast %get3A_106 : i32 to index
        %get3A_109 = arith.constant 48 : index
        %get3A_110 = tpu.vector_load %arg7[%get3A_107, %get3A_108, %get3A_109] {strides = array<i32>} : memref<64x2x128xf32, #tpu.memory_space<vmem>>, vector<16xf32>,
        %reduce_max3A_111 = arith.constant true
        %reduce_max3A_112 = vector.broadcast %reduce_max3A_111 : i1 to vector<16xi1>
        %reduce_max3A_113 = tpu.scan <max>, %get3A_110 masked %reduce_max3A_112 : vector<16xf32>, vector<16xi1> -> vector<16xf32>
        %reduce_max3A_114 = vector.extract %reduce_max3A_113[15] : f32 from vector<16xf32>
        %max3A_115 = arith.maximumf %max3A_105, %reduce_max3A_114 : f32
        %get3A_116 = arith.constant 0 : i32
        %get3A_117 = arith.index_cast %add3A_78 : i32 to index
        %get3A_118 = arith.index_cast %get3A_116 : i32 to index
        %get3A_119 = arith.constant 0 : index
        %get3A_120 = tpu.vector_load %arg7[%get3A_117, %get3A_118, %get3A_119] {strides = array<i32>} : memref<64x2x128xf32, #tpu.memory_space<vmem>>, vector<16xf32>,
        %eq3A = vector.broadcast %max3A_115 : f32 to vector<16xf32>
        %eq3A_121 = arith.cmpf oeq, %get3A_120, %eq3A : vector<16xf32>
        %add3A_122 = arith.constant 0 : i32
        %add3A_123 = vector.broadcast %add3A_122 : i32 to vector<16xi32>
        %add3A_124 = arith.addi %iota3A, %add3A_123 : vector<16xi32>
        %jit3A = arith.constant 127 : i32
        %broadcast_in_dim3A = vector.broadcast %jit3A : i32 to vector<16xi32>
        %select_n3A = arith.select %eq3A_121, %add3A_124, %broadcast_in_dim3A : vector<16xi1>, vector<16xi32>
        %reduce_min3A = arith.constant true
        %reduce_min3A_125 = vector.broadcast %reduce_min3A : i1 to vector<16xi1>
        %reduce_min3A_126 = arith.constant -2147483648 : i32
        %reduce_min3A_127 = vector.broadcast %reduce_min3A_126 : i32 to vector<16xi32>
        %reduce_min3A_128 = arith.xori %select_n3A, %reduce_min3A_127 : vector<16xi32>
        %reduce_min3A_129 = tpu.scan <min>, %reduce_min3A_128 masked %reduce_min3A_125 : vector<16xi32>, vector<16xi1> -> vector<16xi32>
        %reduce_min3A_130 = arith.xori %reduce_min3A_129, %reduce_min3A_127 : vector<16xi32>
        %reduce_min3A_131 = vector.extract %reduce_min3A_130[15] : i32 from vector<16xi32>
        %min3A = arith.constant 64 : i32
        %min3A_132 = arith.minsi %min3A, %reduce_min3A_131 : i32
        %get3A_133 = arith.constant 0 : i32
        %get3A_134 = arith.index_cast %add3A_78 : i32 to index
        %get3A_135 = arith.index_cast %get3A_133 : i32 to index
        %get3A_136 = arith.constant 16 : index
        %get3A_137 = tpu.vector_load %arg7[%get3A_134, %get3A_135, %get3A_136] {strides = array<i32>} : memref<64x2x128xf32, #tpu.memory_space<vmem>>, vector<16xf32>,
        %eq3A_138 = vector.broadcast %max3A_115 : f32 to vector<16xf32>
        %eq3A_139 = arith.cmpf oeq, %get3A_137, %eq3A_138 : vector<16xf32>
        %add3A_140 = arith.constant 16 : i32
        %add3A_141 = vector.broadcast %add3A_140 : i32 to vector<16xi32>
        %add3A_142 = arith.addi %iota3A, %add3A_141 : vector<16xi32>
        %jit3A_143 = arith.constant 127 : i32
        %broadcast_in_dim3A_144 = vector.broadcast %jit3A_143 : i32 to vector<16xi32>
        %select_n3A_145 = arith.select %eq3A_139, %add3A_142, %broadcast_in_dim3A_144 : vector<16xi1>, vector<16xi32>
        %reduce_min3A_146 = arith.constant true
        %reduce_min3A_147 = vector.broadcast %reduce_min3A_146 : i1 to vector<16xi1>
        %reduce_min3A_148 = arith.constant -2147483648 : i32
        %reduce_min3A_149 = vector.broadcast %reduce_min3A_148 : i32 to vector<16xi32>
        %reduce_min3A_150 = arith.xori %select_n3A_145, %reduce_min3A_149 : vector<16xi32>
        %reduce_min3A_151 = tpu.scan <min>, %reduce_min3A_150 masked %reduce_min3A_147 : vector<16xi32>, vector<16xi1> -> vector<16xi32>
        %reduce_min3A_152 = arith.xori %reduce_min3A_151, %reduce_min3A_149 : vector<16xi32>
        %reduce_min3A_153 = vector.extract %reduce_min3A_152[15] : i32 from vector<16xi32>
        %min3A_154 = arith.minsi %min3A_132, %reduce_min3A_153 : i32
        %get3A_155 = arith.constant 0 : i32
        %get3A_156 = arith.index_cast %add3A_78 : i32 to index
        %get3A_157 = arith.index_cast %get3A_155 : i32 to index
        %get3A_158 = arith.constant 32 : index
        %get3A_159 = tpu.vector_load %arg7[%get3A_156, %get3A_157, %get3A_158] {strides = array<i32>} : memref<64x2x128xf32, #tpu.memory_space<vmem>>, vector<16xf32>,
        %eq3A_160 = vector.broadcast %max3A_115 : f32 to vector<16xf32>
        %eq3A_161 = arith.cmpf oeq, %get3A_159, %eq3A_160 : vector<16xf32>
        %add3A_162 = arith.constant 32 : i32
        %add3A_163 = vector.broadcast %add3A_162 : i32 to vector<16xi32>
        %add3A_164 = arith.addi %iota3A, %add3A_163 : vector<16xi32>
        %jit3A_165 = arith.constant 127 : i32
        %broadcast_in_dim3A_166 = vector.broadcast %jit3A_165 : i32 to vector<16xi32>
        %select_n3A_167 = arith.select %eq3A_161, %add3A_164, %broadcast_in_dim3A_166 : vector<16xi1>, vector<16xi32>
        %reduce_min3A_168 = arith.constant true
        %reduce_min3A_169 = vector.broadcast %reduce_min3A_168 : i1 to vector<16xi1>
        %reduce_min3A_170 = arith.constant -2147483648 : i32
        %reduce_min3A_171 = vector.broadcast %reduce_min3A_170 : i32 to vector<16xi32>
        %reduce_min3A_172 = arith.xori %select_n3A_167, %reduce_min3A_171 : vector<16xi32>
        %reduce_min3A_173 = tpu.scan <min>, %reduce_min3A_172 masked %reduce_min3A_169 : vector<16xi32>, vector<16xi1> -> vector<16xi32>
        %reduce_min3A_174 = arith.xori %reduce_min3A_173, %reduce_min3A_171 : vector<16xi32>
        %reduce_min3A_175 = vector.extract %reduce_min3A_174[15] : i32 from vector<16xi32>
        %min3A_176 = arith.minsi %min3A_154, %reduce_min3A_175 : i32
        %get3A_177 = arith.constant 0 : i32
        %get3A_178 = arith.index_cast %add3A_78 : i32 to index
        %get3A_179 = arith.index_cast %get3A_177 : i32 to index
        %get3A_180 = arith.constant 48 : index
        %get3A_181 = tpu.vector_load %arg7[%get3A_178, %get3A_179, %get3A_180] {strides = array<i32>} : memref<64x2x128xf32, #tpu.memory_space<vmem>>, vector<16xf32>,
        %eq3A_182 = vector.broadcast %max3A_115 : f32 to vector<16xf32>
        %eq3A_183 = arith.cmpf oeq, %get3A_181, %eq3A_182 : vector<16xf32>
        %add3A_184 = arith.constant 48 : i32
        %add3A_185 = vector.broadcast %add3A_184 : i32 to vector<16xi32>
        %add3A_186 = arith.addi %iota3A, %add3A_185 : vector<16xi32>
        %jit3A_187 = arith.constant 127 : i32
        %broadcast_in_dim3A_188 = vector.broadcast %jit3A_187 : i32 to vector<16xi32>
        %select_n3A_189 = arith.select %eq3A_183, %add3A_186, %broadcast_in_dim3A_188 : vector<16xi1>, vector<16xi32>
        %reduce_min3A_190 = arith.constant true
        %reduce_min3A_191 = vector.broadcast %reduce_min3A_190 : i1 to vector<16xi1>
        %reduce_min3A_192 = arith.constant -2147483648 : i32
        %reduce_min3A_193 = vector.broadcast %reduce_min3A_192 : i32 to vector<16xi32>
        %reduce_min3A_194 = arith.xori %select_n3A_189, %reduce_min3A_193 : vector<16xi32>
        %reduce_min3A_195 = tpu.scan <min>, %reduce_min3A_194 masked %reduce_min3A_191 : vector<16xi32>, vector<16xi1> -> vector<16xi32>
        %reduce_min3A_196 = arith.xori %reduce_min3A_195, %reduce_min3A_193 : vector<16xi32>
        %reduce_min3A_197 = vector.extract %reduce_min3A_196[15] : i32 from vector<16xi32>
        %min3A_198 = arith.minsi %min3A_176, %reduce_min3A_197 : i32
        %sub3A = arith.constant 63 : i32
        %sub3A_199 = arith.subi %sub3A, %min3A_198 : i32
        %get3A_200 = arith.constant 1 : i32
        %get3A_201 = arith.index_cast %add3A_78 : i32 to index
        %get3A_202 = arith.index_cast %get3A_200 : i32 to index
        %get3A_203 = arith.constant 0 : index
        %get3A_204 = tpu.vector_load %arg7[%get3A_201, %get3A_202, %get3A_203] {strides = array<i32>} : memref<64x2x128xf32, #tpu.memory_space<vmem>>, vector<16xf32>,
        %reduce_max3A_205 = arith.constant true
        %reduce_max3A_206 = vector.broadcast %reduce_max3A_205 : i1 to vector<16xi1>
        %reduce_max3A_207 = tpu.scan <max>, %get3A_204 masked %reduce_max3A_206 : vector<16xf32>, vector<16xi1> -> vector<16xf32>
        %reduce_max3A_208 = vector.extract %reduce_max3A_207[15] : f32 from vector<16xf32>
        %get3A_209 = arith.constant 1 : i32
        %get3A_210 = arith.index_cast %add3A_78 : i32 to index
        %get3A_211 = arith.index_cast %get3A_209 : i32 to index
        %get3A_212 = arith.constant 16 : index
        %get3A_213 = tpu.vector_load %arg7[%get3A_210, %get3A_211, %get3A_212] {strides = array<i32>} : memref<64x2x128xf32, #tpu.memory_space<vmem>>, vector<16xf32>,
        %reduce_max3A_214 = arith.constant true
        %reduce_max3A_215 = vector.broadcast %reduce_max3A_214 : i1 to vector<16xi1>
        %reduce_max3A_216 = tpu.scan <max>, %get3A_213 masked %reduce_max3A_215 : vector<16xf32>, vector<16xi1> -> vector<16xf32>
        %reduce_max3A_217 = vector.extract %reduce_max3A_216[15] : f32 from vector<16xf32>
        %max3A_218 = arith.maximumf %reduce_max3A_208, %reduce_max3A_217 : f32
        %get3A_219 = arith.constant 1 : i32
        %get3A_220 = arith.index_cast %add3A_78 : i32 to index
        %get3A_221 = arith.index_cast %get3A_219 : i32 to index
        %get3A_222 = arith.constant 32 : index
        %get3A_223 = tpu.vector_load %arg7[%get3A_220, %get3A_221, %get3A_222] {strides = array<i32>} : memref<64x2x128xf32, #tpu.memory_space<vmem>>, vector<16xf32>,
        %reduce_max3A_224 = arith.constant true
        %reduce_max3A_225 = vector.broadcast %reduce_max3A_224 : i1 to vector<16xi1>
        %reduce_max3A_226 = tpu.scan <max>, %get3A_223 masked %reduce_max3A_225 : vector<16xf32>, vector<16xi1> -> vector<16xf32>
        %reduce_max3A_227 = vector.extract %reduce_max3A_226[15] : f32 from vector<16xf32>
        %max3A_228 = arith.maximumf %max3A_218, %reduce_max3A_227 : f32
        %get3A_229 = arith.constant 1 : i32
        %get3A_230 = arith.index_cast %add3A_78 : i32 to index
        %get3A_231 = arith.index_cast %get3A_229 : i32 to index
        %get3A_232 = arith.constant 48 : index
        %get3A_233 = tpu.vector_load %arg7[%get3A_230, %get3A_231, %get3A_232] {strides = array<i32>} : memref<64x2x128xf32, #tpu.memory_space<vmem>>, vector<16xf32>,
        %reduce_max3A_234 = arith.constant true
        %reduce_max3A_235 = vector.broadcast %reduce_max3A_234 : i1 to vector<16xi1>
        %reduce_max3A_236 = tpu.scan <max>, %get3A_233 masked %reduce_max3A_235 : vector<16xf32>, vector<16xi1> -> vector<16xf32>
        %reduce_max3A_237 = vector.extract %reduce_max3A_236[15] : f32 from vector<16xf32>
        %max3A_238 = arith.maximumf %max3A_228, %reduce_max3A_237 : f32
        %get3A_239 = arith.constant 1 : i32
        %get3A_240 = arith.index_cast %add3A_78 : i32 to index
        %get3A_241 = arith.index_cast %get3A_239 : i32 to index
        %get3A_242 = arith.constant 0 : index
        %get3A_243 = tpu.vector_load %arg7[%get3A_240, %get3A_241, %get3A_242] {strides = array<i32>} : memref<64x2x128xf32, #tpu.memory_space<vmem>>, vector<16xf32>,
        %eq3A_244 = vector.broadcast %max3A_238 : f32 to vector<16xf32>
        %eq3A_245 = arith.cmpf oeq, %get3A_243, %eq3A_244 : vector<16xf32>
        %add3A_246 = arith.constant 0 : i32
        %add3A_247 = vector.broadcast %add3A_246 : i32 to vector<16xi32>
        %add3A_248 = arith.addi %iota3A, %add3A_247 : vector<16xi32>
        %jit3A_249 = arith.constant 127 : i32
        %broadcast_in_dim3A_250 = vector.broadcast %jit3A_249 : i32 to vector<16xi32>
        %select_n3A_251 = arith.select %eq3A_245, %add3A_248, %broadcast_in_dim3A_250 : vector<16xi1>, vector<16xi32>
        %reduce_min3A_252 = arith.constant true
        %reduce_min3A_253 = vector.broadcast %reduce_min3A_252 : i1 to vector<16xi1>
        %reduce_min3A_254 = arith.constant -2147483648 : i32
        %reduce_min3A_255 = vector.broadcast %reduce_min3A_254 : i32 to vector<16xi32>
        %reduce_min3A_256 = arith.xori %select_n3A_251, %reduce_min3A_255 : vector<16xi32>
        %reduce_min3A_257 = tpu.scan <min>, %reduce_min3A_256 masked %reduce_min3A_253 : vector<16xi32>, vector<16xi1> -> vector<16xi32>
        %reduce_min3A_258 = arith.xori %reduce_min3A_257, %reduce_min3A_255 : vector<16xi32>
        %reduce_min3A_259 = vector.extract %reduce_min3A_258[15] : i32 from vector<16xi32>
        %min3A_260 = arith.constant 64 : i32
        %min3A_261 = arith.minsi %min3A_260, %reduce_min3A_259 : i32
        %get3A_262 = arith.constant 1 : i32
        %get3A_263 = arith.index_cast %add3A_78 : i32 to index
        %get3A_264 = arith.index_cast %get3A_262 : i32 to index
        %get3A_265 = arith.constant 16 : index
        %get3A_266 = tpu.vector_load %arg7[%get3A_263, %get3A_264, %get3A_265] {strides = array<i32>} : memref<64x2x128xf32, #tpu.memory_space<vmem>>, vector<16xf32>,
        %eq3A_267 = vector.broadcast %max3A_238 : f32 to vector<16xf32>
        %eq3A_268 = arith.cmpf oeq, %get3A_266, %eq3A_267 : vector<16xf32>
        %add3A_269 = arith.constant 16 : i32
        %add3A_270 = vector.broadcast %add3A_269 : i32 to vector<16xi32>
        %add3A_271 = arith.addi %iota3A, %add3A_270 : vector<16xi32>
        %jit3A_272 = arith.constant 127 : i32
        %broadcast_in_dim3A_273 = vector.broadcast %jit3A_272 : i32 to vector<16xi32>
        %select_n3A_274 = arith.select %eq3A_268, %add3A_271, %broadcast_in_dim3A_273 : vector<16xi1>, vector<16xi32>
        %reduce_min3A_275 = arith.constant true
        %reduce_min3A_276 = vector.broadcast %reduce_min3A_275 : i1 to vector<16xi1>
        %reduce_min3A_277 = arith.constant -2147483648 : i32
        %reduce_min3A_278 = vector.broadcast %reduce_min3A_277 : i32 to vector<16xi32>
        %reduce_min3A_279 = arith.xori %select_n3A_274, %reduce_min3A_278 : vector<16xi32>
        %reduce_min3A_280 = tpu.scan <min>, %reduce_min3A_279 masked %reduce_min3A_276 : vector<16xi32>, vector<16xi1> -> vector<16xi32>
        %reduce_min3A_281 = arith.xori %reduce_min3A_280, %reduce_min3A_278 : vector<16xi32>
        %reduce_min3A_282 = vector.extract %reduce_min3A_281[15] : i32 from vector<16xi32>
        %min3A_283 = arith.minsi %min3A_261, %reduce_min3A_282 : i32
        %get3A_284 = arith.constant 1 : i32
        %get3A_285 = arith.index_cast %add3A_78 : i32 to index
        %get3A_286 = arith.index_cast %get3A_284 : i32 to index
        %get3A_287 = arith.constant 32 : index
        %get3A_288 = tpu.vector_load %arg7[%get3A_285, %get3A_286, %get3A_287] {strides = array<i32>} : memref<64x2x128xf32, #tpu.memory_space<vmem>>, vector<16xf32>,
        %eq3A_289 = vector.broadcast %max3A_238 : f32 to vector<16xf32>
        %eq3A_290 = arith.cmpf oeq, %get3A_288, %eq3A_289 : vector<16xf32>
        %add3A_291 = arith.constant 32 : i32
        %add3A_292 = vector.broadcast %add3A_291 : i32 to vector<16xi32>
        %add3A_293 = arith.addi %iota3A, %add3A_292 : vector<16xi32>
        %jit3A_294 = arith.constant 127 : i32
        %broadcast_in_dim3A_295 = vector.broadcast %jit3A_294 : i32 to vector<16xi32>
        %select_n3A_296 = arith.select %eq3A_290, %add3A_293, %broadcast_in_dim3A_295 : vector<16xi1>, vector<16xi32>
        %reduce_min3A_297 = arith.constant true
        %reduce_min3A_298 = vector.broadcast %reduce_min3A_297 : i1 to vector<16xi1>
        %reduce_min3A_299 = arith.constant -2147483648 : i32
        %reduce_min3A_300 = vector.broadcast %reduce_min3A_299 : i32 to vector<16xi32>
        %reduce_min3A_301 = arith.xori %select_n3A_296, %reduce_min3A_300 : vector<16xi32>
        %reduce_min3A_302 = tpu.scan <min>, %reduce_min3A_301 masked %reduce_min3A_298 : vector<16xi32>, vector<16xi1> -> vector<16xi32>
        %reduce_min3A_303 = arith.xori %reduce_min3A_302, %reduce_min3A_300 : vector<16xi32>
        %reduce_min3A_304 = vector.extract %reduce_min3A_303[15] : i32 from vector<16xi32>
        %min3A_305 = arith.minsi %min3A_283, %reduce_min3A_304 : i32
        %get3A_306 = arith.constant 1 : i32
        %get3A_307 = arith.index_cast %add3A_78 : i32 to index
        %get3A_308 = arith.index_cast %get3A_306 : i32 to index
        %get3A_309 = arith.constant 48 : index
        %get3A_310 = tpu.vector_load %arg7[%get3A_307, %get3A_308, %get3A_309] {strides = array<i32>} : memref<64x2x128xf32, #tpu.memory_space<vmem>>, vector<16xf32>,
        %eq3A_311 = vector.broadcast %max3A_238 : f32 to vector<16xf32>
        %eq3A_312 = arith.cmpf oeq, %get3A_310, %eq3A_311 : vector<16xf32>
        %add3A_313 = arith.constant 48 : i32
        %add3A_314 = vector.broadcast %add3A_313 : i32 to vector<16xi32>
        %add3A_315 = arith.addi %iota3A, %add3A_314 : vector<16xi32>
        %jit3A_316 = arith.constant 127 : i32
        %broadcast_in_dim3A_317 = vector.broadcast %jit3A_316 : i32 to vector<16xi32>
        %select_n3A_318 = arith.select %eq3A_312, %add3A_315, %broadcast_in_dim3A_317 : vector<16xi1>, vector<16xi32>
        %reduce_min3A_319 = arith.constant true
        %reduce_min3A_320 = vector.broadcast %reduce_min3A_319 : i1 to vector<16xi1>
        %reduce_min3A_321 = arith.constant -2147483648 : i32
        %reduce_min3A_322 = vector.broadcast %reduce_min3A_321 : i32 to vector<16xi32>
        %reduce_min3A_323 = arith.xori %select_n3A_318, %reduce_min3A_322 : vector<16xi32>
        %reduce_min3A_324 = tpu.scan <min>, %reduce_min3A_323 masked %reduce_min3A_320 : vector<16xi32>, vector<16xi1> -> vector<16xi32>
        %reduce_min3A_325 = arith.xori %reduce_min3A_324, %reduce_min3A_322 : vector<16xi32>
        %reduce_min3A_326 = vector.extract %reduce_min3A_325[15] : i32 from vector<16xi32>
        %min3A_327 = arith.minsi %min3A_305, %reduce_min3A_326 : i32
        %sub3A_328 = arith.constant 63 : i32
        %sub3A_329 = arith.subi %sub3A_328, %min3A_327 : i32
        %broadcast_in_dim3A_330 = vector.broadcast %add3A_78 : i32 to vector<16xi32>
        %broadcast_in_dim3A_331 = arith.constant 0 : i32
        %broadcast_in_dim3A_332 = vector.broadcast %broadcast_in_dim3A_331 : i32 to vector<16xi32>
        %broadcast_in_dim3A_333 = arith.constant 1 : i32
        %broadcast_in_dim3A_334 = vector.broadcast %broadcast_in_dim3A_333 : i32 to vector<16xi32>
        %get3A_335 = arith.constant 0 : i32
        %get3A_336 = arith.index_cast %add3A_78 : i32 to index
        %get3A_337 = arith.index_cast %get3A_335 : i32 to index
        %get3A_338 = arith.constant 0 : index
        %get3A_339 = tpu.vector_load %arg8[%get3A_336, %get3A_337, %get3A_338] {strides = array<i32>} : memref<64x2x128xi32, #tpu.memory_space<vmem>>, vector<16xi32>,
        %min3A_340 = vector.broadcast %sub3A_199 : i32 to vector<16xi32>
        %min3A_341 = arith.minsi %get3A_339, %min3A_340 : vector<16xi32>
        %and3A = arith.constant 63 : i32
        %and3A_342 = vector.broadcast %and3A : i32 to vector<16xi32>
        %and3A_343 = arith.andi %min3A_341, %and3A_342 : vector<16xi32>
        %get3A_344 = arith.constant 1 : i32
        %get3A_345 = arith.index_cast %add3A_78 : i32 to index
        %get3A_346 = arith.index_cast %get3A_344 : i32 to index
        %get3A_347 = arith.constant 0 : index
        %get3A_348 = tpu.vector_load %arg8[%get3A_345, %get3A_346, %get3A_347] {strides = array<i32>} : memref<64x2x128xi32, #tpu.memory_space<vmem>>, vector<16xi32>,
        %min3A_349 = vector.broadcast %sub3A_329 : i32 to vector<16xi32>
        %min3A_350 = arith.minsi %get3A_348, %min3A_349 : vector<16xi32>
        %and3A_351 = arith.constant 63 : i32
        %and3A_352 = vector.broadcast %and3A_351 : i32 to vector<16xi32>
        %and3A_353 = arith.andi %min3A_350, %and3A_352 : vector<16xi32>
        %sub3A_354 = arith.constant 64 : i32
        %sub3A_355 = vector.broadcast %sub3A_354 : i32 to vector<16xi32>
        %sub3A_356 = arith.subi %sub3A_355, %and3A_343 : vector<16xi32>
        %sub3A_357 = arith.constant 64 : i32
        %sub3A_358 = vector.broadcast %sub3A_357 : i32 to vector<16xi32>
        %sub3A_359 = arith.subi %sub3A_358, %and3A_353 : vector<16xi32>
        %get3A_360 = arith.constant 0 : i32
        %get3A_361 = arith.index_cast %add3A_78 : i32 to index
        %get3A_362 = arith.index_cast %get3A_360 : i32 to index
        %get3A_363 = arith.constant 16 : index
        %get3A_364 = tpu.vector_load %arg8[%get3A_361, %get3A_362, %get3A_363] {strides = array<i32>} : memref<64x2x128xi32, #tpu.memory_space<vmem>>, vector<16xi32>,
        %min3A_365 = vector.broadcast %sub3A_199 : i32 to vector<16xi32>
        %min3A_366 = arith.minsi %get3A_364, %min3A_365 : vector<16xi32>
        %and3A_367 = arith.constant 63 : i32
        %and3A_368 = vector.broadcast %and3A_367 : i32 to vector<16xi32>
        %and3A_369 = arith.andi %min3A_366, %and3A_368 : vector<16xi32>
        %get3A_370 = arith.constant 1 : i32
        %get3A_371 = arith.index_cast %add3A_78 : i32 to index
        %get3A_372 = arith.index_cast %get3A_370 : i32 to index
        %get3A_373 = arith.constant 16 : index
        %get3A_374 = tpu.vector_load %arg8[%get3A_371, %get3A_372, %get3A_373] {strides = array<i32>} : memref<64x2x128xi32, #tpu.memory_space<vmem>>, vector<16xi32>,
        %min3A_375 = vector.broadcast %sub3A_329 : i32 to vector<16xi32>
        %min3A_376 = arith.minsi %get3A_374, %min3A_375 : vector<16xi32>
        %and3A_377 = arith.constant 63 : i32
        %and3A_378 = vector.broadcast %and3A_377 : i32 to vector<16xi32>
        %and3A_379 = arith.andi %min3A_376, %and3A_378 : vector<16xi32>
        %sub3A_380 = arith.constant 64 : i32
        %sub3A_381 = vector.broadcast %sub3A_380 : i32 to vector<16xi32>
        %sub3A_382 = arith.subi %sub3A_381, %and3A_369 : vector<16xi32>
        %sub3A_383 = arith.constant 64 : i32
        %sub3A_384 = vector.broadcast %sub3A_383 : i32 to vector<16xi32>
        %sub3A_385 = arith.subi %sub3A_384, %and3A_379 : vector<16xi32>
        %get3A_386 = arith.constant 0 : i32
        %get3A_387 = arith.index_cast %add3A_78 : i32 to index
        %get3A_388 = arith.index_cast %get3A_386 : i32 to index
        %get3A_389 = arith.constant 32 : index
        %get3A_390 = tpu.vector_load %arg8[%get3A_387, %get3A_388, %get3A_389] {strides = array<i32>} : memref<64x2x128xi32, #tpu.memory_space<vmem>>, vector<16xi32>,
        %min3A_391 = vector.broadcast %sub3A_199 : i32 to vector<16xi32>
        %min3A_392 = arith.minsi %get3A_390, %min3A_391 : vector<16xi32>
        %and3A_393 = arith.constant 63 : i32
        %and3A_394 = vector.broadcast %and3A_393 : i32 to vector<16xi32>
        %and3A_395 = arith.andi %min3A_392, %and3A_394 : vector<16xi32>
        %get3A_396 = arith.constant 1 : i32
        %get3A_397 = arith.index_cast %add3A_78 : i32 to index
        %get3A_398 = arith.index_cast %get3A_396 : i32 to index
        %get3A_399 = arith.constant 32 : index
        %get3A_400 = tpu.vector_load %arg8[%get3A_397, %get3A_398, %get3A_399] {strides = array<i32>} : memref<64x2x128xi32, #tpu.memory_space<vmem>>, vector<16xi32>,
        %min3A_401 = vector.broadcast %sub3A_329 : i32 to vector<16xi32>
        %min3A_402 = arith.minsi %get3A_400, %min3A_401 : vector<16xi32>
        %and3A_403 = arith.constant 63 : i32
        %and3A_404 = vector.broadcast %and3A_403 : i32 to vector<16xi32>
        %and3A_405 = arith.andi %min3A_402, %and3A_404 : vector<16xi32>
        %sub3A_406 = arith.constant 64 : i32
        %sub3A_407 = vector.broadcast %sub3A_406 : i32 to vector<16xi32>
        %sub3A_408 = arith.subi %sub3A_407, %and3A_395 : vector<16xi32>
        %sub3A_409 = arith.constant 64 : i32
        %sub3A_410 = vector.broadcast %sub3A_409 : i32 to vector<16xi32>
        %sub3A_411 = arith.subi %sub3A_410, %and3A_405 : vector<16xi32>
        %get3A_412 = arith.constant 0 : i32
        %get3A_413 = arith.index_cast %add3A_78 : i32 to index
        %get3A_414 = arith.index_cast %get3A_412 : i32 to index
        %get3A_415 = arith.constant 48 : index
        %get3A_416 = tpu.vector_load %arg8[%get3A_413, %get3A_414, %get3A_415] {strides = array<i32>} : memref<64x2x128xi32, #tpu.memory_space<vmem>>, vector<16xi32>,
        %min3A_417 = vector.broadcast %sub3A_199 : i32 to vector<16xi32>
        %min3A_418 = arith.minsi %get3A_416, %min3A_417 : vector<16xi32>
        %and3A_419 = arith.constant 63 : i32
        %and3A_420 = vector.broadcast %and3A_419 : i32 to vector<16xi32>
        %and3A_421 = arith.andi %min3A_418, %and3A_420 : vector<16xi32>
        %get3A_422 = arith.constant 1 : i32
        %get3A_423 = arith.index_cast %add3A_78 : i32 to index
        %get3A_424 = arith.index_cast %get3A_422 : i32 to index
        %get3A_425 = arith.constant 48 : index
        %get3A_426 = tpu.vector_load %arg8[%get3A_423, %get3A_424, %get3A_425] {strides = array<i32>} : memref<64x2x128xi32, #tpu.memory_space<vmem>>, vector<16xi32>,
        %min3A_427 = vector.broadcast %sub3A_329 : i32 to vector<16xi32>
        %min3A_428 = arith.minsi %get3A_426, %min3A_427 : vector<16xi32>
        %and3A_429 = arith.constant 63 : i32
        %and3A_430 = vector.broadcast %and3A_429 : i32 to vector<16xi32>
        %and3A_431 = arith.andi %min3A_428, %and3A_430 : vector<16xi32>
        %sub3A_432 = arith.constant 64 : i32
        %sub3A_433 = vector.broadcast %sub3A_432 : i32 to vector<16xi32>
        %sub3A_434 = arith.subi %sub3A_433, %and3A_421 : vector<16xi32>
        %sub3A_435 = arith.constant 64 : i32
        %sub3A_436 = vector.broadcast %sub3A_435 : i32 to vector<16xi32>
        %sub3A_437 = arith.subi %sub3A_436, %and3A_431 : vector<16xi32>
        %get3A_438 = arith.constant 0 : i32
        %get3A_439 = arith.index_cast %add3A_78 : i32 to index
        %get3A_440 = arith.index_cast %get3A_438 : i32 to index
        %get3A_441 = arith.constant 64 : index
        %get3A_442 = tpu.vector_load %arg8[%get3A_439, %get3A_440, %get3A_441] {strides = array<i32>} : memref<64x2x128xi32, #tpu.memory_space<vmem>>, vector<16xi32>,
        %min3A_443 = vector.broadcast %sub3A_199 : i32 to vector<16xi32>
        %min3A_444 = arith.minsi %get3A_442, %min3A_443 : vector<16xi32>
        %and3A_445 = arith.constant 63 : i32
        %and3A_446 = vector.broadcast %and3A_445 : i32 to vector<16xi32>
        %and3A_447 = arith.andi %min3A_444, %and3A_446 : vector<16xi32>
        %get3A_448 = arith.constant 1 : i32
        %get3A_449 = arith.index_cast %add3A_78 : i32 to index
        %get3A_450 = arith.index_cast %get3A_448 : i32 to index
        %get3A_451 = arith.constant 64 : index
        %get3A_452 = tpu.vector_load %arg8[%get3A_449, %get3A_450, %get3A_451] {strides = array<i32>} : memref<64x2x128xi32, #tpu.memory_space<vmem>>, vector<16xi32>,
        %min3A_453 = vector.broadcast %sub3A_329 : i32 to vector<16xi32>
        %min3A_454 = arith.minsi %get3A_452, %min3A_453 : vector<16xi32>
        %and3A_455 = arith.constant 63 : i32
        %and3A_456 = vector.broadcast %and3A_455 : i32 to vector<16xi32>
        %and3A_457 = arith.andi %min3A_454, %and3A_456 : vector<16xi32>
        %sub3A_458 = arith.constant 64 : i32
        %sub3A_459 = vector.broadcast %sub3A_458 : i32 to vector<16xi32>
        %sub3A_460 = arith.subi %sub3A_459, %and3A_447 : vector<16xi32>
        %sub3A_461 = arith.constant 64 : i32
        %sub3A_462 = vector.broadcast %sub3A_461 : i32 to vector<16xi32>
        %sub3A_463 = arith.subi %sub3A_462, %and3A_457 : vector<16xi32>
        %get3A_464 = arith.constant 0 : i32
        %get3A_465 = arith.index_cast %add3A_78 : i32 to index
        %get3A_466 = arith.index_cast %get3A_464 : i32 to index
        %get3A_467 = arith.constant 80 : index
        %get3A_468 = tpu.vector_load %arg8[%get3A_465, %get3A_466, %get3A_467] {strides = array<i32>} : memref<64x2x128xi32, #tpu.memory_space<vmem>>, vector<16xi32>,
        %min3A_469 = vector.broadcast %sub3A_199 : i32 to vector<16xi32>
        %min3A_470 = arith.minsi %get3A_468, %min3A_469 : vector<16xi32>
        %and3A_471 = arith.constant 63 : i32
        %and3A_472 = vector.broadcast %and3A_471 : i32 to vector<16xi32>
        %and3A_473 = arith.andi %min3A_470, %and3A_472 : vector<16xi32>
        %get3A_474 = arith.constant 1 : i32
        %get3A_475 = arith.index_cast %add3A_78 : i32 to index
        %get3A_476 = arith.index_cast %get3A_474 : i32 to index
        %get3A_477 = arith.constant 80 : index
        %get3A_478 = tpu.vector_load %arg8[%get3A_475, %get3A_476, %get3A_477] {strides = array<i32>} : memref<64x2x128xi32, #tpu.memory_space<vmem>>, vector<16xi32>,
        %min3A_479 = vector.broadcast %sub3A_329 : i32 to vector<16xi32>
        %min3A_480 = arith.minsi %get3A_478, %min3A_479 : vector<16xi32>
        %and3A_481 = arith.constant 63 : i32
        %and3A_482 = vector.broadcast %and3A_481 : i32 to vector<16xi32>
        %and3A_483 = arith.andi %min3A_480, %and3A_482 : vector<16xi32>
        %sub3A_484 = arith.constant 64 : i32
        %sub3A_485 = vector.broadcast %sub3A_484 : i32 to vector<16xi32>
        %sub3A_486 = arith.subi %sub3A_485, %and3A_473 : vector<16xi32>
        %sub3A_487 = arith.constant 64 : i32
        %sub3A_488 = vector.broadcast %sub3A_487 : i32 to vector<16xi32>
        %sub3A_489 = arith.subi %sub3A_488, %and3A_483 : vector<16xi32>
        %get3A_490 = arith.constant 0 : i32
        %get3A_491 = arith.index_cast %add3A_78 : i32 to index
        %get3A_492 = arith.index_cast %get3A_490 : i32 to index
        %get3A_493 = arith.constant 96 : index
        %get3A_494 = tpu.vector_load %arg8[%get3A_491, %get3A_492, %get3A_493] {strides = array<i32>} : memref<64x2x128xi32, #tpu.memory_space<vmem>>, vector<16xi32>,
        %min3A_495 = vector.broadcast %sub3A_199 : i32 to vector<16xi32>
        %min3A_496 = arith.minsi %get3A_494, %min3A_495 : vector<16xi32>
        %and3A_497 = arith.constant 63 : i32
        %and3A_498 = vector.broadcast %and3A_497 : i32 to vector<16xi32>
        %and3A_499 = arith.andi %min3A_496, %and3A_498 : vector<16xi32>
        %get3A_500 = arith.constant 1 : i32
        %get3A_501 = arith.index_cast %add3A_78 : i32 to index
        %get3A_502 = arith.index_cast %get3A_500 : i32 to index
        %get3A_503 = arith.constant 96 : index
        %get3A_504 = tpu.vector_load %arg8[%get3A_501, %get3A_502, %get3A_503] {strides = array<i32>} : memref<64x2x128xi32, #tpu.memory_space<vmem>>, vector<16xi32>,
        %min3A_505 = vector.broadcast %sub3A_329 : i32 to vector<16xi32>
        %min3A_506 = arith.minsi %get3A_504, %min3A_505 : vector<16xi32>
        %and3A_507 = arith.constant 63 : i32
        %and3A_508 = vector.broadcast %and3A_507 : i32 to vector<16xi32>
        %and3A_509 = arith.andi %min3A_506, %and3A_508 : vector<16xi32>
        %sub3A_510 = arith.constant 64 : i32
        %sub3A_511 = vector.broadcast %sub3A_510 : i32 to vector<16xi32>
        %sub3A_512 = arith.subi %sub3A_511, %and3A_499 : vector<16xi32>
        %sub3A_513 = arith.constant 64 : i32
        %sub3A_514 = vector.broadcast %sub3A_513 : i32 to vector<16xi32>
        %sub3A_515 = arith.subi %sub3A_514, %and3A_509 : vector<16xi32>
        %get3A_516 = arith.constant 0 : i32
        %get3A_517 = arith.index_cast %add3A_78 : i32 to index
        %get3A_518 = arith.index_cast %get3A_516 : i32 to index
        %get3A_519 = arith.constant 112 : index
        %get3A_520 = tpu.vector_load %arg8[%get3A_517, %get3A_518, %get3A_519] {strides = array<i32>} : memref<64x2x128xi32, #tpu.memory_space<vmem>>, vector<16xi32>,
        %min3A_521 = vector.broadcast %sub3A_199 : i32 to vector<16xi32>
        %min3A_522 = arith.minsi %get3A_520, %min3A_521 : vector<16xi32>
        %and3A_523 = arith.constant 63 : i32
        %and3A_524 = vector.broadcast %and3A_523 : i32 to vector<16xi32>
        %and3A_525 = arith.andi %min3A_522, %and3A_524 : vector<16xi32>
        %get3A_526 = arith.constant 1 : i32
        %get3A_527 = arith.index_cast %add3A_78 : i32 to index
        %get3A_528 = arith.index_cast %get3A_526 : i32 to index
        %get3A_529 = arith.constant 112 : index
        %get3A_530 = tpu.vector_load %arg8[%get3A_527, %get3A_528, %get3A_529] {strides = array<i32>} : memref<64x2x128xi32, #tpu.memory_space<vmem>>, vector<16xi32>,
        %min3A_531 = vector.broadcast %sub3A_329 : i32 to vector<16xi32>
        %min3A_532 = arith.minsi %get3A_530, %min3A_531 : vector<16xi32>
        %and3A_533 = arith.constant 63 : i32
        %and3A_534 = vector.broadcast %and3A_533 : i32 to vector<16xi32>
        %and3A_535 = arith.andi %min3A_532, %and3A_534 : vector<16xi32>
        %sub3A_536 = arith.constant 64 : i32
        %sub3A_537 = vector.broadcast %sub3A_536 : i32 to vector<16xi32>
        %sub3A_538 = arith.subi %sub3A_537, %and3A_525 : vector<16xi32>
        %sub3A_539 = arith.constant 64 : i32
        %sub3A_540 = vector.broadcast %sub3A_539 : i32 to vector<16xi32>
        %sub3A_541 = arith.subi %sub3A_540, %and3A_535 : vector<16xi32>
        %parallel_loop3A = arith.constant 0 : i32
        %parallel_loop3A_542 = arith.constant 64 : i32
        %parallel_loop3A_543 = arith.constant 1 : i32
        scf.for %parallel_loop3A_544 = %parallel_loop3A to %parallel_loop3A_542 step %parallel_loop3A_543  : i32 {
          %parallel_loop3A_545 = vector.broadcast %parallel_loop3A_544 : i32 to vector<16xi32>
          %parallel_loop3A_546 = arith.addi %sub3A_356, %parallel_loop3A_545 : vector<16xi32>
          %parallel_loop3A_547 = tpu.vector_load_idx %arg7[%broadcast_in_dim3A_330, %broadcast_in_dim3A_332, %parallel_loop3A_546] : memref<64x2x128xf32, #tpu.memory_space<vmem>>[vector<16xi32>, vector<16xi32>, vector<16xi32>], vector<16xf32>,
          %parallel_loop3A_548 = vector.broadcast %parallel_loop3A_544 : i32 to vector<16xi32>
          %parallel_loop3A_549 = arith.addi %sub3A_359, %parallel_loop3A_548 : vector<16xi32>
          %parallel_loop3A_550 = tpu.vector_load_idx %arg7[%broadcast_in_dim3A_330, %broadcast_in_dim3A_334, %parallel_loop3A_549] : memref<64x2x128xf32, #tpu.memory_space<vmem>>[vector<16xi32>, vector<16xi32>, vector<16xi32>], vector<16xf32>,
          %parallel_loop3A_551 = arith.addf %parallel_loop3A_547, %parallel_loop3A_550 : vector<16xf32>
          %parallel_loop3A_552 = arith.index_cast %parallel_loop3A_544 : i32 to index
          %parallel_loop3A_553 = arith.index_cast %add3A_75 : i32 to index
          %parallel_loop3A_554 = arith.constant 0 : index
          %parallel_loop3A_555 = tpu.vector_load %arg10[%parallel_loop3A_552, %parallel_loop3A_553, %parallel_loop3A_554] {strides = array<i32>} : memref<64x4x128xf32, #tpu.memory_space<vmem>>, vector<16xf32>,
          tpu.vector_store %arg10[%parallel_loop3A_552, %parallel_loop3A_553, %parallel_loop3A_554], %parallel_loop3A_551 {strides = array<i32>} : memref<64x4x128xf32, #tpu.memory_space<vmem>>, vector<16xf32>,
          %parallel_loop3A_556 = vector.broadcast %parallel_loop3A_544 : i32 to vector<16xi32>
          %parallel_loop3A_557 = arith.addi %sub3A_382, %parallel_loop3A_556 : vector<16xi32>
          %parallel_loop3A_558 = tpu.vector_load_idx %arg7[%broadcast_in_dim3A_330, %broadcast_in_dim3A_332, %parallel_loop3A_557] : memref<64x2x128xf32, #tpu.memory_space<vmem>>[vector<16xi32>, vector<16xi32>, vector<16xi32>], vector<16xf32>,
          %parallel_loop3A_559 = vector.broadcast %parallel_loop3A_544 : i32 to vector<16xi32>
          %parallel_loop3A_560 = arith.addi %sub3A_385, %parallel_loop3A_559 : vector<16xi32>
          %parallel_loop3A_561 = tpu.vector_load_idx %arg7[%broadcast_in_dim3A_330, %broadcast_in_dim3A_334, %parallel_loop3A_560] : memref<64x2x128xf32, #tpu.memory_space<vmem>>[vector<16xi32>, vector<16xi32>, vector<16xi32>], vector<16xf32>,
          %parallel_loop3A_562 = arith.addf %parallel_loop3A_558, %parallel_loop3A_561 : vector<16xf32>
          %parallel_loop3A_563 = arith.index_cast %parallel_loop3A_544 : i32 to index
          %parallel_loop3A_564 = arith.index_cast %add3A_75 : i32 to index
          %parallel_loop3A_565 = arith.constant 16 : index
          %parallel_loop3A_566 = tpu.vector_load %arg10[%parallel_loop3A_563, %parallel_loop3A_564, %parallel_loop3A_565] {strides = array<i32>} : memref<64x4x128xf32, #tpu.memory_space<vmem>>, vector<16xf32>,
          tpu.vector_store %arg10[%parallel_loop3A_563, %parallel_loop3A_564, %parallel_loop3A_565], %parallel_loop3A_562 {strides = array<i32>} : memref<64x4x128xf32, #tpu.memory_space<vmem>>, vector<16xf32>,
          %parallel_loop3A_567 = vector.broadcast %parallel_loop3A_544 : i32 to vector<16xi32>
          %parallel_loop3A_568 = arith.addi %sub3A_408, %parallel_loop3A_567 : vector<16xi32>
          %parallel_loop3A_569 = tpu.vector_load_idx %arg7[%broadcast_in_dim3A_330, %broadcast_in_dim3A_332, %parallel_loop3A_568] : memref<64x2x128xf32, #tpu.memory_space<vmem>>[vector<16xi32>, vector<16xi32>, vector<16xi32>], vector<16xf32>,
          %parallel_loop3A_570 = vector.broadcast %parallel_loop3A_544 : i32 to vector<16xi32>
          %parallel_loop3A_571 = arith.addi %sub3A_411, %parallel_loop3A_570 : vector<16xi32>
          %parallel_loop3A_572 = tpu.vector_load_idx %arg7[%broadcast_in_dim3A_330, %broadcast_in_dim3A_334, %parallel_loop3A_571] : memref<64x2x128xf32, #tpu.memory_space<vmem>>[vector<16xi32>, vector<16xi32>, vector<16xi32>], vector<16xf32>,
          %parallel_loop3A_573 = arith.addf %parallel_loop3A_569, %parallel_loop3A_572 : vector<16xf32>
          %parallel_loop3A_574 = arith.index_cast %parallel_loop3A_544 : i32 to index
          %parallel_loop3A_575 = arith.index_cast %add3A_75 : i32 to index
          %parallel_loop3A_576 = arith.constant 32 : index
          %parallel_loop3A_577 = tpu.vector_load %arg10[%parallel_loop3A_574, %parallel_loop3A_575, %parallel_loop3A_576] {strides = array<i32>} : memref<64x4x128xf32, #tpu.memory_space<vmem>>, vector<16xf32>,
          tpu.vector_store %arg10[%parallel_loop3A_574, %parallel_loop3A_575, %parallel_loop3A_576], %parallel_loop3A_573 {strides = array<i32>} : memref<64x4x128xf32, #tpu.memory_space<vmem>>, vector<16xf32>,
          %parallel_loop3A_578 = vector.broadcast %parallel_loop3A_544 : i32 to vector<16xi32>
          %parallel_loop3A_579 = arith.addi %sub3A_434, %parallel_loop3A_578 : vector<16xi32>
          %parallel_loop3A_580 = tpu.vector_load_idx %arg7[%broadcast_in_dim3A_330, %broadcast_in_dim3A_332, %parallel_loop3A_579] : memref<64x2x128xf32, #tpu.memory_space<vmem>>[vector<16xi32>, vector<16xi32>, vector<16xi32>], vector<16xf32>,
          %parallel_loop3A_581 = vector.broadcast %parallel_loop3A_544 : i32 to vector<16xi32>
          %parallel_loop3A_582 = arith.addi %sub3A_437, %parallel_loop3A_581 : vector<16xi32>
          %parallel_loop3A_583 = tpu.vector_load_idx %arg7[%broadcast_in_dim3A_330, %broadcast_in_dim3A_334, %parallel_loop3A_582] : memref<64x2x128xf32, #tpu.memory_space<vmem>>[vector<16xi32>, vector<16xi32>, vector<16xi32>], vector<16xf32>,
          %parallel_loop3A_584 = arith.addf %parallel_loop3A_580, %parallel_loop3A_583 : vector<16xf32>
          %parallel_loop3A_585 = arith.index_cast %parallel_loop3A_544 : i32 to index
          %parallel_loop3A_586 = arith.index_cast %add3A_75 : i32 to index
          %parallel_loop3A_587 = arith.constant 48 : index
          %parallel_loop3A_588 = tpu.vector_load %arg10[%parallel_loop3A_585, %parallel_loop3A_586, %parallel_loop3A_587] {strides = array<i32>} : memref<64x4x128xf32, #tpu.memory_space<vmem>>, vector<16xf32>,
          tpu.vector_store %arg10[%parallel_loop3A_585, %parallel_loop3A_586, %parallel_loop3A_587], %parallel_loop3A_584 {strides = array<i32>} : memref<64x4x128xf32, #tpu.memory_space<vmem>>, vector<16xf32>,
          %parallel_loop3A_589 = vector.broadcast %parallel_loop3A_544 : i32 to vector<16xi32>
          %parallel_loop3A_590 = arith.addi %sub3A_460, %parallel_loop3A_589 : vector<16xi32>
          %parallel_loop3A_591 = tpu.vector_load_idx %arg7[%broadcast_in_dim3A_330, %broadcast_in_dim3A_332, %parallel_loop3A_590] : memref<64x2x128xf32, #tpu.memory_space<vmem>>[vector<16xi32>, vector<16xi32>, vector<16xi32>], vector<16xf32>,
          %parallel_loop3A_592 = vector.broadcast %parallel_loop3A_544 : i32 to vector<16xi32>
          %parallel_loop3A_593 = arith.addi %sub3A_463, %parallel_loop3A_592 : vector<16xi32>
          %parallel_loop3A_594 = tpu.vector_load_idx %arg7[%broadcast_in_dim3A_330, %broadcast_in_dim3A_334, %parallel_loop3A_593] : memref<64x2x128xf32, #tpu.memory_space<vmem>>[vector<16xi32>, vector<16xi32>, vector<16xi32>], vector<16xf32>,
          %parallel_loop3A_595 = arith.addf %parallel_loop3A_591, %parallel_loop3A_594 : vector<16xf32>
          %parallel_loop3A_596 = arith.index_cast %parallel_loop3A_544 : i32 to index
          %parallel_loop3A_597 = arith.index_cast %add3A_75 : i32 to index
          %parallel_loop3A_598 = arith.constant 64 : index
          %parallel_loop3A_599 = tpu.vector_load %arg10[%parallel_loop3A_596, %parallel_loop3A_597, %parallel_loop3A_598] {strides = array<i32>} : memref<64x4x128xf32, #tpu.memory_space<vmem>>, vector<16xf32>,
          tpu.vector_store %arg10[%parallel_loop3A_596, %parallel_loop3A_597, %parallel_loop3A_598], %parallel_loop3A_595 {strides = array<i32>} : memref<64x4x128xf32, #tpu.memory_space<vmem>>, vector<16xf32>,
          %parallel_loop3A_600 = vector.broadcast %parallel_loop3A_544 : i32 to vector<16xi32>
          %parallel_loop3A_601 = arith.addi %sub3A_486, %parallel_loop3A_600 : vector<16xi32>
          %parallel_loop3A_602 = tpu.vector_load_idx %arg7[%broadcast_in_dim3A_330, %broadcast_in_dim3A_332, %parallel_loop3A_601] : memref<64x2x128xf32, #tpu.memory_space<vmem>>[vector<16xi32>, vector<16xi32>, vector<16xi32>], vector<16xf32>,
          %parallel_loop3A_603 = vector.broadcast %parallel_loop3A_544 : i32 to vector<16xi32>
          %parallel_loop3A_604 = arith.addi %sub3A_489, %parallel_loop3A_603 : vector<16xi32>
          %parallel_loop3A_605 = tpu.vector_load_idx %arg7[%broadcast_in_dim3A_330, %broadcast_in_dim3A_334, %parallel_loop3A_604] : memref<64x2x128xf32, #tpu.memory_space<vmem>>[vector<16xi32>, vector<16xi32>, vector<16xi32>], vector<16xf32>,
          %parallel_loop3A_606 = arith.addf %parallel_loop3A_602, %parallel_loop3A_605 : vector<16xf32>
          %parallel_loop3A_607 = arith.index_cast %parallel_loop3A_544 : i32 to index
          %parallel_loop3A_608 = arith.index_cast %add3A_75 : i32 to index
          %parallel_loop3A_609 = arith.constant 80 : index
          %parallel_loop3A_610 = tpu.vector_load %arg10[%parallel_loop3A_607, %parallel_loop3A_608, %parallel_loop3A_609] {strides = array<i32>} : memref<64x4x128xf32, #tpu.memory_space<vmem>>, vector<16xf32>,
          tpu.vector_store %arg10[%parallel_loop3A_607, %parallel_loop3A_608, %parallel_loop3A_609], %parallel_loop3A_606 {strides = array<i32>} : memref<64x4x128xf32, #tpu.memory_space<vmem>>, vector<16xf32>,
          %parallel_loop3A_611 = vector.broadcast %parallel_loop3A_544 : i32 to vector<16xi32>
          %parallel_loop3A_612 = arith.addi %sub3A_512, %parallel_loop3A_611 : vector<16xi32>
          %parallel_loop3A_613 = tpu.vector_load_idx %arg7[%broadcast_in_dim3A_330, %broadcast_in_dim3A_332, %parallel_loop3A_612] : memref<64x2x128xf32, #tpu.memory_space<vmem>>[vector<16xi32>, vector<16xi32>, vector<16xi32>], vector<16xf32>,
          %parallel_loop3A_614 = vector.broadcast %parallel_loop3A_544 : i32 to vector<16xi32>
          %parallel_loop3A_615 = arith.addi %sub3A_515, %parallel_loop3A_614 : vector<16xi32>
          %parallel_loop3A_616 = tpu.vector_load_idx %arg7[%broadcast_in_dim3A_330, %broadcast_in_dim3A_334, %parallel_loop3A_615] : memref<64x2x128xf32, #tpu.memory_space<vmem>>[vector<16xi32>, vector<16xi32>, vector<16xi32>], vector<16xf32>,
          %parallel_loop3A_617 = arith.addf %parallel_loop3A_613, %parallel_loop3A_616 : vector<16xf32>
          %parallel_loop3A_618 = arith.index_cast %parallel_loop3A_544 : i32 to index
          %parallel_loop3A_619 = arith.index_cast %add3A_75 : i32 to index
          %parallel_loop3A_620 = arith.constant 96 : index
          %parallel_loop3A_621 = tpu.vector_load %arg10[%parallel_loop3A_618, %parallel_loop3A_619, %parallel_loop3A_620] {strides = array<i32>} : memref<64x4x128xf32, #tpu.memory_space<vmem>>, vector<16xf32>,
          tpu.vector_store %arg10[%parallel_loop3A_618, %parallel_loop3A_619, %parallel_loop3A_620], %parallel_loop3A_617 {strides = array<i32>} : memref<64x4x128xf32, #tpu.memory_space<vmem>>, vector<16xf32>,
          %parallel_loop3A_622 = vector.broadcast %parallel_loop3A_544 : i32 to vector<16xi32>
          %parallel_loop3A_623 = arith.addi %sub3A_538, %parallel_loop3A_622 : vector<16xi32>
          %parallel_loop3A_624 = tpu.vector_load_idx %arg7[%broadcast_in_dim3A_330, %broadcast_in_dim3A_332, %parallel_loop3A_623] : memref<64x2x128xf32, #tpu.memory_space<vmem>>[vector<16xi32>, vector<16xi32>, vector<16xi32>], vector<16xf32>,
          %parallel_loop3A_625 = vector.broadcast %parallel_loop3A_544 : i32 to vector<16xi32>
          %parallel_loop3A_626 = arith.addi %sub3A_541, %parallel_loop3A_625 : vector<16xi32>
          %parallel_loop3A_627 = tpu.vector_load_idx %arg7[%broadcast_in_dim3A_330, %broadcast_in_dim3A_334, %parallel_loop3A_626] : memref<64x2x128xf32, #tpu.memory_space<vmem>>[vector<16xi32>, vector<16xi32>, vector<16xi32>], vector<16xf32>,
          %parallel_loop3A_628 = arith.addf %parallel_loop3A_624, %parallel_loop3A_627 : vector<16xf32>
          %parallel_loop3A_629 = arith.index_cast %parallel_loop3A_544 : i32 to index
          %parallel_loop3A_630 = arith.index_cast %add3A_75 : i32 to index
          %parallel_loop3A_631 = arith.constant 112 : index
          %parallel_loop3A_632 = tpu.vector_load %arg10[%parallel_loop3A_629, %parallel_loop3A_630, %parallel_loop3A_631] {strides = array<i32>} : memref<64x4x128xf32, #tpu.memory_space<vmem>>, vector<16xf32>,
          tpu.vector_store %arg10[%parallel_loop3A_629, %parallel_loop3A_630, %parallel_loop3A_631], %parallel_loop3A_628 {strides = array<i32>} : memref<64x4x128xf32, #tpu.memory_space<vmem>>, vector<16xf32>,
        } {sc.loop_unroll_factor = 4 : i64, sc.parallel_access}
      }
      %scan3A_42 = arith.constant 4 : i32
      %dma_start3A = arith.constant 0 : i32
      %dma_start3A_43 = arith.constant 0 : i32
      %dma_start3A_44 = tpu.memref_slice %arg5[%dma_start3A, %add3A_35, %dma_start3A_43] : memref<64x2048x128xf32, #tpu.memory_space<hbm>> -> memref<64x4x128xf32, #tpu.memory_space<hbm>>
      %dma_start3A_45 = arith.constant 0 : i32
      %dma_start3A_46 = arith.constant 0 : i32
      %dma_start3A_47 = tpu.memref_slice %arg5[%dma_start3A_45, %add3A_35, %dma_start3A_46] : memref<64x2048x128xf32, #tpu.memory_space<hbm>> -> memref<64x4x128xf32, #tpu.memory_space<hbm>>
      tpu.enqueue_dma source(%arg10 : memref<64x4x128xf32, #tpu.memory_space<vmem>>) target(%dma_start3A_47 : memref<64x4x128xf32, #tpu.memory_space<hbm>>) target_semaphore(%arg12 : memref<!tpu.dma_semaphore, #tpu.memory_space<semaphore_mem>>)
      %mul3A_48 = arith.constant 2 : i32
      %mul3A_49 = arith.muli %add3A_28, %mul3A_48 : i32
      %add3A_50 = arith.constant 1 : i32
      %add3A_51 = arith.addi %mul3A_49, %add3A_50 : i32
      %mul3A_52 = arith.constant 4 : i32
      %mul3A_53 = arith.muli %add3A_51, %mul3A_52 : i32
      %add3A_54 = arith.addi %mul3A_2, %mul3A_53 : i32
      %gt3A_55 = arith.constant 0 : i32
      %gt3A_56 = arith.cmpi sgt, %add3A_28, %gt3A_55 : i32
      %convert_element_type3A_57 = arith.extui %gt3A_56 : i1 to i32
      %cond3A_58 = arith.constant 0 : i32
      %cond3A_59 = arith.cmpi ne, %convert_element_type3A_57, %cond3A_58 : i32
      scf.if %cond3A_59 {
        %dma_wait3A_71 = arith.constant 0 : i32
        %dma_wait3A_72 = arith.constant 0 : i32
        %dma_wait3A_73 = tpu.memref_slice %arg5[%dma_wait3A_71, %add3A_54, %dma_wait3A_72] : memref<64x2048x128xf32, #tpu.memory_space<hbm>> -> memref<64x4x128xf32, #tpu.memory_space<hbm>>
        %dma_wait3A_74 = arith.constant 0 : i32
        %dma_wait3A_75 = arith.constant 0 : i32
        %dma_wait3A_76 = tpu.memref_slice %arg5[%dma_wait3A_74, %add3A_54, %dma_wait3A_75] : memref<64x2048x128xf32, #tpu.memory_space<hbm>> -> memref<64x4x128xf32, #tpu.memory_space<hbm>>
        tpu.wait_dma2 semaphore(%arg13 : memref<!tpu.dma_semaphore, #tpu.memory_space<semaphore_mem>>) src(%arg11 : memref<64x4x128xf32, #tpu.memory_space<vmem>>) dst(%dma_wait3A_76 : memref<64x4x128xf32, #tpu.memory_space<hbm>>)
      } else {
      }
      %scan3A_60 = arith.constant 0 : i32
      %scan3A_61 = arith.constant 4 : i32
      %scan3A_62 = arith.addi %scan3A_60, %scan3A_61 : i32
      %scan3A_63 = arith.constant 1 : i32
      scf.for %scan3A_71 = %scan3A_60 to %scan3A_62 step %scan3A_63  : i32 {
        %mul3A_72 = arith.constant 1 : i32
        %mul3A_73 = arith.muli %scan3A_71, %mul3A_72 : i32
        %add3A_74 = arith.constant 0 : i32
        %add3A_75 = arith.addi %add3A_74, %mul3A_73 : i32
        %mul3A_76 = arith.constant 4 : i32
        %mul3A_77 = arith.muli %add3A_51, %mul3A_76 : i32
        %add3A_78 = arith.addi %mul3A_77, %add3A_75 : i32
        %get3A_79 = arith.constant 0 : i32
        %get3A_80 = arith.index_cast %add3A_78 : i32 to index
        %get3A_81 = arith.index_cast %get3A_79 : i32 to index
        %get3A_82 = arith.constant 0 : index
        %get3A_83 = tpu.vector_load %arg7[%get3A_80, %get3A_81, %get3A_82] {strides = array<i32>} : memref<64x2x128xf32, #tpu.memory_space<vmem>>, vector<16xf32>,
        %reduce_max3A = arith.constant true
        %reduce_max3A_84 = vector.broadcast %reduce_max3A : i1 to vector<16xi1>
        %reduce_max3A_85 = tpu.scan <max>, %get3A_83 masked %reduce_max3A_84 : vector<16xf32>, vector<16xi1> -> vector<16xf32>
        %reduce_max3A_86 = vector.extract %reduce_max3A_85[15] : f32 from vector<16xf32>
        %get3A_87 = arith.constant 0 : i32
        %get3A_88 = arith.index_cast %add3A_78 : i32 to index
        %get3A_89 = arith.index_cast %get3A_87 : i32 to index
        %get3A_90 = arith.constant 16 : index
        %get3A_91 = tpu.vector_load %arg7[%get3A_88, %get3A_89, %get3A_90] {strides = array<i32>} : memref<64x2x128xf32, #tpu.memory_space<vmem>>, vector<16xf32>,
        %reduce_max3A_92 = arith.constant true
        %reduce_max3A_93 = vector.broadcast %reduce_max3A_92 : i1 to vector<16xi1>
        %reduce_max3A_94 = tpu.scan <max>, %get3A_91 masked %reduce_max3A_93 : vector<16xf32>, vector<16xi1> -> vector<16xf32>
        %reduce_max3A_95 = vector.extract %reduce_max3A_94[15] : f32 from vector<16xf32>
        %max3A = arith.maximumf %reduce_max3A_86, %reduce_max3A_95 : f32
        %get3A_96 = arith.constant 0 : i32
        %get3A_97 = arith.index_cast %add3A_78 : i32 to index
        %get3A_98 = arith.index_cast %get3A_96 : i32 to index
        %get3A_99 = arith.constant 32 : index
        %get3A_100 = tpu.vector_load %arg7[%get3A_97, %get3A_98, %get3A_99] {strides = array<i32>} : memref<64x2x128xf32, #tpu.memory_space<vmem>>, vector<16xf32>,
        %reduce_max3A_101 = arith.constant true
        %reduce_max3A_102 = vector.broadcast %reduce_max3A_101 : i1 to vector<16xi1>
        %reduce_max3A_103 = tpu.scan <max>, %get3A_100 masked %reduce_max3A_102 : vector<16xf32>, vector<16xi1> -> vector<16xf32>
        %reduce_max3A_104 = vector.extract %reduce_max3A_103[15] : f32 from vector<16xf32>
        %max3A_105 = arith.maximumf %max3A, %reduce_max3A_104 : f32
        %get3A_106 = arith.constant 0 : i32
        %get3A_107 = arith.index_cast %add3A_78 : i32 to index
        %get3A_108 = arith.index_cast %get3A_106 : i32 to index
        %get3A_109 = arith.constant 48 : index
        %get3A_110 = tpu.vector_load %arg7[%get3A_107, %get3A_108, %get3A_109] {strides = array<i32>} : memref<64x2x128xf32, #tpu.memory_space<vmem>>, vector<16xf32>,
        %reduce_max3A_111 = arith.constant true
        %reduce_max3A_112 = vector.broadcast %reduce_max3A_111 : i1 to vector<16xi1>
        %reduce_max3A_113 = tpu.scan <max>, %get3A_110 masked %reduce_max3A_112 : vector<16xf32>, vector<16xi1> -> vector<16xf32>
        %reduce_max3A_114 = vector.extract %reduce_max3A_113[15] : f32 from vector<16xf32>
        %max3A_115 = arith.maximumf %max3A_105, %reduce_max3A_114 : f32
        %get3A_116 = arith.constant 0 : i32
        %get3A_117 = arith.index_cast %add3A_78 : i32 to index
        %get3A_118 = arith.index_cast %get3A_116 : i32 to index
        %get3A_119 = arith.constant 0 : index
        %get3A_120 = tpu.vector_load %arg7[%get3A_117, %get3A_118, %get3A_119] {strides = array<i32>} : memref<64x2x128xf32, #tpu.memory_space<vmem>>, vector<16xf32>,
        %eq3A = vector.broadcast %max3A_115 : f32 to vector<16xf32>
        %eq3A_121 = arith.cmpf oeq, %get3A_120, %eq3A : vector<16xf32>
        %add3A_122 = arith.constant 0 : i32
        %add3A_123 = vector.broadcast %add3A_122 : i32 to vector<16xi32>
        %add3A_124 = arith.addi %iota3A, %add3A_123 : vector<16xi32>
        %jit3A = arith.constant 127 : i32
        %broadcast_in_dim3A = vector.broadcast %jit3A : i32 to vector<16xi32>
        %select_n3A = arith.select %eq3A_121, %add3A_124, %broadcast_in_dim3A : vector<16xi1>, vector<16xi32>
        %reduce_min3A = arith.constant true
        %reduce_min3A_125 = vector.broadcast %reduce_min3A : i1 to vector<16xi1>
        %reduce_min3A_126 = arith.constant -2147483648 : i32
        %reduce_min3A_127 = vector.broadcast %reduce_min3A_126 : i32 to vector<16xi32>
        %reduce_min3A_128 = arith.xori %select_n3A, %reduce_min3A_127 : vector<16xi32>
        %reduce_min3A_129 = tpu.scan <min>, %reduce_min3A_128 masked %reduce_min3A_125 : vector<16xi32>, vector<16xi1> -> vector<16xi32>
        %reduce_min3A_130 = arith.xori %reduce_min3A_129, %reduce_min3A_127 : vector<16xi32>
        %reduce_min3A_131 = vector.extract %reduce_min3A_130[15] : i32 from vector<16xi32>
        %min3A = arith.constant 64 : i32
        %min3A_132 = arith.minsi %min3A, %reduce_min3A_131 : i32
        %get3A_133 = arith.constant 0 : i32
        %get3A_134 = arith.index_cast %add3A_78 : i32 to index
        %get3A_135 = arith.index_cast %get3A_133 : i32 to index
        %get3A_136 = arith.constant 16 : index
        %get3A_137 = tpu.vector_load %arg7[%get3A_134, %get3A_135, %get3A_136] {strides = array<i32>} : memref<64x2x128xf32, #tpu.memory_space<vmem>>, vector<16xf32>,
        %eq3A_138 = vector.broadcast %max3A_115 : f32 to vector<16xf32>
        %eq3A_139 = arith.cmpf oeq, %get3A_137, %eq3A_138 : vector<16xf32>
        %add3A_140 = arith.constant 16 : i32
        %add3A_141 = vector.broadcast %add3A_140 : i32 to vector<16xi32>
        %add3A_142 = arith.addi %iota3A, %add3A_141 : vector<16xi32>
        %jit3A_143 = arith.constant 127 : i32
        %broadcast_in_dim3A_144 = vector.broadcast %jit3A_143 : i32 to vector<16xi32>
        %select_n3A_145 = arith.select %eq3A_139, %add3A_142, %broadcast_in_dim3A_144 : vector<16xi1>, vector<16xi32>
        %reduce_min3A_146 = arith.constant true
        %reduce_min3A_147 = vector.broadcast %reduce_min3A_146 : i1 to vector<16xi1>
        %reduce_min3A_148 = arith.constant -2147483648 : i32
        %reduce_min3A_149 = vector.broadcast %reduce_min3A_148 : i32 to vector<16xi32>
        %reduce_min3A_150 = arith.xori %select_n3A_145, %reduce_min3A_149 : vector<16xi32>
        %reduce_min3A_151 = tpu.scan <min>, %reduce_min3A_150 masked %reduce_min3A_147 : vector<16xi32>, vector<16xi1> -> vector<16xi32>
        %reduce_min3A_152 = arith.xori %reduce_min3A_151, %reduce_min3A_149 : vector<16xi32>
        %reduce_min3A_153 = vector.extract %reduce_min3A_152[15] : i32 from vector<16xi32>
        %min3A_154 = arith.minsi %min3A_132, %reduce_min3A_153 : i32
        %get3A_155 = arith.constant 0 : i32
        %get3A_156 = arith.index_cast %add3A_78 : i32 to index
        %get3A_157 = arith.index_cast %get3A_155 : i32 to index
        %get3A_158 = arith.constant 32 : index
        %get3A_159 = tpu.vector_load %arg7[%get3A_156, %get3A_157, %get3A_158] {strides = array<i32>} : memref<64x2x128xf32, #tpu.memory_space<vmem>>, vector<16xf32>,
        %eq3A_160 = vector.broadcast %max3A_115 : f32 to vector<16xf32>
        %eq3A_161 = arith.cmpf oeq, %get3A_159, %eq3A_160 : vector<16xf32>
        %add3A_162 = arith.constant 32 : i32
        %add3A_163 = vector.broadcast %add3A_162 : i32 to vector<16xi32>
        %add3A_164 = arith.addi %iota3A, %add3A_163 : vector<16xi32>
        %jit3A_165 = arith.constant 127 : i32
        %broadcast_in_dim3A_166 = vector.broadcast %jit3A_165 : i32 to vector<16xi32>
        %select_n3A_167 = arith.select %eq3A_161, %add3A_164, %broadcast_in_dim3A_166 : vector<16xi1>, vector<16xi32>
        %reduce_min3A_168 = arith.constant true
        %reduce_min3A_169 = vector.broadcast %reduce_min3A_168 : i1 to vector<16xi1>
        %reduce_min3A_170 = arith.constant -2147483648 : i32
        %reduce_min3A_171 = vector.broadcast %reduce_min3A_170 : i32 to vector<16xi32>
        %reduce_min3A_172 = arith.xori %select_n3A_167, %reduce_min3A_171 : vector<16xi32>
        %reduce_min3A_173 = tpu.scan <min>, %reduce_min3A_172 masked %reduce_min3A_169 : vector<16xi32>, vector<16xi1> -> vector<16xi32>
        %reduce_min3A_174 = arith.xori %reduce_min3A_173, %reduce_min3A_171 : vector<16xi32>
        %reduce_min3A_175 = vector.extract %reduce_min3A_174[15] : i32 from vector<16xi32>
        %min3A_176 = arith.minsi %min3A_154, %reduce_min3A_175 : i32
        %get3A_177 = arith.constant 0 : i32
        %get3A_178 = arith.index_cast %add3A_78 : i32 to index
        %get3A_179 = arith.index_cast %get3A_177 : i32 to index
        %get3A_180 = arith.constant 48 : index
        %get3A_181 = tpu.vector_load %arg7[%get3A_178, %get3A_179, %get3A_180] {strides = array<i32>} : memref<64x2x128xf32, #tpu.memory_space<vmem>>, vector<16xf32>,
        %eq3A_182 = vector.broadcast %max3A_115 : f32 to vector<16xf32>
        %eq3A_183 = arith.cmpf oeq, %get3A_181, %eq3A_182 : vector<16xf32>
        %add3A_184 = arith.constant 48 : i32
        %add3A_185 = vector.broadcast %add3A_184 : i32 to vector<16xi32>
        %add3A_186 = arith.addi %iota3A, %add3A_185 : vector<16xi32>
        %jit3A_187 = arith.constant 127 : i32
        %broadcast_in_dim3A_188 = vector.broadcast %jit3A_187 : i32 to vector<16xi32>
        %select_n3A_189 = arith.select %eq3A_183, %add3A_186, %broadcast_in_dim3A_188 : vector<16xi1>, vector<16xi32>
        %reduce_min3A_190 = arith.constant true
        %reduce_min3A_191 = vector.broadcast %reduce_min3A_190 : i1 to vector<16xi1>
        %reduce_min3A_192 = arith.constant -2147483648 : i32
        %reduce_min3A_193 = vector.broadcast %reduce_min3A_192 : i32 to vector<16xi32>
        %reduce_min3A_194 = arith.xori %select_n3A_189, %reduce_min3A_193 : vector<16xi32>
        %reduce_min3A_195 = tpu.scan <min>, %reduce_min3A_194 masked %reduce_min3A_191 : vector<16xi32>, vector<16xi1> -> vector<16xi32>
        %reduce_min3A_196 = arith.xori %reduce_min3A_195, %reduce_min3A_193 : vector<16xi32>
        %reduce_min3A_197 = vector.extract %reduce_min3A_196[15] : i32 from vector<16xi32>
        %min3A_198 = arith.minsi %min3A_176, %reduce_min3A_197 : i32
        %sub3A = arith.constant 63 : i32
        %sub3A_199 = arith.subi %sub3A, %min3A_198 : i32
        %get3A_200 = arith.constant 1 : i32
        %get3A_201 = arith.index_cast %add3A_78 : i32 to index
        %get3A_202 = arith.index_cast %get3A_200 : i32 to index
        %get3A_203 = arith.constant 0 : index
        %get3A_204 = tpu.vector_load %arg7[%get3A_201, %get3A_202, %get3A_203] {strides = array<i32>} : memref<64x2x128xf32, #tpu.memory_space<vmem>>, vector<16xf32>,
        %reduce_max3A_205 = arith.constant true
        %reduce_max3A_206 = vector.broadcast %reduce_max3A_205 : i1 to vector<16xi1>
        %reduce_max3A_207 = tpu.scan <max>, %get3A_204 masked %reduce_max3A_206 : vector<16xf32>, vector<16xi1> -> vector<16xf32>
        %reduce_max3A_208 = vector.extract %reduce_max3A_207[15] : f32 from vector<16xf32>
        %get3A_209 = arith.constant 1 : i32
        %get3A_210 = arith.index_cast %add3A_78 : i32 to index
        %get3A_211 = arith.index_cast %get3A_209 : i32 to index
        %get3A_212 = arith.constant 16 : index
        %get3A_213 = tpu.vector_load %arg7[%get3A_210, %get3A_211, %get3A_212] {strides = array<i32>} : memref<64x2x128xf32, #tpu.memory_space<vmem>>, vector<16xf32>,
        %reduce_max3A_214 = arith.constant true
        %reduce_max3A_215 = vector.broadcast %reduce_max3A_214 : i1 to vector<16xi1>
        %reduce_max3A_216 = tpu.scan <max>, %get3A_213 masked %reduce_max3A_215 : vector<16xf32>, vector<16xi1> -> vector<16xf32>
        %reduce_max3A_217 = vector.extract %reduce_max3A_216[15] : f32 from vector<16xf32>
        %max3A_218 = arith.maximumf %reduce_max3A_208, %reduce_max3A_217 : f32
        %get3A_219 = arith.constant 1 : i32
        %get3A_220 = arith.index_cast %add3A_78 : i32 to index
        %get3A_221 = arith.index_cast %get3A_219 : i32 to index
        %get3A_222 = arith.constant 32 : index
        %get3A_223 = tpu.vector_load %arg7[%get3A_220, %get3A_221, %get3A_222] {strides = array<i32>} : memref<64x2x128xf32, #tpu.memory_space<vmem>>, vector<16xf32>,
        %reduce_max3A_224 = arith.constant true
        %reduce_max3A_225 = vector.broadcast %reduce_max3A_224 : i1 to vector<16xi1>
        %reduce_max3A_226 = tpu.scan <max>, %get3A_223 masked %reduce_max3A_225 : vector<16xf32>, vector<16xi1> -> vector<16xf32>
        %reduce_max3A_227 = vector.extract %reduce_max3A_226[15] : f32 from vector<16xf32>
        %max3A_228 = arith.maximumf %max3A_218, %reduce_max3A_227 : f32
        %get3A_229 = arith.constant 1 : i32
        %get3A_230 = arith.index_cast %add3A_78 : i32 to index
        %get3A_231 = arith.index_cast %get3A_229 : i32 to index
        %get3A_232 = arith.constant 48 : index
        %get3A_233 = tpu.vector_load %arg7[%get3A_230, %get3A_231, %get3A_232] {strides = array<i32>} : memref<64x2x128xf32, #tpu.memory_space<vmem>>, vector<16xf32>,
        %reduce_max3A_234 = arith.constant true
        %reduce_max3A_235 = vector.broadcast %reduce_max3A_234 : i1 to vector<16xi1>
        %reduce_max3A_236 = tpu.scan <max>, %get3A_233 masked %reduce_max3A_235 : vector<16xf32>, vector<16xi1> -> vector<16xf32>
        %reduce_max3A_237 = vector.extract %reduce_max3A_236[15] : f32 from vector<16xf32>
        %max3A_238 = arith.maximumf %max3A_228, %reduce_max3A_237 : f32
        %get3A_239 = arith.constant 1 : i32
        %get3A_240 = arith.index_cast %add3A_78 : i32 to index
        %get3A_241 = arith.index_cast %get3A_239 : i32 to index
        %get3A_242 = arith.constant 0 : index
        %get3A_243 = tpu.vector_load %arg7[%get3A_240, %get3A_241, %get3A_242] {strides = array<i32>} : memref<64x2x128xf32, #tpu.memory_space<vmem>>, vector<16xf32>,
        %eq3A_244 = vector.broadcast %max3A_238 : f32 to vector<16xf32>
        %eq3A_245 = arith.cmpf oeq, %get3A_243, %eq3A_244 : vector<16xf32>
        %add3A_246 = arith.constant 0 : i32
        %add3A_247 = vector.broadcast %add3A_246 : i32 to vector<16xi32>
        %add3A_248 = arith.addi %iota3A, %add3A_247 : vector<16xi32>
        %jit3A_249 = arith.constant 127 : i32
        %broadcast_in_dim3A_250 = vector.broadcast %jit3A_249 : i32 to vector<16xi32>
        %select_n3A_251 = arith.select %eq3A_245, %add3A_248, %broadcast_in_dim3A_250 : vector<16xi1>, vector<16xi32>
        %reduce_min3A_252 = arith.constant true
        %reduce_min3A_253 = vector.broadcast %reduce_min3A_252 : i1 to vector<16xi1>
        %reduce_min3A_254 = arith.constant -2147483648 : i32
        %reduce_min3A_255 = vector.broadcast %reduce_min3A_254 : i32 to vector<16xi32>
        %reduce_min3A_256 = arith.xori %select_n3A_251, %reduce_min3A_255 : vector<16xi32>
        %reduce_min3A_257 = tpu.scan <min>, %reduce_min3A_256 masked %reduce_min3A_253 : vector<16xi32>, vector<16xi1> -> vector<16xi32>
        %reduce_min3A_258 = arith.xori %reduce_min3A_257, %reduce_min3A_255 : vector<16xi32>
        %reduce_min3A_259 = vector.extract %reduce_min3A_258[15] : i32 from vector<16xi32>
        %min3A_260 = arith.constant 64 : i32
        %min3A_261 = arith.minsi %min3A_260, %reduce_min3A_259 : i32
        %get3A_262 = arith.constant 1 : i32
        %get3A_263 = arith.index_cast %add3A_78 : i32 to index
        %get3A_264 = arith.index_cast %get3A_262 : i32 to index
        %get3A_265 = arith.constant 16 : index
        %get3A_266 = tpu.vector_load %arg7[%get3A_263, %get3A_264, %get3A_265] {strides = array<i32>} : memref<64x2x128xf32, #tpu.memory_space<vmem>>, vector<16xf32>,
        %eq3A_267 = vector.broadcast %max3A_238 : f32 to vector<16xf32>
        %eq3A_268 = arith.cmpf oeq, %get3A_266, %eq3A_267 : vector<16xf32>
        %add3A_269 = arith.constant 16 : i32
        %add3A_270 = vector.broadcast %add3A_269 : i32 to vector<16xi32>
        %add3A_271 = arith.addi %iota3A, %add3A_270 : vector<16xi32>
        %jit3A_272 = arith.constant 127 : i32
        %broadcast_in_dim3A_273 = vector.broadcast %jit3A_272 : i32 to vector<16xi32>
        %select_n3A_274 = arith.select %eq3A_268, %add3A_271, %broadcast_in_dim3A_273 : vector<16xi1>, vector<16xi32>
        %reduce_min3A_275 = arith.constant true
        %reduce_min3A_276 = vector.broadcast %reduce_min3A_275 : i1 to vector<16xi1>
        %reduce_min3A_277 = arith.constant -2147483648 : i32
        %reduce_min3A_278 = vector.broadcast %reduce_min3A_277 : i32 to vector<16xi32>
        %reduce_min3A_279 = arith.xori %select_n3A_274, %reduce_min3A_278 : vector<16xi32>
        %reduce_min3A_280 = tpu.scan <min>, %reduce_min3A_279 masked %reduce_min3A_276 : vector<16xi32>, vector<16xi1> -> vector<16xi32>
        %reduce_min3A_281 = arith.xori %reduce_min3A_280, %reduce_min3A_278 : vector<16xi32>
        %reduce_min3A_282 = vector.extract %reduce_min3A_281[15] : i32 from vector<16xi32>
        %min3A_283 = arith.minsi %min3A_261, %reduce_min3A_282 : i32
        %get3A_284 = arith.constant 1 : i32
        %get3A_285 = arith.index_cast %add3A_78 : i32 to index
        %get3A_286 = arith.index_cast %get3A_284 : i32 to index
        %get3A_287 = arith.constant 32 : index
        %get3A_288 = tpu.vector_load %arg7[%get3A_285, %get3A_286, %get3A_287] {strides = array<i32>} : memref<64x2x128xf32, #tpu.memory_space<vmem>>, vector<16xf32>,
        %eq3A_289 = vector.broadcast %max3A_238 : f32 to vector<16xf32>
        %eq3A_290 = arith.cmpf oeq, %get3A_288, %eq3A_289 : vector<16xf32>
        %add3A_291 = arith.constant 32 : i32
        %add3A_292 = vector.broadcast %add3A_291 : i32 to vector<16xi32>
        %add3A_293 = arith.addi %iota3A, %add3A_292 : vector<16xi32>
        %jit3A_294 = arith.constant 127 : i32
        %broadcast_in_dim3A_295 = vector.broadcast %jit3A_294 : i32 to vector<16xi32>
        %select_n3A_296 = arith.select %eq3A_290, %add3A_293, %broadcast_in_dim3A_295 : vector<16xi1>, vector<16xi32>
        %reduce_min3A_297 = arith.constant true
        %reduce_min3A_298 = vector.broadcast %reduce_min3A_297 : i1 to vector<16xi1>
        %reduce_min3A_299 = arith.constant -2147483648 : i32
        %reduce_min3A_300 = vector.broadcast %reduce_min3A_299 : i32 to vector<16xi32>
        %reduce_min3A_301 = arith.xori %select_n3A_296, %reduce_min3A_300 : vector<16xi32>
        %reduce_min3A_302 = tpu.scan <min>, %reduce_min3A_301 masked %reduce_min3A_298 : vector<16xi32>, vector<16xi1> -> vector<16xi32>
        %reduce_min3A_303 = arith.xori %reduce_min3A_302, %reduce_min3A_300 : vector<16xi32>
        %reduce_min3A_304 = vector.extract %reduce_min3A_303[15] : i32 from vector<16xi32>
        %min3A_305 = arith.minsi %min3A_283, %reduce_min3A_304 : i32
        %get3A_306 = arith.constant 1 : i32
        %get3A_307 = arith.index_cast %add3A_78 : i32 to index
        %get3A_308 = arith.index_cast %get3A_306 : i32 to index
        %get3A_309 = arith.constant 48 : index
        %get3A_310 = tpu.vector_load %arg7[%get3A_307, %get3A_308, %get3A_309] {strides = array<i32>} : memref<64x2x128xf32, #tpu.memory_space<vmem>>, vector<16xf32>,
        %eq3A_311 = vector.broadcast %max3A_238 : f32 to vector<16xf32>
        %eq3A_312 = arith.cmpf oeq, %get3A_310, %eq3A_311 : vector<16xf32>
        %add3A_313 = arith.constant 48 : i32
        %add3A_314 = vector.broadcast %add3A_313 : i32 to vector<16xi32>
        %add3A_315 = arith.addi %iota3A, %add3A_314 : vector<16xi32>
        %jit3A_316 = arith.constant 127 : i32
        %broadcast_in_dim3A_317 = vector.broadcast %jit3A_316 : i32 to vector<16xi32>
        %select_n3A_318 = arith.select %eq3A_312, %add3A_315, %broadcast_in_dim3A_317 : vector<16xi1>, vector<16xi32>
        %reduce_min3A_319 = arith.constant true
        %reduce_min3A_320 = vector.broadcast %reduce_min3A_319 : i1 to vector<16xi1>
        %reduce_min3A_321 = arith.constant -2147483648 : i32
        %reduce_min3A_322 = vector.broadcast %reduce_min3A_321 : i32 to vector<16xi32>
        %reduce_min3A_323 = arith.xori %select_n3A_318, %reduce_min3A_322 : vector<16xi32>
        %reduce_min3A_324 = tpu.scan <min>, %reduce_min3A_323 masked %reduce_min3A_320 : vector<16xi32>, vector<16xi1> -> vector<16xi32>
        %reduce_min3A_325 = arith.xori %reduce_min3A_324, %reduce_min3A_322 : vector<16xi32>
        %reduce_min3A_326 = vector.extract %reduce_min3A_325[15] : i32 from vector<16xi32>
        %min3A_327 = arith.minsi %min3A_305, %reduce_min3A_326 : i32
        %sub3A_328 = arith.constant 63 : i32
        %sub3A_329 = arith.subi %sub3A_328, %min3A_327 : i32
        %broadcast_in_dim3A_330 = vector.broadcast %add3A_78 : i32 to vector<16xi32>
        %broadcast_in_dim3A_331 = arith.constant 0 : i32
        %broadcast_in_dim3A_332 = vector.broadcast %broadcast_in_dim3A_331 : i32 to vector<16xi32>
        %broadcast_in_dim3A_333 = arith.constant 1 : i32
        %broadcast_in_dim3A_334 = vector.broadcast %broadcast_in_dim3A_333 : i32 to vector<16xi32>
        %get3A_335 = arith.constant 0 : i32
        %get3A_336 = arith.index_cast %add3A_78 : i32 to index
        %get3A_337 = arith.index_cast %get3A_335 : i32 to index
        %get3A_338 = arith.constant 0 : index
        %get3A_339 = tpu.vector_load %arg8[%get3A_336, %get3A_337, %get3A_338] {strides = array<i32>} : memref<64x2x128xi32, #tpu.memory_space<vmem>>, vector<16xi32>,
        %min3A_340 = vector.broadcast %sub3A_199 : i32 to vector<16xi32>
        %min3A_341 = arith.minsi %get3A_339, %min3A_340 : vector<16xi32>
        %and3A = arith.constant 63 : i32
        %and3A_342 = vector.broadcast %and3A : i32 to vector<16xi32>
        %and3A_343 = arith.andi %min3A_341, %and3A_342 : vector<16xi32>
        %get3A_344 = arith.constant 1 : i32
        %get3A_345 = arith.index_cast %add3A_78 : i32 to index
        %get3A_346 = arith.index_cast %get3A_344 : i32 to index
        %get3A_347 = arith.constant 0 : index
        %get3A_348 = tpu.vector_load %arg8[%get3A_345, %get3A_346, %get3A_347] {strides = array<i32>} : memref<64x2x128xi32, #tpu.memory_space<vmem>>, vector<16xi32>,
        %min3A_349 = vector.broadcast %sub3A_329 : i32 to vector<16xi32>
        %min3A_350 = arith.minsi %get3A_348, %min3A_349 : vector<16xi32>
        %and3A_351 = arith.constant 63 : i32
        %and3A_352 = vector.broadcast %and3A_351 : i32 to vector<16xi32>
        %and3A_353 = arith.andi %min3A_350, %and3A_352 : vector<16xi32>
        %sub3A_354 = arith.constant 64 : i32
        %sub3A_355 = vector.broadcast %sub3A_354 : i32 to vector<16xi32>
        %sub3A_356 = arith.subi %sub3A_355, %and3A_343 : vector<16xi32>
        %sub3A_357 = arith.constant 64 : i32
        %sub3A_358 = vector.broadcast %sub3A_357 : i32 to vector<16xi32>
        %sub3A_359 = arith.subi %sub3A_358, %and3A_353 : vector<16xi32>
        %get3A_360 = arith.constant 0 : i32
        %get3A_361 = arith.index_cast %add3A_78 : i32 to index
        %get3A_362 = arith.index_cast %get3A_360 : i32 to index
        %get3A_363 = arith.constant 16 : index
        %get3A_364 = tpu.vector_load %arg8[%get3A_361, %get3A_362, %get3A_363] {strides = array<i32>} : memref<64x2x128xi32, #tpu.memory_space<vmem>>, vector<16xi32>,
        %min3A_365 = vector.broadcast %sub3A_199 : i32 to vector<16xi32>
        %min3A_366 = arith.minsi %get3A_364, %min3A_365 : vector<16xi32>
        %and3A_367 = arith.constant 63 : i32
        %and3A_368 = vector.broadcast %and3A_367 : i32 to vector<16xi32>
        %and3A_369 = arith.andi %min3A_366, %and3A_368 : vector<16xi32>
        %get3A_370 = arith.constant 1 : i32
        %get3A_371 = arith.index_cast %add3A_78 : i32 to index
        %get3A_372 = arith.index_cast %get3A_370 : i32 to index
        %get3A_373 = arith.constant 16 : index
        %get3A_374 = tpu.vector_load %arg8[%get3A_371, %get3A_372, %get3A_373] {strides = array<i32>} : memref<64x2x128xi32, #tpu.memory_space<vmem>>, vector<16xi32>,
        %min3A_375 = vector.broadcast %sub3A_329 : i32 to vector<16xi32>
        %min3A_376 = arith.minsi %get3A_374, %min3A_375 : vector<16xi32>
        %and3A_377 = arith.constant 63 : i32
        %and3A_378 = vector.broadcast %and3A_377 : i32 to vector<16xi32>
        %and3A_379 = arith.andi %min3A_376, %and3A_378 : vector<16xi32>
        %sub3A_380 = arith.constant 64 : i32
        %sub3A_381 = vector.broadcast %sub3A_380 : i32 to vector<16xi32>
        %sub3A_382 = arith.subi %sub3A_381, %and3A_369 : vector<16xi32>
        %sub3A_383 = arith.constant 64 : i32
        %sub3A_384 = vector.broadcast %sub3A_383 : i32 to vector<16xi32>
        %sub3A_385 = arith.subi %sub3A_384, %and3A_379 : vector<16xi32>
        %get3A_386 = arith.constant 0 : i32
        %get3A_387 = arith.index_cast %add3A_78 : i32 to index
        %get3A_388 = arith.index_cast %get3A_386 : i32 to index
        %get3A_389 = arith.constant 32 : index
        %get3A_390 = tpu.vector_load %arg8[%get3A_387, %get3A_388, %get3A_389] {strides = array<i32>} : memref<64x2x128xi32, #tpu.memory_space<vmem>>, vector<16xi32>,
        %min3A_391 = vector.broadcast %sub3A_199 : i32 to vector<16xi32>
        %min3A_392 = arith.minsi %get3A_390, %min3A_391 : vector<16xi32>
        %and3A_393 = arith.constant 63 : i32
        %and3A_394 = vector.broadcast %and3A_393 : i32 to vector<16xi32>
        %and3A_395 = arith.andi %min3A_392, %and3A_394 : vector<16xi32>
        %get3A_396 = arith.constant 1 : i32
        %get3A_397 = arith.index_cast %add3A_78 : i32 to index
        %get3A_398 = arith.index_cast %get3A_396 : i32 to index
        %get3A_399 = arith.constant 32 : index
        %get3A_400 = tpu.vector_load %arg8[%get3A_397, %get3A_398, %get3A_399] {strides = array<i32>} : memref<64x2x128xi32, #tpu.memory_space<vmem>>, vector<16xi32>,
        %min3A_401 = vector.broadcast %sub3A_329 : i32 to vector<16xi32>
        %min3A_402 = arith.minsi %get3A_400, %min3A_401 : vector<16xi32>
        %and3A_403 = arith.constant 63 : i32
        %and3A_404 = vector.broadcast %and3A_403 : i32 to vector<16xi32>
        %and3A_405 = arith.andi %min3A_402, %and3A_404 : vector<16xi32>
        %sub3A_406 = arith.constant 64 : i32
        %sub3A_407 = vector.broadcast %sub3A_406 : i32 to vector<16xi32>
        %sub3A_408 = arith.subi %sub3A_407, %and3A_395 : vector<16xi32>
        %sub3A_409 = arith.constant 64 : i32
        %sub3A_410 = vector.broadcast %sub3A_409 : i32 to vector<16xi32>
        %sub3A_411 = arith.subi %sub3A_410, %and3A_405 : vector<16xi32>
        %get3A_412 = arith.constant 0 : i32
        %get3A_413 = arith.index_cast %add3A_78 : i32 to index
        %get3A_414 = arith.index_cast %get3A_412 : i32 to index
        %get3A_415 = arith.constant 48 : index
        %get3A_416 = tpu.vector_load %arg8[%get3A_413, %get3A_414, %get3A_415] {strides = array<i32>} : memref<64x2x128xi32, #tpu.memory_space<vmem>>, vector<16xi32>,
        %min3A_417 = vector.broadcast %sub3A_199 : i32 to vector<16xi32>
        %min3A_418 = arith.minsi %get3A_416, %min3A_417 : vector<16xi32>
        %and3A_419 = arith.constant 63 : i32
        %and3A_420 = vector.broadcast %and3A_419 : i32 to vector<16xi32>
        %and3A_421 = arith.andi %min3A_418, %and3A_420 : vector<16xi32>
        %get3A_422 = arith.constant 1 : i32
        %get3A_423 = arith.index_cast %add3A_78 : i32 to index
        %get3A_424 = arith.index_cast %get3A_422 : i32 to index
        %get3A_425 = arith.constant 48 : index
        %get3A_426 = tpu.vector_load %arg8[%get3A_423, %get3A_424, %get3A_425] {strides = array<i32>} : memref<64x2x128xi32, #tpu.memory_space<vmem>>, vector<16xi32>,
        %min3A_427 = vector.broadcast %sub3A_329 : i32 to vector<16xi32>
        %min3A_428 = arith.minsi %get3A_426, %min3A_427 : vector<16xi32>
        %and3A_429 = arith.constant 63 : i32
        %and3A_430 = vector.broadcast %and3A_429 : i32 to vector<16xi32>
        %and3A_431 = arith.andi %min3A_428, %and3A_430 : vector<16xi32>
        %sub3A_432 = arith.constant 64 : i32
        %sub3A_433 = vector.broadcast %sub3A_432 : i32 to vector<16xi32>
        %sub3A_434 = arith.subi %sub3A_433, %and3A_421 : vector<16xi32>
        %sub3A_435 = arith.constant 64 : i32
        %sub3A_436 = vector.broadcast %sub3A_435 : i32 to vector<16xi32>
        %sub3A_437 = arith.subi %sub3A_436, %and3A_431 : vector<16xi32>
        %get3A_438 = arith.constant 0 : i32
        %get3A_439 = arith.index_cast %add3A_78 : i32 to index
        %get3A_440 = arith.index_cast %get3A_438 : i32 to index
        %get3A_441 = arith.constant 64 : index
        %get3A_442 = tpu.vector_load %arg8[%get3A_439, %get3A_440, %get3A_441] {strides = array<i32>} : memref<64x2x128xi32, #tpu.memory_space<vmem>>, vector<16xi32>,
        %min3A_443 = vector.broadcast %sub3A_199 : i32 to vector<16xi32>
        %min3A_444 = arith.minsi %get3A_442, %min3A_443 : vector<16xi32>
        %and3A_445 = arith.constant 63 : i32
        %and3A_446 = vector.broadcast %and3A_445 : i32 to vector<16xi32>
        %and3A_447 = arith.andi %min3A_444, %and3A_446 : vector<16xi32>
        %get3A_448 = arith.constant 1 : i32
        %get3A_449 = arith.index_cast %add3A_78 : i32 to index
        %get3A_450 = arith.index_cast %get3A_448 : i32 to index
        %get3A_451 = arith.constant 64 : index
        %get3A_452 = tpu.vector_load %arg8[%get3A_449, %get3A_450, %get3A_451] {strides = array<i32>} : memref<64x2x128xi32, #tpu.memory_space<vmem>>, vector<16xi32>,
        %min3A_453 = vector.broadcast %sub3A_329 : i32 to vector<16xi32>
        %min3A_454 = arith.minsi %get3A_452, %min3A_453 : vector<16xi32>
        %and3A_455 = arith.constant 63 : i32
        %and3A_456 = vector.broadcast %and3A_455 : i32 to vector<16xi32>
        %and3A_457 = arith.andi %min3A_454, %and3A_456 : vector<16xi32>
        %sub3A_458 = arith.constant 64 : i32
        %sub3A_459 = vector.broadcast %sub3A_458 : i32 to vector<16xi32>
        %sub3A_460 = arith.subi %sub3A_459, %and3A_447 : vector<16xi32>
        %sub3A_461 = arith.constant 64 : i32
        %sub3A_462 = vector.broadcast %sub3A_461 : i32 to vector<16xi32>
        %sub3A_463 = arith.subi %sub3A_462, %and3A_457 : vector<16xi32>
        %get3A_464 = arith.constant 0 : i32
        %get3A_465 = arith.index_cast %add3A_78 : i32 to index
        %get3A_466 = arith.index_cast %get3A_464 : i32 to index
        %get3A_467 = arith.constant 80 : index
        %get3A_468 = tpu.vector_load %arg8[%get3A_465, %get3A_466, %get3A_467] {strides = array<i32>} : memref<64x2x128xi32, #tpu.memory_space<vmem>>, vector<16xi32>,
        %min3A_469 = vector.broadcast %sub3A_199 : i32 to vector<16xi32>
        %min3A_470 = arith.minsi %get3A_468, %min3A_469 : vector<16xi32>
        %and3A_471 = arith.constant 63 : i32
        %and3A_472 = vector.broadcast %and3A_471 : i32 to vector<16xi32>
        %and3A_473 = arith.andi %min3A_470, %and3A_472 : vector<16xi32>
        %get3A_474 = arith.constant 1 : i32
        %get3A_475 = arith.index_cast %add3A_78 : i32 to index
        %get3A_476 = arith.index_cast %get3A_474 : i32 to index
        %get3A_477 = arith.constant 80 : index
        %get3A_478 = tpu.vector_load %arg8[%get3A_475, %get3A_476, %get3A_477] {strides = array<i32>} : memref<64x2x128xi32, #tpu.memory_space<vmem>>, vector<16xi32>,
        %min3A_479 = vector.broadcast %sub3A_329 : i32 to vector<16xi32>
        %min3A_480 = arith.minsi %get3A_478, %min3A_479 : vector<16xi32>
        %and3A_481 = arith.constant 63 : i32
        %and3A_482 = vector.broadcast %and3A_481 : i32 to vector<16xi32>
        %and3A_483 = arith.andi %min3A_480, %and3A_482 : vector<16xi32>
        %sub3A_484 = arith.constant 64 : i32
        %sub3A_485 = vector.broadcast %sub3A_484 : i32 to vector<16xi32>
        %sub3A_486 = arith.subi %sub3A_485, %and3A_473 : vector<16xi32>
        %sub3A_487 = arith.constant 64 : i32
        %sub3A_488 = vector.broadcast %sub3A_487 : i32 to vector<16xi32>
        %sub3A_489 = arith.subi %sub3A_488, %and3A_483 : vector<16xi32>
        %get3A_490 = arith.constant 0 : i32
        %get3A_491 = arith.index_cast %add3A_78 : i32 to index
        %get3A_492 = arith.index_cast %get3A_490 : i32 to index
        %get3A_493 = arith.constant 96 : index
        %get3A_494 = tpu.vector_load %arg8[%get3A_491, %get3A_492, %get3A_493] {strides = array<i32>} : memref<64x2x128xi32, #tpu.memory_space<vmem>>, vector<16xi32>,
        %min3A_495 = vector.broadcast %sub3A_199 : i32 to vector<16xi32>
        %min3A_496 = arith.minsi %get3A_494, %min3A_495 : vector<16xi32>
        %and3A_497 = arith.constant 63 : i32
        %and3A_498 = vector.broadcast %and3A_497 : i32 to vector<16xi32>
        %and3A_499 = arith.andi %min3A_496, %and3A_498 : vector<16xi32>
        %get3A_500 = arith.constant 1 : i32
        %get3A_501 = arith.index_cast %add3A_78 : i32 to index
        %get3A_502 = arith.index_cast %get3A_500 : i32 to index
        %get3A_503 = arith.constant 96 : index
        %get3A_504 = tpu.vector_load %arg8[%get3A_501, %get3A_502, %get3A_503] {strides = array<i32>} : memref<64x2x128xi32, #tpu.memory_space<vmem>>, vector<16xi32>,
        %min3A_505 = vector.broadcast %sub3A_329 : i32 to vector<16xi32>
        %min3A_506 = arith.minsi %get3A_504, %min3A_505 : vector<16xi32>
        %and3A_507 = arith.constant 63 : i32
        %and3A_508 = vector.broadcast %and3A_507 : i32 to vector<16xi32>
        %and3A_509 = arith.andi %min3A_506, %and3A_508 : vector<16xi32>
        %sub3A_510 = arith.constant 64 : i32
        %sub3A_511 = vector.broadcast %sub3A_510 : i32 to vector<16xi32>
        %sub3A_512 = arith.subi %sub3A_511, %and3A_499 : vector<16xi32>
        %sub3A_513 = arith.constant 64 : i32
        %sub3A_514 = vector.broadcast %sub3A_513 : i32 to vector<16xi32>
        %sub3A_515 = arith.subi %sub3A_514, %and3A_509 : vector<16xi32>
        %get3A_516 = arith.constant 0 : i32
        %get3A_517 = arith.index_cast %add3A_78 : i32 to index
        %get3A_518 = arith.index_cast %get3A_516 : i32 to index
        %get3A_519 = arith.constant 112 : index
        %get3A_520 = tpu.vector_load %arg8[%get3A_517, %get3A_518, %get3A_519] {strides = array<i32>} : memref<64x2x128xi32, #tpu.memory_space<vmem>>, vector<16xi32>,
        %min3A_521 = vector.broadcast %sub3A_199 : i32 to vector<16xi32>
        %min3A_522 = arith.minsi %get3A_520, %min3A_521 : vector<16xi32>
        %and3A_523 = arith.constant 63 : i32
        %and3A_524 = vector.broadcast %and3A_523 : i32 to vector<16xi32>
        %and3A_525 = arith.andi %min3A_522, %and3A_524 : vector<16xi32>
        %get3A_526 = arith.constant 1 : i32
        %get3A_527 = arith.index_cast %add3A_78 : i32 to index
        %get3A_528 = arith.index_cast %get3A_526 : i32 to index
        %get3A_529 = arith.constant 112 : index
        %get3A_530 = tpu.vector_load %arg8[%get3A_527, %get3A_528, %get3A_529] {strides = array<i32>} : memref<64x2x128xi32, #tpu.memory_space<vmem>>, vector<16xi32>,
        %min3A_531 = vector.broadcast %sub3A_329 : i32 to vector<16xi32>
        %min3A_532 = arith.minsi %get3A_530, %min3A_531 : vector<16xi32>
        %and3A_533 = arith.constant 63 : i32
        %and3A_534 = vector.broadcast %and3A_533 : i32 to vector<16xi32>
        %and3A_535 = arith.andi %min3A_532, %and3A_534 : vector<16xi32>
        %sub3A_536 = arith.constant 64 : i32
        %sub3A_537 = vector.broadcast %sub3A_536 : i32 to vector<16xi32>
        %sub3A_538 = arith.subi %sub3A_537, %and3A_525 : vector<16xi32>
        %sub3A_539 = arith.constant 64 : i32
        %sub3A_540 = vector.broadcast %sub3A_539 : i32 to vector<16xi32>
        %sub3A_541 = arith.subi %sub3A_540, %and3A_535 : vector<16xi32>
        %parallel_loop3A = arith.constant 0 : i32
        %parallel_loop3A_542 = arith.constant 64 : i32
        %parallel_loop3A_543 = arith.constant 1 : i32
        scf.for %parallel_loop3A_544 = %parallel_loop3A to %parallel_loop3A_542 step %parallel_loop3A_543  : i32 {
          %parallel_loop3A_545 = vector.broadcast %parallel_loop3A_544 : i32 to vector<16xi32>
          %parallel_loop3A_546 = arith.addi %sub3A_356, %parallel_loop3A_545 : vector<16xi32>
          %parallel_loop3A_547 = tpu.vector_load_idx %arg7[%broadcast_in_dim3A_330, %broadcast_in_dim3A_332, %parallel_loop3A_546] : memref<64x2x128xf32, #tpu.memory_space<vmem>>[vector<16xi32>, vector<16xi32>, vector<16xi32>], vector<16xf32>,
          %parallel_loop3A_548 = vector.broadcast %parallel_loop3A_544 : i32 to vector<16xi32>
          %parallel_loop3A_549 = arith.addi %sub3A_359, %parallel_loop3A_548 : vector<16xi32>
          %parallel_loop3A_550 = tpu.vector_load_idx %arg7[%broadcast_in_dim3A_330, %broadcast_in_dim3A_334, %parallel_loop3A_549] : memref<64x2x128xf32, #tpu.memory_space<vmem>>[vector<16xi32>, vector<16xi32>, vector<16xi32>], vector<16xf32>,
          %parallel_loop3A_551 = arith.addf %parallel_loop3A_547, %parallel_loop3A_550 : vector<16xf32>
          %parallel_loop3A_552 = arith.index_cast %parallel_loop3A_544 : i32 to index
          %parallel_loop3A_553 = arith.index_cast %add3A_75 : i32 to index
          %parallel_loop3A_554 = arith.constant 0 : index
          %parallel_loop3A_555 = tpu.vector_load %arg11[%parallel_loop3A_552, %parallel_loop3A_553, %parallel_loop3A_554] {strides = array<i32>} : memref<64x4x128xf32, #tpu.memory_space<vmem>>, vector<16xf32>,
          tpu.vector_store %arg11[%parallel_loop3A_552, %parallel_loop3A_553, %parallel_loop3A_554], %parallel_loop3A_551 {strides = array<i32>} : memref<64x4x128xf32, #tpu.memory_space<vmem>>, vector<16xf32>,
          %parallel_loop3A_556 = vector.broadcast %parallel_loop3A_544 : i32 to vector<16xi32>
          %parallel_loop3A_557 = arith.addi %sub3A_382, %parallel_loop3A_556 : vector<16xi32>
          %parallel_loop3A_558 = tpu.vector_load_idx %arg7[%broadcast_in_dim3A_330, %broadcast_in_dim3A_332, %parallel_loop3A_557] : memref<64x2x128xf32, #tpu.memory_space<vmem>>[vector<16xi32>, vector<16xi32>, vector<16xi32>], vector<16xf32>,
          %parallel_loop3A_559 = vector.broadcast %parallel_loop3A_544 : i32 to vector<16xi32>
          %parallel_loop3A_560 = arith.addi %sub3A_385, %parallel_loop3A_559 : vector<16xi32>
          %parallel_loop3A_561 = tpu.vector_load_idx %arg7[%broadcast_in_dim3A_330, %broadcast_in_dim3A_334, %parallel_loop3A_560] : memref<64x2x128xf32, #tpu.memory_space<vmem>>[vector<16xi32>, vector<16xi32>, vector<16xi32>], vector<16xf32>,
          %parallel_loop3A_562 = arith.addf %parallel_loop3A_558, %parallel_loop3A_561 : vector<16xf32>
          %parallel_loop3A_563 = arith.index_cast %parallel_loop3A_544 : i32 to index
          %parallel_loop3A_564 = arith.index_cast %add3A_75 : i32 to index
          %parallel_loop3A_565 = arith.constant 16 : index
          %parallel_loop3A_566 = tpu.vector_load %arg11[%parallel_loop3A_563, %parallel_loop3A_564, %parallel_loop3A_565] {strides = array<i32>} : memref<64x4x128xf32, #tpu.memory_space<vmem>>, vector<16xf32>,
          tpu.vector_store %arg11[%parallel_loop3A_563, %parallel_loop3A_564, %parallel_loop3A_565], %parallel_loop3A_562 {strides = array<i32>} : memref<64x4x128xf32, #tpu.memory_space<vmem>>, vector<16xf32>,
          %parallel_loop3A_567 = vector.broadcast %parallel_loop3A_544 : i32 to vector<16xi32>
          %parallel_loop3A_568 = arith.addi %sub3A_408, %parallel_loop3A_567 : vector<16xi32>
          %parallel_loop3A_569 = tpu.vector_load_idx %arg7[%broadcast_in_dim3A_330, %broadcast_in_dim3A_332, %parallel_loop3A_568] : memref<64x2x128xf32, #tpu.memory_space<vmem>>[vector<16xi32>, vector<16xi32>, vector<16xi32>], vector<16xf32>,
          %parallel_loop3A_570 = vector.broadcast %parallel_loop3A_544 : i32 to vector<16xi32>
          %parallel_loop3A_571 = arith.addi %sub3A_411, %parallel_loop3A_570 : vector<16xi32>
          %parallel_loop3A_572 = tpu.vector_load_idx %arg7[%broadcast_in_dim3A_330, %broadcast_in_dim3A_334, %parallel_loop3A_571] : memref<64x2x128xf32, #tpu.memory_space<vmem>>[vector<16xi32>, vector<16xi32>, vector<16xi32>], vector<16xf32>,
          %parallel_loop3A_573 = arith.addf %parallel_loop3A_569, %parallel_loop3A_572 : vector<16xf32>
          %parallel_loop3A_574 = arith.index_cast %parallel_loop3A_544 : i32 to index
          %parallel_loop3A_575 = arith.index_cast %add3A_75 : i32 to index
          %parallel_loop3A_576 = arith.constant 32 : index
          %parallel_loop3A_577 = tpu.vector_load %arg11[%parallel_loop3A_574, %parallel_loop3A_575, %parallel_loop3A_576] {strides = array<i32>} : memref<64x4x128xf32, #tpu.memory_space<vmem>>, vector<16xf32>,
          tpu.vector_store %arg11[%parallel_loop3A_574, %parallel_loop3A_575, %parallel_loop3A_576], %parallel_loop3A_573 {strides = array<i32>} : memref<64x4x128xf32, #tpu.memory_space<vmem>>, vector<16xf32>,
          %parallel_loop3A_578 = vector.broadcast %parallel_loop3A_544 : i32 to vector<16xi32>
          %parallel_loop3A_579 = arith.addi %sub3A_434, %parallel_loop3A_578 : vector<16xi32>
          %parallel_loop3A_580 = tpu.vector_load_idx %arg7[%broadcast_in_dim3A_330, %broadcast_in_dim3A_332, %parallel_loop3A_579] : memref<64x2x128xf32, #tpu.memory_space<vmem>>[vector<16xi32>, vector<16xi32>, vector<16xi32>], vector<16xf32>,
          %parallel_loop3A_581 = vector.broadcast %parallel_loop3A_544 : i32 to vector<16xi32>
          %parallel_loop3A_582 = arith.addi %sub3A_437, %parallel_loop3A_581 : vector<16xi32>
          %parallel_loop3A_583 = tpu.vector_load_idx %arg7[%broadcast_in_dim3A_330, %broadcast_in_dim3A_334, %parallel_loop3A_582] : memref<64x2x128xf32, #tpu.memory_space<vmem>>[vector<16xi32>, vector<16xi32>, vector<16xi32>], vector<16xf32>,
          %parallel_loop3A_584 = arith.addf %parallel_loop3A_580, %parallel_loop3A_583 : vector<16xf32>
          %parallel_loop3A_585 = arith.index_cast %parallel_loop3A_544 : i32 to index
          %parallel_loop3A_586 = arith.index_cast %add3A_75 : i32 to index
          %parallel_loop3A_587 = arith.constant 48 : index
          %parallel_loop3A_588 = tpu.vector_load %arg11[%parallel_loop3A_585, %parallel_loop3A_586, %parallel_loop3A_587] {strides = array<i32>} : memref<64x4x128xf32, #tpu.memory_space<vmem>>, vector<16xf32>,
          tpu.vector_store %arg11[%parallel_loop3A_585, %parallel_loop3A_586, %parallel_loop3A_587], %parallel_loop3A_584 {strides = array<i32>} : memref<64x4x128xf32, #tpu.memory_space<vmem>>, vector<16xf32>,
          %parallel_loop3A_589 = vector.broadcast %parallel_loop3A_544 : i32 to vector<16xi32>
          %parallel_loop3A_590 = arith.addi %sub3A_460, %parallel_loop3A_589 : vector<16xi32>
          %parallel_loop3A_591 = tpu.vector_load_idx %arg7[%broadcast_in_dim3A_330, %broadcast_in_dim3A_332, %parallel_loop3A_590] : memref<64x2x128xf32, #tpu.memory_space<vmem>>[vector<16xi32>, vector<16xi32>, vector<16xi32>], vector<16xf32>,
          %parallel_loop3A_592 = vector.broadcast %parallel_loop3A_544 : i32 to vector<16xi32>
          %parallel_loop3A_593 = arith.addi %sub3A_463, %parallel_loop3A_592 : vector<16xi32>
          %parallel_loop3A_594 = tpu.vector_load_idx %arg7[%broadcast_in_dim3A_330, %broadcast_in_dim3A_334, %parallel_loop3A_593] : memref<64x2x128xf32, #tpu.memory_space<vmem>>[vector<16xi32>, vector<16xi32>, vector<16xi32>], vector<16xf32>,
          %parallel_loop3A_595 = arith.addf %parallel_loop3A_591, %parallel_loop3A_594 : vector<16xf32>
          %parallel_loop3A_596 = arith.index_cast %parallel_loop3A_544 : i32 to index
          %parallel_loop3A_597 = arith.index_cast %add3A_75 : i32 to index
          %parallel_loop3A_598 = arith.constant 64 : index
          %parallel_loop3A_599 = tpu.vector_load %arg11[%parallel_loop3A_596, %parallel_loop3A_597, %parallel_loop3A_598] {strides = array<i32>} : memref<64x4x128xf32, #tpu.memory_space<vmem>>, vector<16xf32>,
          tpu.vector_store %arg11[%parallel_loop3A_596, %parallel_loop3A_597, %parallel_loop3A_598], %parallel_loop3A_595 {strides = array<i32>} : memref<64x4x128xf32, #tpu.memory_space<vmem>>, vector<16xf32>,
          %parallel_loop3A_600 = vector.broadcast %parallel_loop3A_544 : i32 to vector<16xi32>
          %parallel_loop3A_601 = arith.addi %sub3A_486, %parallel_loop3A_600 : vector<16xi32>
          %parallel_loop3A_602 = tpu.vector_load_idx %arg7[%broadcast_in_dim3A_330, %broadcast_in_dim3A_332, %parallel_loop3A_601] : memref<64x2x128xf32, #tpu.memory_space<vmem>>[vector<16xi32>, vector<16xi32>, vector<16xi32>], vector<16xf32>,
          %parallel_loop3A_603 = vector.broadcast %parallel_loop3A_544 : i32 to vector<16xi32>
          %parallel_loop3A_604 = arith.addi %sub3A_489, %parallel_loop3A_603 : vector<16xi32>
          %parallel_loop3A_605 = tpu.vector_load_idx %arg7[%broadcast_in_dim3A_330, %broadcast_in_dim3A_334, %parallel_loop3A_604] : memref<64x2x128xf32, #tpu.memory_space<vmem>>[vector<16xi32>, vector<16xi32>, vector<16xi32>], vector<16xf32>,
          %parallel_loop3A_606 = arith.addf %parallel_loop3A_602, %parallel_loop3A_605 : vector<16xf32>
          %parallel_loop3A_607 = arith.index_cast %parallel_loop3A_544 : i32 to index
          %parallel_loop3A_608 = arith.index_cast %add3A_75 : i32 to index
          %parallel_loop3A_609 = arith.constant 80 : index
          %parallel_loop3A_610 = tpu.vector_load %arg11[%parallel_loop3A_607, %parallel_loop3A_608, %parallel_loop3A_609] {strides = array<i32>} : memref<64x4x128xf32, #tpu.memory_space<vmem>>, vector<16xf32>,
          tpu.vector_store %arg11[%parallel_loop3A_607, %parallel_loop3A_608, %parallel_loop3A_609], %parallel_loop3A_606 {strides = array<i32>} : memref<64x4x128xf32, #tpu.memory_space<vmem>>, vector<16xf32>,
          %parallel_loop3A_611 = vector.broadcast %parallel_loop3A_544 : i32 to vector<16xi32>
          %parallel_loop3A_612 = arith.addi %sub3A_512, %parallel_loop3A_611 : vector<16xi32>
          %parallel_loop3A_613 = tpu.vector_load_idx %arg7[%broadcast_in_dim3A_330, %broadcast_in_dim3A_332, %parallel_loop3A_612] : memref<64x2x128xf32, #tpu.memory_space<vmem>>[vector<16xi32>, vector<16xi32>, vector<16xi32>], vector<16xf32>,
          %parallel_loop3A_614 = vector.broadcast %parallel_loop3A_544 : i32 to vector<16xi32>
          %parallel_loop3A_615 = arith.addi %sub3A_515, %parallel_loop3A_614 : vector<16xi32>
          %parallel_loop3A_616 = tpu.vector_load_idx %arg7[%broadcast_in_dim3A_330, %broadcast_in_dim3A_334, %parallel_loop3A_615] : memref<64x2x128xf32, #tpu.memory_space<vmem>>[vector<16xi32>, vector<16xi32>, vector<16xi32>], vector<16xf32>,
          %parallel_loop3A_617 = arith.addf %parallel_loop3A_613, %parallel_loop3A_616 : vector<16xf32>
          %parallel_loop3A_618 = arith.index_cast %parallel_loop3A_544 : i32 to index
          %parallel_loop3A_619 = arith.index_cast %add3A_75 : i32 to index
          %parallel_loop3A_620 = arith.constant 96 : index
          %parallel_loop3A_621 = tpu.vector_load %arg11[%parallel_loop3A_618, %parallel_loop3A_619, %parallel_loop3A_620] {strides = array<i32>} : memref<64x4x128xf32, #tpu.memory_space<vmem>>, vector<16xf32>,
          tpu.vector_store %arg11[%parallel_loop3A_618, %parallel_loop3A_619, %parallel_loop3A_620], %parallel_loop3A_617 {strides = array<i32>} : memref<64x4x128xf32, #tpu.memory_space<vmem>>, vector<16xf32>,
          %parallel_loop3A_622 = vector.broadcast %parallel_loop3A_544 : i32 to vector<16xi32>
          %parallel_loop3A_623 = arith.addi %sub3A_538, %parallel_loop3A_622 : vector<16xi32>
          %parallel_loop3A_624 = tpu.vector_load_idx %arg7[%broadcast_in_dim3A_330, %broadcast_in_dim3A_332, %parallel_loop3A_623] : memref<64x2x128xf32, #tpu.memory_space<vmem>>[vector<16xi32>, vector<16xi32>, vector<16xi32>], vector<16xf32>,
          %parallel_loop3A_625 = vector.broadcast %parallel_loop3A_544 : i32 to vector<16xi32>
          %parallel_loop3A_626 = arith.addi %sub3A_541, %parallel_loop3A_625 : vector<16xi32>
          %parallel_loop3A_627 = tpu.vector_load_idx %arg7[%broadcast_in_dim3A_330, %broadcast_in_dim3A_334, %parallel_loop3A_626] : memref<64x2x128xf32, #tpu.memory_space<vmem>>[vector<16xi32>, vector<16xi32>, vector<16xi32>], vector<16xf32>,
          %parallel_loop3A_628 = arith.addf %parallel_loop3A_624, %parallel_loop3A_627 : vector<16xf32>
          %parallel_loop3A_629 = arith.index_cast %parallel_loop3A_544 : i32 to index
          %parallel_loop3A_630 = arith.index_cast %add3A_75 : i32 to index
          %parallel_loop3A_631 = arith.constant 112 : index
          %parallel_loop3A_632 = tpu.vector_load %arg11[%parallel_loop3A_629, %parallel_loop3A_630, %parallel_loop3A_631] {strides = array<i32>} : memref<64x4x128xf32, #tpu.memory_space<vmem>>, vector<16xf32>,
          tpu.vector_store %arg11[%parallel_loop3A_629, %parallel_loop3A_630, %parallel_loop3A_631], %parallel_loop3A_628 {strides = array<i32>} : memref<64x4x128xf32, #tpu.memory_space<vmem>>, vector<16xf32>,
        } {sc.loop_unroll_factor = 4 : i64, sc.parallel_access}
      }
      %scan3A_64 = arith.constant 4 : i32
      %dma_start3A_65 = arith.constant 0 : i32
      %dma_start3A_66 = arith.constant 0 : i32
      %dma_start3A_67 = tpu.memref_slice %arg5[%dma_start3A_65, %add3A_54, %dma_start3A_66] : memref<64x2048x128xf32, #tpu.memory_space<hbm>> -> memref<64x4x128xf32, #tpu.memory_space<hbm>>
      %dma_start3A_68 = arith.constant 0 : i32
      %dma_start3A_69 = arith.constant 0 : i32
      %dma_start3A_70 = tpu.memref_slice %arg5[%dma_start3A_68, %add3A_54, %dma_start3A_69] : memref<64x2048x128xf32, #tpu.memory_space<hbm>> -> memref<64x4x128xf32, #tpu.memory_space<hbm>>
      tpu.enqueue_dma source(%arg11 : memref<64x4x128xf32, #tpu.memory_space<vmem>>) target(%dma_start3A_70 : memref<64x4x128xf32, #tpu.memory_space<hbm>>) target_semaphore(%arg13 : memref<!tpu.dma_semaphore, #tpu.memory_space<semaphore_mem>>)
    }
    %scan3A_12 = arith.constant 8 : i32
    %dma_wait3A = arith.constant 0 : i32
    %dma_wait3A_13 = arith.constant 0 : i32
    %dma_wait3A_14 = tpu.memref_slice %arg5[%dma_wait3A, %mul3A_2, %dma_wait3A_13] : memref<64x2048x128xf32, #tpu.memory_space<hbm>> -> memref<64x4x128xf32, #tpu.memory_space<hbm>>
    %dma_wait3A_15 = arith.constant 0 : i32
    %dma_wait3A_16 = arith.constant 0 : i32
    %dma_wait3A_17 = tpu.memref_slice %arg5[%dma_wait3A_15, %mul3A_2, %dma_wait3A_16] : memref<64x2048x128xf32, #tpu.memory_space<hbm>> -> memref<64x4x128xf32, #tpu.memory_space<hbm>>
    tpu.wait_dma2 semaphore(%arg12 : memref<!tpu.dma_semaphore, #tpu.memory_space<semaphore_mem>>) src(%arg10 : memref<64x4x128xf32, #tpu.memory_space<vmem>>) dst(%dma_wait3A_17 : memref<64x4x128xf32, #tpu.memory_space<hbm>>)
    %dma_wait3A_18 = arith.constant 0 : i32
    %dma_wait3A_19 = arith.constant 0 : i32
    %dma_wait3A_20 = tpu.memref_slice %arg5[%dma_wait3A_18, %mul3A_2, %dma_wait3A_19] : memref<64x2048x128xf32, #tpu.memory_space<hbm>> -> memref<64x4x128xf32, #tpu.memory_space<hbm>>
    %dma_wait3A_21 = arith.constant 0 : i32
    %dma_wait3A_22 = arith.constant 0 : i32
    %dma_wait3A_23 = tpu.memref_slice %arg5[%dma_wait3A_21, %mul3A_2, %dma_wait3A_22] : memref<64x2048x128xf32, #tpu.memory_space<hbm>> -> memref<64x4x128xf32, #tpu.memory_space<hbm>>
    tpu.wait_dma2 semaphore(%arg13 : memref<!tpu.dma_semaphore, #tpu.memory_space<semaphore_mem>>) src(%arg11 : memref<64x4x128xf32, #tpu.memory_space<vmem>>) dst(%dma_wait3A_23 : memref<64x4x128xf32, #tpu.memory_space<hbm>>)
    return
  }
}

</mosaic_0001>

<sc_bundles>
// kernel: kernel.3.cloned.1.call-start
scs
__scs_entry_jumppad:
0x0: {  	(pc) =	sbr.rel $0x88, $3  }
0x1: {  	(tag) =	ssettag $0x0;
	lr =	simm.s32 $0x1  }
0x2: {  	[smem:$0x3F9E] =	sst lr;
	_ =	strace $0xD0000000  }
0x3: {  	_ = 	snop  }
0x4: {  	_ = 	snop  }
0x5: {  	_ = 	snop  }
0x6: {  	_ = 	snop  }
0x7: {  	_ = 	snop  }
__scs_overlays_trampoline_lowered:
0x8: {  	[smem:$0x3FAD] =	sst s0  }
0x9: {  	[smem:$0x3FAE] =	sst s1  }
0xa: {  	[smem:$0x3FAF] =	sst s2  }
0xb: {  	[smem:$0x3FB0] =	sst s3  }
0xc: {  	[smem:$0x3FB1] =	sst s4  }
0xd: {  	[smem:$0x3FB2] =	sst s5  }
0xe: {  	[smem:$0x3FB3] =	sst s6  }
0xf: {  	[smem:$0x3FB4] =	sst s7  }
0x10: {  	[smem:$0x3FB5] =	sst s8  }
0x11: {  	[smem:$0x3FB6] =	sst s9;
	s0 =	simm.s32 @!p0 $0x0  }
0x12: {  	s1 =	sld [smem:$0x3F9C];
	s0 =	simm.s32 @p0 $0x1  }
0x13: {  	[smem:$0x3FB7] =	sst s0;
	s0 =	simm.s32 @!p1 $0x0  }
0x14: {  	s2 =	sld [smem:$0x3F9B];
	s0 =	simm.s32 @p1 $0x1  }
0x15: {  	[smem:$0x3FB8] =	sst s0;
	s0 =	simm.s32 @!p2 $0x0  }
0x16: {  	s3 =	sld [smem:$0x3FDB];
	s0 =	simm.s32 @p2 $0x1  }
0x17: {  	s4 =	simm.s32 $0x1BF5;
	[smem:$0x3FBA] =	sst s0  }
0x18: {  	s0 =	sld [smem:$0x3F9D];
	_ =	swait.ge [sflag:s4], $0x0  }
0x19: {  	s7 =	sld [smem:$0x3F9E]  }
0x1a: {  	s8 =	sadd.s32 $0xFFFFE003, lr  }
0x1b: {  	s9 =	sadd.s32 $0xFFFFFEF7, lr;
	s5 =	simm.s32 $0xFFFFFFFF;
	p2 =	slt.u32 s8, $0xFFFFF086  }
0x1c: {  	p1 =	slt.u32 s9, $0xF7A;
	s5 =	simm.s32 @!p2 $0x0  }
0x1d: {  	s5 =	simm.s32 @p1 $0x1;
	p0 =	seq.s32 s7, s2  }
0x1e: {  	s7 =	smul.u32 @!p0 $0xF7A, s2;
	p2 =	seq.s32 @!p0 s5, $0x0  }
0x1f: {  	s9 =	smul.u32 $0xF7A, s1;
	s8 =	simm.s32 @!p0 $0x1BF5;
	p2 =	por !p2, p0  }
0x20: {  	[sflag:s8] =	ssyncset.s32 @!p0 $0xFFFFF086;
	s6 =	sadd.s32 @!p0 s3, s7;
	s7 =	simm.s32 @!p0 $0x108  }
0x21: {  	s3 =	sadd.s32 s3, s9;
	s6 =	sadd.s32 @!p0 $0x88, s6;
	s7 =	simm.s32 @p2 $0x1082  }
0x22: {  	[simem:s7], [sflag:s8] =	dma.local @!p0 [hbm:s6], $0xF7A  }
0x23: {  	s9 =	sor.u32 $0xD0000000, s2;
	s6 =	simm.s32 $0x108;
	_ =	swait.ge @!p0 [sflag:s8], $0x0  }
0x24: {  	s3 =	sadd.s32 $0x88, s3;
	s6 =	simm.s32 @!p1 $0x1082;
	[sflag:s4] =	ssyncset.s32 $0xFFFFF086  }
0x25: {  	[simem:s6], [sflag:s4] =	dma.local [hbm:s3], $0xF7A  }
0x26: {  	[smem:$0x3F9E] =	sst s1;
	(tag) =	ssettag s2;
	_ =	strace s9  }
0x27: {  	s1 =	sld [smem:$0x3FAE]  }
0x28: {  	s2 =	sld [smem:$0x3FAF]  }
0x29: {  	s4 =	sld [smem:$0x3FB1]  }
0x2a: {  	p0 =	seq.s32 s5, $0x0;
	s5 =	sld [smem:$0x3FB2]  }
0x2b: {  	s6 =	sld [smem:$0x3FB3]  }
0x2c: {  	s7 =	sld [smem:$0x3FB4]  }
0x2d: {  	s3 =	simm.s32 $0x108;
	s8 =	sld [smem:$0x3FB5]  }
0x2e: {  	s3 =	simm.s32 @!p0 $0x1082;
	s9 =	sld [smem:$0x3FB6]  }
0x2f: {  	lr =	sadd.s32 s0, s3;
	s0 =	sld [smem:$0x3FAD]  }
0x30: {  	s3 =	sld [smem:$0x3FB0]  }
0x31: {  	[smem:$0x3FB9] =	sst s10  }
0x32: {  	s10 =	sld [smem:$0x3FB7];
	_ =	sdelay $0x3  }
0x33: {  	p0 =	seq.s32 s10, $0x1;
	s10 =	sld [smem:$0x3FB9];
	_ =	sdelay $0x3  }
0x34: {  	[smem:$0x3FB9] =	sst s10  }
0x35: {  	s10 =	sld [smem:$0x3FB8];
	_ =	sdelay $0x3  }
0x36: {  	p1 =	seq.s32 s10, $0x1;
	s10 =	sld [smem:$0x3FB9];
	_ =	sdelay $0x3  }
0x37: {  	[smem:$0x3FB9] =	sst s10  }
0x38: {  	s10 =	sld [smem:$0x3FBA]  }
0x39: {  	_ = 	snop;
	(pc) =	sbr.ind lr, $3  }
0x3a: {  	_ = 	snop  }
0x3b: {  	_ = 	snop  }
0x3c: {  	p2 =	seq.s32 s10, $0x1;
	s10 =	sld [smem:$0x3FB9]  }
0x3d: {  	_ =	shalt  }
0x3e: {  	_ =	shalt  }
0x3f: {  	_ =	shalt  }
0x40: {  	_ =	shalt  }
0x41: {  	_ =	shalt  }
0x42: {  	_ =	shalt  }
0x43: {  	_ =	shalt  }
0x44: {  	_ =	shalt  }
0x45: {  	_ =	shalt  }
0x46: {  	_ =	shalt  }
0x47: {  	_ =	shalt  }
0x48: {  	_ =	shalt  }
0x49: {  	_ =	shalt  }
0x4a: {  	_ =	shalt  }
0x4b: {  	_ =	shalt  }
0x4c: {  	_ =	shalt  }
0x4d: {  	_ =	shalt  }
0x4e: {  	_ =	shalt  }
0x4f: {  	_ =	shalt  }
0x50: {  	_ =	shalt  }
0x51: {  	_ =	shalt  }
0x52: {  	_ =	shalt  }
0x53: {  	_ =	shalt  }
0x54: {  	_ =	shalt  }
0x55: {  	_ =	shalt  }
0x56: {  	_ =	shalt  }
0x57: {  	_ =	shalt  }
0x58: {  	_ =	shalt  }
0x59: {  	_ =	shalt  }
0x5a: {  	_ =	shalt  }
0x5b: {  	_ =	shalt  }
0x5c: {  	_ =	shalt  }
0x5d: {  	_ =	shalt  }
0x5e: {  	_ =	shalt  }
0x5f: {  	_ =	shalt  }
0x60: {  	_ =	shalt  }
0x61: {  	_ =	shalt  }
0x62: {  	_ =	shalt  }
0x63: {  	_ =	shalt  }
0x64: {  	_ =	shalt  }
0x65: {  	_ =	shalt  }
0x66: {  	_ =	shalt  }
0x67: {  	_ =	shalt  }
0x68: {  	_ =	shalt  }
0x69: {  	_ =	shalt  }
0x6a: {  	_ =	shalt  }
0x6b: {  	_ =	shalt  }
0x6c: {  	_ =	shalt  }
0x6d: {  	_ =	shalt  }
0x6e: {  	_ =	shalt  }
0x6f: {  	_ =	shalt  }
0x70: {  	_ =	shalt  }
0x71: {  	_ =	shalt  }
0x72: {  	_ =	shalt  }
0x73: {  	_ =	shalt  }
0x74: {  	_ =	shalt  }
0x75: {  	_ =	shalt  }
0x76: {  	_ =	shalt  }
0x77: {  	_ =	shalt  }
0x78: {  	_ =	shalt  }
0x79: {  	_ =	shalt  }
0x7a: {  	_ =	shalt  }
0x7b: {  	_ =	shalt  }
0x7c: {  	_ =	shalt  }
0x7d: {  	_ =	shalt  }
0x7e: {  	_ =	shalt  }
0x7f: {  	_ =	shalt  }
0x80: {  	_ =	shalt  }
0x81: {  	_ =	shalt  }
0x82: {  	_ =	shalt  }
0x83: {  	_ =	shalt  }
0x84: {  	_ =	shalt  }
0x85: {  	_ =	shalt  }
0x86: {  	_ =	shalt  }
0x87: {  	_ =	shalt  }
.Lfunc_end0:
.L_simem_size_0:
called_computation_lowered:
.L_overlay_start_0:
0x88: {  	s2 =	sld [smem:$0x3FD9]  }
0x89: {  	s3 =	sld [smem:$0x3FFE];
	_ =	sdelay $0x1  }
0x8a: {  	s1 =	srdreg.scid  }
0x8b: {  	s0 =	sand.u32 $0x1, s1  }
0x8c: {  	s17 =	sshll.u32 s0, $0xA;
	s2 =	sadd.s32 s3, s2  }
0x8d: {  	s2 =	sadd.s32 s2, s17  }
0x8e: {  	[smem:$0x3FC5] =	sst s2  }
0x8f: {  	_ = 	snop  }
0x90: {  	s2 =	sld [smem:$0x3FD0];
	(tm) =	ssettm $0x1  }
0x91: {  	s18 =	sld [smem:$0x3FFB];
	_ =	sdelay $0x3  }
0x92: {  	_ =	strace s18  }
0x93: {  	s3 =	sld [smem:$0x3FFC];
	_ =	sdelay $0x3  }
0x94: {  	_ =	strace s3  }
0x95: {  	s3 =	sld [smem:$0x3FFD];
	_ =	sdelay $0x3  }
0x96: {  	_ =	strace s3  }
0x97: {  	_ =	strace $0x8FFFFFFF  }
0x98: {  	s19 =	sld [smem:$0x3FDB];
	_ =	sdelay $0x1  }
0x99: {  	s4 =	simm.s32 $_scs_section_size  }
0x9a: {  	s5 =	simm.s32 $_size__tile_overlayer_lowered;
	s6 =	simm.s32 $_tile_overlayer_lowered  }
0x9b: {  	s22 =	simm.s32 $0x1BFF;
	s21 =	sshll.u32 s6, $0x1;
	s3 =	sadd.s32 s4, s19  }
0x9c: {  	s7 =	simm.s32 $0x0;
	s20 =	sshll.u32 s5, $0x1;
	s5 =	sadd.s32 s21, s3  }
0x9d: {  	[timem:s7], [sflag:s22] =	dma.local [hbm:s5], s20  }
0x9e: {  	_ =	swait.ge [sflag:s22], s20  }
0x9f: {  	s4 =	ssub.s32 $0x0, s20;
	[sflag:s22] =	ssyncset.done $0x0  }
0xa0: {  	[sflag:s22] =	ssyncadd.s32 s4;
	_ =	sdelay $0x1  }
0xa1: {  	s23 =	simm.s32 $0x1B8B  }
0xa2: {  	_ =	swait.ge [sflag:s23], $0x1  }
0xa3: {  	[sflag:s23] =	ssyncset.done $0x0  }
0xa4: {  	s25 =	simm.s32 $0x1B8E;
	s24 =	sld [smem:$0x3FFE];
	[sflag:s23] =	ssyncadd.s32 $0xFFFFFFFF  }
0xa5: {  	s26 =	simm.s32 $execute0_lowered;
	[smem:$0x3FD2] =	sst s25  }
0xa6: {  	s5 =	sshll.u32 s26, $0x1;
	_ =	strace $0x80000046;
	[dreg:$0x1] =	wrdreg $0xFFFFFFFF  }
0xa7: {  	s28 =	simm.s32 $_size_execute0_lowered;
	s3 =	sadd.s32 s3, s5;
	[dreg:$0x0] =	wrdreg $0x0  }
0xa8: {  	s5 =	sshll.u32 s28, $0x1;
	[dreg:$0x2] =	wrdreg s3  }
0xa9: {  	[dreg:$0x3] =	wrdreg s5  }
0xaa: {  	[dreg:$0x4] =	wrdreg $0xC0  }
0xab: {  	_ =	task [dreg:s7], $0x5FFFF  }
0xac: {  	[dreg:$0x1] =	wrdreg $0xFFFFFFFF  }
0xad: {  	[dreg:$0x0] =	wrdreg $0x60  }
0xae: {  	[dreg:$0x2] =	wrdreg s24  }
0xaf: {  	[dreg:$0x3] =	wrdreg s2  }
0xb0: {  	[dreg:$0x4] =	wrdreg $0x9  }
0xb1: {  	_ =	task.clear_ibuf [dreg:s7], $0x5FFFF;
	_ =	strace $0x90000046  }
0xb2: {  	s29 =	simm.s32 $0x9;
	_ =	strace $0x80000048  }
0xb3: {  	_ =	swait.ge [sflag:s29], $0x1  }
0xb4: {  	[sflag:s29] =	ssyncadd.s32 $0xFFFFFFFF  }
0xb5: {  	_ =	strace $0x90000048  }
0xb6: {  	_ =	sfence  }
0xb7: {  	s30 =	sld [smem:$0x0];
	_ =	sdelay $0x2  }
0xb8: {  	s31 =	sshll.u32 s1, $0xD;
	s1 =	sshrl.u32 s1, $0x2  }
0xb9: {  	s3 =	sand.u32 $0x4000, s31;
	s1 =	sadd.s32 s1, s30  }
0xba: {  	s0 =	sor.u32 s3, s0;
	s1 =	sshll.u32 s1, $0x11  }
0xbb: {  	s0 =	sor.u32 s1, s0  }
0xbc: {  	s0 =	sadd.s32 $0x8F2B, s0  }
0xbd: {  	[sflag:s0] =	ssyncadd.remote.s32 $0x1  }
0xbe: {  	_ =	sfence.sel $0xFFFF  }
0xbf: {  	[dreg:$0x0] =	wrdreg $0xFFFFFFFF;
	(pc) =	sbr.abs _section_cstart, $3  }
0xc0: {  	[dreg:$0x1] =	wrdreg $0xFFFFFFFF  }
0xc1: {  	_ =	task.clear_ibuf [dreg:s7], $0x2FFFF;
	_ =	strace $0x9FFFFFFF  }
0xc2: {  	(tm) =	ssettm $0x7FFFFFFF  }
0xc3: {  	_ =	shalt  }
tec
execute0_lowered:
.L_overlay_start_1:
0x0: {  	(tag) =	ssettag $0x1  }
0x1: {  	s0 =	rddreg [dreg:$0x0]  }
0x2: {  	s2 =	rddreg [dreg:$0x1];
	s1 =	srdreg.scid  }
0x3: {  	s5 =	stileid.u32;
	s3 =	simm.s32 $0x0;
	s9 =	simm.s32 $0x3  }
0x4: {  	s12 =	simm.s32 $0x4000;
	s13 =	simm.s32 $0x200;
	s14 =	simm.s32 $0x40000  }
0x5: {  	s15 =	simm.s32 $0xC080;
	s16 =	simm.s32 $0x14080;
	s1 =	sand.u32 $0x1, s1  }
0x6: {  	s17 =	simm.s32 $0x1;
	s5 =	sshll.u32 s5, $0x6;
	s4 =	sshll.u32 s1, $0xA  }
0x7: {  	s18 =	simm.s32 $0x2;
	s19 =	simm.s32 $0x0;
	s4 =	sor.u32 s5, s4  }
0x8: {  	[smem:$0x7FF] =	sst s3;
	s1 =	ssub.s32 $0x2, s1;
	s5 =	sshll.u32 s4, $0x5  }
0x9: {  	v3 =	vlaneseq.u32;
	s31 =	sshrl.u32 s1, $0x1;
	s5 =	sadd.s32 s5, s0;
	s0 =	sadd.s32 $0x20A00, s0  }
0xa: {  	v0 =	vor.u32 $0x80000000, v3;
	v1 =	vor.u32 $0x80000010, v3;
	_ =	strace $0x80000047;
	[dreg:$0x3] =	wrdreg s0;
	s0 =	ssub.s32 s1, s31  }
0xb: {  	v2 =	vor.u32 $0x80000020, v3;
	v3 =	vor.u32 $0x80000030, v3;
	s6 =	sadd.s32 $0xA00, s5;
	s7 =	sadd.s32 $0x10A00, s5;
	s8 =	smax.u32 s0, $0x1  }
.LBB2_1:
0xc: {  	[tilespmem:s3], [sflag:$0x3] =	stream.linear.gather [hbm4b:s6+s3], $0x4000, $0x38;
	[tilespmem:$0x1C080] =	vst v63  }
0xd: {  	_ =	swait.ge [sflag:s9], $0x4000  }
0xe: {  	[sflag:s9] =	ssyncset.done $0x0  }
0xf: {  	s0 =	simm.s32 $0x8000;
	[sflag:s9] =	ssyncadd.s32 $0xFFFFC000  }
0x10: {  	[tilespmem:s0], [sflag:$0x3] =	stream.linear.gather [hbm4b:s7+s3], $0x4000, $0x38;
	[tilespmem:$0x1C080] =	vst v63  }
0x11: {  	_ =	swait.ge [sflag:s9], $0x4000  }
0x12: {  	[sflag:s9] =	ssyncset.done $0x0  }
0x13: {  	s1 =	simm.s32 $0xC000;
	s31 =	rddreg [dreg:$0x3];
	[sflag:s9] =	ssyncadd.s32 $0xFFFFC000  }
0x14: {  	[tilespmem:s1], [sflag:$0x3] =	stream.linear.gather [hbm4b:s31+s3], $0x80, $0x38;
	[tilespmem:$0x1C080] =	vst v63  }
0x15: {  	_ =	swait.ge [sflag:s9], $0x80  }
0x16: {  	[sflag:s9] =	ssyncset.done $0x0  }
0x17: {  	[sflag:s9] =	ssyncadd.s32 $0xFFFFFF80  }
0x18: {  	v4 =	vld [tilespmem:$0xC000];
	_ =	sdelay $0x4  }
0x19: {  	v4 =	vmul.f32 $1.442695020e+00, v4;
	_ =	sdelay $0x1  }
0x1a: {  	(erf) = vpow2.f32 v4;
	_ =	sdelay $0x3  }
0x1b: {  	s0 =	simm.s32 $0x0  }
0x1c: {  	v5 =	vld [tilespmem:s0+$0xB0]  }
0x1d: {  	v6 =	vld [tilespmem:s0+$0x0];
	_ =	sdelay $0x1  }
0x1e: {  	v7 =	vld [tilespmem:s0+$0x10]  }
0x1f: {  	v4 =	vpop (erf)  }
0x20: {  	v9 =	vld [tilespmem:s0+$0x30];
	v5 =	vmul.f32 v5, v4  }
0x21: {  	v6 =	vmul.f32 v6, v4  }
0x22: {  	v8 =	vld [tilespmem:s0+$0x20];
	[tilespmem:s0+$0x40F0] =	vst v5  }
0x23: {  	v10 =	vld [tilespmem:s0+$0x80];
	v7 =	vmul.f32 v7, v4;
	[tilespmem:s0+$0x4000] =	vst v6  }
0x24: {  	v11 =	vld [tilespmem:s0+$0x90];
	[tilespmem:s0+$0x4040] =	vst v6  }
0x25: {  	v12 =	vld [tilespmem:s0+$0xA0];
	v9 =	vmul.f32 v9, v4;
	[tilespmem:s0+$0x4010] =	vst v7  }
0x26: {  	[tilespmem:s0+$0x4050] =	vst v7  }
0x27: {  	v6 =	vmul.f32 v8, v4;
	[tilespmem:s0+$0x4030] =	vst v9  }
0x28: {  	[tilespmem:s0+$0x4070] =	vst v9  }
0x29: {  	v8 =	vmul.f32 v10, v4;
	[tilespmem:s0+$0x4020] =	vst v6  }
0x2a: {  	s5 =	simm.s32 $0x800;
	s1 =	simm.s32 $0x100;
	v7 =	vmul.f32 v11, v4;
	[tilespmem:s0+$0x4060] =	vst v6;
	v6 =	vmul.f32 v12, v4  }
.LBB2_2:
0x2b: {  	p0 =	sne.s32 s5, $0xFC00;
	v9 =	vld [tilespmem:s1+$0xB0];
	[tilespmem:s0+$0x4080] =	vst v8  }
0x2c: {  	v10 =	vld [tilespmem:s1+$0x0];
	[tilespmem:s0+$0x40C0] =	vst v8  }
0x2d: {  	v8 =	vld [tilespmem:s1+$0x10];
	[tilespmem:s0+$0x4090] =	vst v7  }
0x2e: {  	v11 =	vld [tilespmem:s1+$0x20];
	[tilespmem:s0+$0x40D0] =	vst v7  }
0x2f: {  	v7 =	vld [tilespmem:s1+$0x30];
	[tilespmem:s0+$0x40A0] =	vst v6  }
0x30: {  	v12 =	vld [tilespmem:s1+$0x80];
	v9 =	vmul.f32 v9, v4;
	[tilespmem:s0+$0x40E0] =	vst v6  }
0x31: {  	v6 =	vmul.f32 v10, v4;
	v10 =	vld [tilespmem:s1+$0x90];
	[tilespmem:s0+$0x40B0] =	vst v5;
	s0 =	smov.u32 s1  }
0x32: {  	v13 =	vmul.f32 v8, v4;
	v14 =	vld [tilespmem:s0+$0xA0];
	[tilespmem:s0+$0x40F0] =	vst v9;
	v5 =	vmov v9  }
0x33: {  	[tilespmem:s0+$0x4000] =	vst v6;
	v9 =	vmul.f32 v11, v4  }
0x34: {  	[tilespmem:s0+$0x4040] =	vst v6;
	v11 =	vmul.f32 v7, v4  }
0x35: {  	[tilespmem:s0+$0x4010] =	vst v13;
	v8 =	vmul.f32 v12, v4  }
.Ltmp0:
0x36: {  	[tilespmem:s0+$0x4050] =	vst v13;
	v7 =	vmul.f32 v10, v4;
	(pc) =	sbr.rel @p0 .LBB2_2-.Ltmp0, $4  }
0x37: {  	[tilespmem:s0+$0x4020] =	vst v9;
	v6 =	vmul.f32 v14, v4  }
0x38: {  	[tilespmem:s0+$0x4060] =	vst v9  }
0x39: {  	[tilespmem:s0+$0x4030] =	vst v11  }
0x3a: {  	s1 =	sshra.s32 s5, $0x2;
	s5 =	sadd.s32 $0x400, s5;
	[tilespmem:s0+$0x4070] =	vst v11  }
0x3b: {  	v9 =	vld [tilespmem:s1+$0xB0];
	[tilespmem:s0+$0x4080] =	vst v8  }
0x3c: {  	v10 =	vld [tilespmem:s1+$0x0];
	[tilespmem:s0+$0x40C0] =	vst v8  }
0x3d: {  	v8 =	vld [tilespmem:s1+$0x10];
	[tilespmem:s0+$0x4090] =	vst v7  }
0x3e: {  	v11 =	vld [tilespmem:s1+$0x20];
	[tilespmem:s0+$0x40D0] =	vst v7  }
0x3f: {  	v7 =	vld [tilespmem:s1+$0x30];
	[tilespmem:s0+$0x40A0] =	vst v6  }
0x40: {  	v12 =	vld [tilespmem:s1+$0x80];
	[tilespmem:s0+$0x40E0] =	vst v6;
	v9 =	vmul.f32 v9, v4  }
0x41: {  	v6 =	vld [tilespmem:s1+$0x90];
	[tilespmem:s0+$0x40B0] =	vst v5  }
0x42: {  	v5 =	vmul.f32 v10, v4;
	[tilespmem:s1+$0x40F0] =	vst v9  }
0x43: {  	[tilespmem:s1+$0x40B0] =	vst v9  }
0x44: {  	v8 =	vmul.f32 v8, v4;
	[tilespmem:s1+$0x4000] =	vst v5  }
0x45: {  	[tilespmem:s1+$0x4040] =	vst v5  }
0x46: {  	v5 =	vmul.f32 v11, v4;
	[tilespmem:s1+$0x4010] =	vst v8  }
0x47: {  	[tilespmem:s1+$0x4050] =	vst v8  }
0x48: {  	v7 =	vmul.f32 v7, v4;
	[tilespmem:s1+$0x4020] =	vst v5  }
0x49: {  	v63 =	vld [tilespmem:s1+$0xA0];
	[tilespmem:s1+$0x4060] =	vst v5  }
0x4a: {  	v5 =	vmul.f32 v12, v4;
	[tilespmem:s1+$0x4030] =	vst v7  }
0x4b: {  	[tilespmem:s1+$0x4070] =	vst v7  }
0x4c: {  	v6 =	vmul.f32 v6, v4;
	[tilespmem:s1+$0x4080] =	vst v5  }
0x4d: {  	[tilespmem:s1+$0x40C0] =	vst v5  }
0x4e: {  	v4 =	vmul.f32 v63, v4;
	[tilespmem:s1+$0x4090] =	vst v6  }
0x4f: {  	[tilespmem:s1+$0x40D0] =	vst v6  }
0x50: {  	[tilespmem:s1+$0x40A0] =	vst v4  }
0x51: {  	s20 =	simm.s32 $0x0;
	[tilespmem:s1+$0x40E0] =	vst v4  }
.LBB2_4:
0x52: {  	p0 =	seq.s32 s20, $0x0  }
0x53: {  	s0 =	simm.s32 @!p0 $0x1  }
0x54: {  	_ =	swait.ge @!p0 [sflag:s0], $0x8000  }
0x55: {  	s21 =	sshll.u32 s20, $0x3;
	s23 =	simm.s32 $0xC480;
	[sflag:s0] =	ssyncset.done @!p0 $0x0  }
0x56: {  	s24 =	simm.s32 $0x0;
	s22 =	sadd.s32 s4, s21;
	[sflag:s0] =	ssyncadd.s32 @!p0 $0xFFFF8000  }
.LBB2_5:
0x57: {  	s0 =	sor.u32 s21, s24  }
0x58: {  	s26 =	sshll.u32 s0, $0x8  }
0x59: {  	v4 =	vld [tilespmem:s26+$0x4000]  }
0x5a: {  	v5 =	vld [tilespmem:s26+$0x4010]  }
0x5b: {  	v6 =	vld [tilespmem:s26+$0x4020]  }
0x5c: {  	v7 =	vld [tilespmem:s26+$0x4030];
	_ =	sdelay $0x1  }
0x5d: {  	(xrf0) =	vmax.scan.msk.f32 $0xffff, v4  }
0x5e: {  	(xrf0) =	vmax.scan.msk.f32 $0xffff, v5  }
0x5f: {  	(xrf0) =	vmax.scan.msk.f32 $0xffff, v6  }
0x60: {  	(xrf0) =	vmax.scan.msk.f32 $0xffff, v7;
	_ =	sdelay $0x2  }
0x61: {  	v8, _, _ =	vpop (xrf0)  }
0x62: {  	(v2sf) =	vpush v8, $0xF;
	v8, _, _ =	vpop (xrf0)  }
0x63: {  	(v2sf) =	vpush v8, $0xF;
	v8, _, _ =	vpop (xrf0)  }
0x64: {  	(v2sf) =	vpush v8, $0xF;
	v8, _, _ =	vpop (xrf0)  }
0x65: {  	(v2sf) =	vpush v8, $0xF;
	_ =	sdelay $0xb  }
0x66: {  	s25 =	spop (v2sf)  }
0x67: {  	s1 =	spop (v2sf)  }
0x68: {  	s0 =	smax.f32 s25, s1;
	s5 =	spop (v2sf)  }
0x69: {  	s0 =	smax.f32 s0, s5;
	s10 =	spop (v2sf)  }
0x6a: {  	s0 =	smax.f32 s0, s10  }
0x6b: {  	vm0 =	veq.f32 v4, s0  }
0x6c: {  	vm6 =	veq.f32 v5, s0;
	v5 =	vld [tilespmem:s26+$0x4080];
	v4 =	vnsel vm0, $0x8000007F, v0  }
0x6d: {  	vm7 =	veq.f32 v6, s0;
	v6 =	vld [tilespmem:s26+$0x4090];
	(xrf0) =	vmin.scan.msk.u32 $0xffff, v4;
	v4 =	vnsel vm6, $0x8000007F, v1  }
0x6e: {  	vm8 =	veq.f32 v7, s0;
	v7 =	vld [tilespmem:s26+$0x40A0];
	(xrf0) =	vmin.scan.msk.u32 $0xffff, v4;
	v4 =	vnsel vm7, $0x8000007F, v2  }
0x6f: {  	v8 =	vld [tilespmem:s26+$0x40B0];
	(xrf0) =	vmin.scan.msk.u32 $0xffff, v4;
	v4 =	vnsel vm8, $0x8000007F, v3  }
0x70: {  	(xrf0) =	vmin.scan.msk.u32 $0xffff, v4  }
0x71: {  	(xrf0) =	vmax.scan.msk.f32 $0xffff, v5  }
0x72: {  	(xrf0) =	vmax.scan.msk.f32 $0xffff, v6  }
0x73: {  	v4, _, _ =	vpop (xrf0);
	(xrf0) =	vmax.scan.msk.f32 $0xffff, v7  }
0x74: {  	(v2sf) =	vpush v4, $0xF;
	v4, _, _ =	vpop (xrf0);
	(xrf0) =	vmax.scan.msk.f32 $0xffff, v8  }
0x75: {  	v9, _, _ =	vpop (xrf0);
	(v2sf) =	vpush v4, $0xF  }
0x76: {  	v4, _, _ =	vpop (xrf0);
	(v2sf) =	vpush v9, $0xF  }
0x77: {  	v9, _, _ =	vpop (xrf0);
	(v2sf) =	vpush v4, $0xF  }
0x78: {  	(v2sf) =	vpush v9, $0xF;
	v4, _, _ =	vpop (xrf0)  }
0x79: {  	(v2sf) =	vpush v4, $0xF;
	v4, _, _ =	vpop (xrf0)  }
0x7a: {  	(v2sf) =	vpush v4, $0xF;
	v4, _, _ =	vpop (xrf0)  }
0x7b: {  	(v2sf) =	vpush v4, $0xF;
	_ =	sdelay $0x7  }
0x7c: {  	s0 =	spop (v2sf)  }
0x7d: {  	s1 =	spop (v2sf)  }
0x7e: {  	s5 =	spop (v2sf)  }
0x7f: {  	s10 =	spop (v2sf)  }
0x80: {  	s11 =	spop (v2sf)  }
0x81: {  	s25 =	spop (v2sf)  }
0x82: {  	s11 =	smax.f32 s11, s25;
	s25 =	spop (v2sf)  }
0x83: {  	s11 =	smax.f32 s11, s25;
	s25 =	spop (v2sf)  }
0x84: {  	s11 =	smax.f32 s11, s25  }
0x85: {  	vm9 =	veq.f32 v5, s11  }
0x86: {  	vm10 =	veq.f32 v6, s11;
	v4 =	vnsel vm9, $0x8000007F, v0  }
0x87: {  	(xrf0) =	vmin.scan.msk.u32 $0xffff, v4;
	v4 =	vnsel vm10, $0x8000007F, v1  }
0x88: {  	vm11 =	veq.f32 v7, s11;
	(xrf0) =	vmin.scan.msk.u32 $0xffff, v4  }
0x89: {  	v4 =	vnsel vm11, $0x8000007F, v2  }
0x8a: {  	vm12 =	veq.f32 v8, s11;
	(xrf0) =	vmin.scan.msk.u32 $0xffff, v4  }
0x8b: {  	v4 =	vnsel vm12, $0x8000007F, v3;
	_ =	sdelay $0x1  }
0x8c: {  	v5, _, _ =	vpop (xrf0);
	(xrf0) =	vmin.scan.msk.u32 $0xffff, v4  }
0x8d: {  	v4, _, _ =	vpop (xrf0);
	(v2sf) =	vpush v5, $0xF  }
0x8e: {  	(v2sf) =	vpush v4, $0xF  }
0x8f: {  	v5, _, _ =	vpop (xrf0)  }
0x90: {  	(v2sf) =	vpush v5, $0xF;
	_ =	sdelay $0x1  }
0x91: {  	v4, _, _ =	vpop (xrf0)  }
0x92: {  	(v2sf) =	vpush v4, $0xF;
	_ =	sdelay $0x8  }
0x93: {  	s0 =	sxor.u32 $0x80000000, s0;
	s1 =	sxor.u32 $0x80000000, s1;
	s11 =	spop (v2sf)  }
0x94: {  	p1 =	slt.s32 s0, s1;
	s25 =	spop (v2sf)  }
0x95: {  	v10 =	vld [tilespmem:s26+$0x8030];
	s1 =	smov.u32 @p1 s0;
	s11 =	sxor.u32 $0x80000000, s11;
	s25 =	sxor.u32 $0x80000000, s25  }
0x96: {  	v11 =	vld [tilespmem:s26+$0x80B0];
	s0 =	sxor.u32 $0x80000000, s5;
	s28 =	spop (v2sf);
	p1 =	slt.s32 s11, s25  }
0x97: {  	v9 =	vld [tilespmem:s26+$0x80A0];
	p2 =	slt.s32 s1, s0;
	s5 =	sxor.u32 $0x80000000, s28;
	s25 =	smov.u32 @p1 s11  }
0x98: {  	s10 =	sxor.u32 $0x80000000, s10;
	s0 =	smov.u32 @p2 s1;
	v6 =	vld [tilespmem:s26+$0x8010];
	p1 =	slt.s32 s25, s5  }
0x99: {  	v4 =	vld [tilespmem:s26+$0x8000];
	s11 =	spop (v2sf);
	s5 =	smov.u32 @p1 s25;
	p1 =	slt.s32 s0, s10  }
0x9a: {  	v8 =	vld [tilespmem:s26+$0x8020];
	s1 =	sxor.u32 $0x80000000, s11;
	s10 =	smov.u32 @p1 s0  }
0x9b: {  	v5 =	vld [tilespmem:s26+$0x8080];
	p2 =	slt.s32 s5, s1;
	p1 =	slt.s32 s10, $0x40  }
0x9c: {  	v7 =	vld [tilespmem:s26+$0x8090];
	s1 =	smov.u32 @p2 s5;
	s10 =	simm.s32 @!p1 $0x40  }
0x9d: {  	v14 =	vld [tilespmem:s26+$0x80D0];
	p2 =	slt.s32 s1, $0x40;
	s25 =	ssub.s32 $0x3F, s10  }
0x9e: {  	v16 =	vld [tilespmem:s26+$0x80E0];
	s1 =	simm.s32 @!p2 $0x40;
	vm13 =	vlt.s32 v4, s25;
	vm14 =	vlt.s32 v6, s25  }
0x9f: {  	vm4 =	vlt.s32 v8, s25;
	vm6 =	vlt.s32 v10, s25;
	s1 =	ssub.s32 $0x3F, s1;
	v4 =	vnsel vm13, s25, v4  }
0xa0: {  	v10 =	vnsel vm6, s25, v10;
	vm1 =	vlt.s32 v5, s1;
	v4 =	vand.u32 $0x3F, v4  }
0xa1: {  	vm15 =	vlt.s32 v7, s1;
	vm5 =	vlt.s32 v9, s1;
	vm7 =	vlt.s32 v11, s1  }
0xa2: {  	v17 =	vld [tilespmem:s26+$0x8070];
	v10 =	vand.u32 $0x3F, v10;
	vm11 =	vlt.s32 v14, s1;
	v5 =	vnsel vm1, s1, v5  }
0xa3: {  	vm13 =	vlt.s32 v16, s1;
	v4 =	vsub.s32 s26, v4;
	v5 =	vand.u32 $0x3F, v5  }
0xa4: {  	v26 =	vadd.s32 $0x40, v4;
	v4 =	vmov s26;
	v22 =	vsub.s32 $0x40, v5  }
0xa5: {  	s11 =	simm.s32 $0x3;
	v5 =	vnsel vm14, s25, v6;
	v28 =	vadd.s32 $0x4, v26;
	v4 =	vor.u32 $0x80, v4  }
0xa6: {  	s0 =	simm.s32 $0x1;
	v36 =	vadd.s32 s11, v26;
	v12 =	vand.u32 $0x3F, v5;
	v5 =	vnsel vm15, s1, v7  }
0xa7: {  	s5 =	simm.s32 $0x2;
	v7 =	vnsel vm4, s25, v8;
	vm15 =	vlt.s32 v17, s25;
	v31 =	vadd.s32 s0, v22  }
0xa8: {  	v32 =	vadd.s32 s5, v22;
	v33 =	vadd.s32 s11, v22;
	v5 =	vand.u32 $0x3F, v5  }
0xa9: {  	v7 =	vand.u32 $0x3F, v7;
	v12 =	vsub.s32 s26, v12;
	v34 =	vand.u32 $0x7F, v31  }
0xaa: {  	v31 =	vand.u32 $0x80, v31;
	v35 =	vand.u32 $0x80, v33;
	v33 =	vand.u32 $0x7F, v33  }
0xab: {  	v37 =	vand.u32 $0x80, v32;
	v32 =	vand.u32 $0x7F, v32;
	v19 =	vsub.s32 $0x40, v5  }
0xac: {  	v5 =	vnsel vm5, s1, v9;
	v25 =	vadd.s32 $0x40, v12;
	v27 =	vadd.s32 $0x44, v12  }
0xad: {  	v7 =	vsub.s32 s26, v7;
	v35 =	vadd.s32 v4, v35;
	v31 =	vadd.s32 v4, v31  }
0xae: {  	v6 =	vld [tilespmem:s26+$0x8040];
	v60 =	vadd.s32 v4, v37;
	v5 =	vand.u32 $0x3F, v5;
	v24 =	vadd.s32 $0x40, v7  }
0xaf: {  	v23 =	vadd.s32 $0x44, v7;
	v7 =	vsub.s32 s26, v10;
	v33 =	vor.u32 v33, v35  }
0xb0: {  	v31 =	vor.u32 v34, v31;
	v32 =	vor.u32 v32, v60;
	v48 =	vadd.s32 s0, v25  }
0xb1: {  	v8 =	vld [tilespmem:s26+$0x80C0];
	v38 =	vadd.s32 s0, v19;
	v39 =	vadd.s32 s11, v19;
	v41 =	vadd.s32 s5, v19  }
0xb2: {  	v43 =	vadd.s32 s11, v25;
	v51 =	vadd.s32 s5, v25;
	v18 =	vsub.s32 $0x40, v5  }
0xb3: {  	v5 =	vnsel vm7, s1, v11;
	vm8 =	vlt.s32 v6, s25;
	v20 =	vadd.s32 $0x44, v7  }
0xb4: {  	v9 =	vld [tilespmem:s26+$0x8050];
	v40 =	vand.u32 $0x7F, v38;
	v42 =	vand.u32 $0x80, v39;
	v39 =	vand.u32 $0x7F, v39  }
0xb5: {  	v45 =	vand.u32 $0x7F, v41;
	v38 =	vand.u32 $0x80, v38;
	v5 =	vand.u32 $0x3F, v5  }
0xb6: {  	v11 =	vld [tilespmem:s26+$0x8060];
	vm9 =	vlt.s32 v8, s1;
	v15 =	vsub.s32 $0x40, v5;
	v5 =	vnsel vm8, s25, v6  }
0xb7: {  	v41 =	vand.u32 $0x80, v41;
	v21 =	vand.u32 $0x3F, v5;
	v5 =	vnsel vm9, s1, v8;
	v8 =	vld [tilespmem:s26+$0x80F0]  }
0xb8: {  	v58 =	vadd.s32 s0, v24;
	v46 =	vadd.s32 s11, v24;
	v5 =	vand.u32 $0x3F, v5  }
0xb9: {  	vm10 =	vlt.s32 v9, s25;
	v13 =	vsub.s32 $0x40, v5;
	v5 =	vnsel vm11, s1, v14  }
0xba: {  	v42 =	vadd.s32 v4, v42;
	v6 =	vnsel vm10, s25, v9;
	v5 =	vand.u32 $0x3F, v5  }
0xbb: {  	vm12 =	vlt.s32 v11, s25;
	v9 =	vsub.s32 $0x40, v5;
	v5 =	vnsel vm13, s1, v16  }
0xbc: {  	v29 =	vand.u32 $0x3F, v6;
	v5 =	vand.u32 $0x3F, v5;
	vm14 =	vlt.s32 v8, s1  }
0xbd: {  	v11 =	vnsel vm12, s25, v11;
	v6 =	vsub.s32 $0x40, v5;
	v5 =	vnsel vm14, s1, v8  }
0xbe: {  	v8 =	vnsel vm15, s25, v17;
	v17 =	vadd.s32 $0x40, v7;
	v7 =	vsub.s32 s26, v21  }
0xbf: {  	v62 =	vld.idx.msk [tilespmem:v36+s12+$0x0], $0xffff;
	v16 =	vadd.s32 s0, v26;
	s25 =	simm.s32 $0x0;
	v14 =	vadd.s32 $0x40, v7;
	v21 =	vadd.s32 $0x44, v7  }
0xc0: {  	v33 =	vld.idx.msk [tilespmem:v33+s12+$0x0], $0xffff;
	v7 =	vsub.s32 s26, v29;
	v10 =	vadd.s32 s25, v22;
	v29 =	vadd.s32 s5, v26  }
0xc1: {  	v38 =	vadd.s32 v4, v38;
	v49 =	vadd.s32 v4, v41;
	v30 =	vand.u32 $0x80, v10  }
0xc2: {  	v57 =	vadd.s32 s11, v18;
	v31 =	vld.idx.msk [tilespmem:v31+s12+$0x0], $0xffff;
	v10 =	vand.u32 $0x7F, v10;
	v30 =	vadd.s32 v4, v30  }
0xc3: {  	v59 =	vadd.s32 s0, v18;
	v39 =	vor.u32 v39, v42;
	v32 =	vld.idx.msk [tilespmem:v32+s12+$0x0], $0xffff;
	v30 =	vor.u32 v10, v30  }
0xc4: {  	v50 =	vor.u32 v40, v38;
	v52 =	vor.u32 v45, v49;
	v60 =	vand.u32 $0x80, v57;
	v61 =	vld.idx.msk [tilespmem:v16+s12+$0x0], $0xffff  }
0xc5: {  	v11 =	vand.u32 $0x3F, v11;
	v33 =	vadd.f32 v33, v62;
	v62 =	vadd.s32 v4, v60;
	v29 =	vld.idx.msk [tilespmem:v29+s12+$0x0], $0xffff  }
0xc6: {  	v5 =	vand.u32 $0x3F, v5;
	v8 =	vand.u32 $0x3F, v8;
	v63 =	vadd.s32 s25, v19  }
0xc7: {  	v44 =	vld.idx.msk [tilespmem:v26+s12+$0x0], $0xffff;
	v56 =	vadd.s32 s25, v18;
	v45 =	vadd.s32 s25, v13;
	v5 =	vsub.s32 $0x40, v5  }
0xc8: {  	v12 =	vadd.s32 $0x40, v7;
	v36 =	vand.u32 $0x7F, v63;
	v40 =	vand.u32 $0x7F, v56;
	v30 =	vld.idx.msk [tilespmem:v30+s12+$0x0], $0xffff  }
0xc9: {  	[tilespmem:s23+$0x200] =	vst v33;
	v16 =	vadd.s32 $0x44, v7;
	v7 =	vsub.s32 s26, v11;
	v31 =	vadd.f32 v31, v61  }
0xca: {  	v53 =	vld.idx.msk [tilespmem:v43+s12+$0x0], $0xffff;
	v43 =	vadd.s32 s0, v17;
	v32 =	vadd.f32 v32, v29;
	v29 =	vand.u32 $0x80, v63  }
0xcb: {  	v11 =	vadd.s32 $0x40, v7;
	v10 =	vadd.s32 $0x44, v7;
	[tilespmem:s23+$0xFFFFFE00] =	vst v31;
	v31 =	vld.idx.msk [tilespmem:v39+s12+$0x0], $0xffff;
	v54 =	vadd.s32 v4, v29  }
0xcc: {  	v7 =	vsub.s32 s26, v8;
	v61 =	vand.u32 $0x7F, v57;
	v37 =	vld.idx.msk [tilespmem:v48+s12+$0x0], $0xffff;
	v36 =	vor.u32 v36, v54  }
0xcd: {  	v8 =	vadd.s32 $0x40, v7;
	v41 =	vor.u32 v61, v62;
	v34 =	vld.idx.msk [tilespmem:v50+s12+$0x0], $0xffff;
	[tilespmem:s23+$0x0] =	vst v32;
	v55 =	vadd.f32 v30, v44  }
0xce: {  	v39 =	vadd.s32 s25, v6;
	v63 =	vand.u32 $0x80, v59;
	v50 =	vadd.s32 s5, v18;
	v38 =	vld.idx.msk [tilespmem:v51+s12+$0x0], $0xffff  }
0xcf: {  	v48 =	vand.u32 $0x7F, v59;
	v59 =	vadd.s32 s0, v15;
	v29 =	vadd.s32 s25, v28;
	v33 =	vld.idx.msk [tilespmem:v52+s12+$0x0], $0xffff;
	[tilespmem:s23+$0xFFFFFC00] =	vst v55  }
0xd0: {  	v49 =	vadd.s32 v4, v63;
	v63 =	vand.u32 $0x80, v59;
	v31 =	vadd.f32 v31, v53;
	v47 =	vld.idx.msk [tilespmem:v25+s12+$0x0], $0xffff  }
0xd1: {  	v54 =	vand.u32 $0x7F, v50;
	v51 =	vor.u32 v48, v49;
	v53 =	vand.u32 $0x80, v50;
	v36 =	vld.idx.msk [tilespmem:v36+s12+$0x0], $0xffff  }
0xd2: {  	v52 =	vadd.s32 s5, v24;
	v34 =	vadd.f32 v34, v37;
	v44 =	vadd.s32 v4, v53;
	[tilespmem:s23+$0x210] =	vst v31  }
0xd3: {  	v32 =	vadd.s32 s25, v5;
	v31 =	vand.u32 $0x80, v56;
	v37 =	vor.u32 v54, v44;
	v55 =	vld.idx.msk [tilespmem:v46+s12+$0x0], $0xffff  }
0xd4: {  	v30 =	vadd.s32 s25, v9;
	v31 =	vadd.s32 v4, v31;
	[tilespmem:s23+$0xFFFFFE10] =	vst v34;
	v56 =	vld.idx.msk [tilespmem:v41+s12+$0x0], $0xffff;
	v33 =	vadd.f32 v33, v38  }
0xd5: {  	v48 =	vadd.s32 s11, v17;
	v31 =	vor.u32 v40, v31;
	v57 =	vld.idx.msk [tilespmem:v58+s12+$0x0], $0xffff;
	v58 =	vadd.s32 s11, v15  }
0xd6: {  	v49 =	vadd.s32 s5, v15;
	v35 =	vld.idx.msk [tilespmem:v51+s12+$0x0], $0xffff;
	v60 =	vand.u32 $0x80, v58;
	[tilespmem:s23+$0x10] =	vst v33;
	v36 =	vadd.f32 v36, v47  }
0xd7: {  	v53 =	vadd.s32 v4, v63;
	v33 =	vand.u32 $0x7F, v58;
	v62 =	vadd.s32 v4, v60;
	v42 =	vld.idx.msk [tilespmem:v52+s12+$0x0], $0xffff  }
0xd8: {  	v63 =	vadd.s32 s11, v14;
	v54 =	vand.u32 $0x80, v49;
	v61 =	vld.idx.msk [tilespmem:v37+s12+$0x0], $0xffff;
	v33 =	vor.u32 v33, v62;
	[tilespmem:s23+$0xFFFFFC10] =	vst v36  }
0xd9: {  	s26 =	simm.s32 $0x4;
	v44 =	vadd.s32 v4, v54;
	v52 =	vand.u32 $0x7F, v59;
	v34 =	vadd.f32 v56, v55;
	v50 =	vld.idx.msk [tilespmem:v24+s12+$0x0], $0xffff  }
0xda: {  	v38 =	vadd.s32 s26, v22;
	v40 =	vadd.s32 s25, v15;
	v37 =	vor.u32 v52, v53;
	v31 =	vld.idx.msk [tilespmem:v31+s12+$0x0], $0xffff  }
0xdb: {  	v55 =	vadd.s32 s5, v17;
	v56 =	vand.u32 $0x7F, v49;
	v35 =	vadd.f32 v35, v57;
	[tilespmem:s23+$0x220] =	vst v34  }
0xdc: {  	v60 =	vadd.s32 s11, v13;
	v57 =	vand.u32 $0x80, v40;
	v58 =	vor.u32 v56, v44;
	v59 =	vld.idx.msk [tilespmem:v48+s12+$0x0], $0xffff  }
0xdd: {  	v40 =	vand.u32 $0x7F, v40;
	v34 =	vadd.s32 v4, v57;
	[tilespmem:s23+$0xFFFFFE20] =	vst v35;
	v42 =	vadd.f32 v61, v42;
	v33 =	vld.idx.msk [tilespmem:v33+s12+$0x0], $0xffff  }
0xde: {  	v51 =	vadd.s32 s5, v13;
	v62 =	vand.u32 $0x80, v60;
	v40 =	vor.u32 v40, v34;
	v43 =	vld.idx.msk [tilespmem:v43+s12+$0x0], $0xffff  }
0xdf: {  	s29 =	simm.s32 $0x5;
	v47 =	vand.u32 $0x7F, v60;
	v49 =	vadd.s32 v4, v62;
	v37 =	vld.idx.msk [tilespmem:v37+s12+$0x0], $0xffff;
	[tilespmem:s23+$0x20] =	vst v42;
	v31 =	vadd.f32 v31, v50  }
0xe0: {  	v62 =	vadd.s32 s29, v26;
	v47 =	vor.u32 v47, v49;
	v61 =	vadd.s32 s0, v13;
	v46 =	vld.idx.msk [tilespmem:v55+s12+$0x0], $0xffff  }
0xe1: {  	v56 =	vadd.s32 s5, v14;
	v54 =	vand.u32 $0x80, v61;
	v48 =	vand.u32 $0x7F, v61;
	[tilespmem:s23+$0xFFFFFC20] =	vst v31;
	v31 =	vld.idx.msk [tilespmem:v58+s12+$0x0], $0xffff  }
0xe2: {  	s28 =	simm.s32 $0x6;
	v42 =	vadd.s32 s0, v14;
	v41 =	vadd.s32 v4, v54;
	v33 =	vadd.f32 v33, v59;
	v55 =	vld.idx.msk [tilespmem:v17+s12+$0x0], $0xffff  }
0xe3: {  	v49 =	vadd.s32 s28, v26;
	v57 =	vand.u32 $0x80, v51;
	v41 =	vor.u32 v48, v41;
	v40 =	vld.idx.msk [tilespmem:v40+s12+$0x0], $0xffff  }
0xe4: {  	v48 =	vadd.s32 v4, v57;
	v37 =	vadd.f32 v37, v43;
	v58 =	vand.u32 $0x7F, v51;
	[tilespmem:s23+$0x230] =	vst v33  }
0xe5: {  	v36 =	vand.u32 $0x7F, v39;
	v59 =	vand.u32 $0x80, v45;
	v43 =	vor.u32 v58, v48;
	v60 =	vld.idx.msk [tilespmem:v63+s12+$0x0], $0xffff  }
0xe6: {  	v45 =	vand.u32 $0x7F, v45;
	v33 =	vadd.s32 v4, v59;
	[tilespmem:s23+$0xFFFFFE30] =	vst v37;
	v61 =	vld.idx.msk [tilespmem:v47+s12+$0x0], $0xffff;
	v31 =	vadd.f32 v31, v46  }
0xe7: {  	v39 =	vand.u32 $0x80, v39;
	v35 =	vadd.s32 s0, v11;
	v33 =	vor.u32 v45, v33;
	v42 =	vld.idx.msk [tilespmem:v42+s12+$0x0], $0xffff  }
0xe8: {  	v54 =	vadd.s32 s5, v9;
	v63 =	vadd.s32 s0, v9;
	v41 =	vld.idx.msk [tilespmem:v41+s12+$0x0], $0xffff;
	v40 =	vadd.f32 v40, v55;
	[tilespmem:s23+$0x30] =	vst v31  }
0xe9: {  	v57 =	vadd.s32 s11, v12;
	v45 =	vadd.s32 s0, v12;
	v53 =	vand.u32 $0x80, v63;
	v44 =	vld.idx.msk [tilespmem:v56+s12+$0x0], $0xffff  }
0xea: {  	v58 =	vand.u32 $0x7F, v63;
	v63 =	vand.u32 $0x7F, v54;
	v31 =	vadd.s32 s11, v9;
	[tilespmem:s23+$0xFFFFFC30] =	vst v40;
	v40 =	vld.idx.msk [tilespmem:v43+s12+$0x0], $0xffff  }
0xeb: {  	v59 =	vadd.s32 v4, v53;
	v37 =	vadd.f32 v61, v60;
	v56 =	vand.u32 $0x80, v31;
	v52 =	vld.idx.msk [tilespmem:v14+s12+$0x0], $0xffff  }
0xec: {  	v60 =	vor.u32 v58, v59;
	v31 =	vand.u32 $0x7F, v31;
	v51 =	vadd.s32 v4, v56;
	v55 =	vld.idx.msk [tilespmem:v33+s12+$0x0], $0xffff  }
0xed: {  	v41 =	vadd.f32 v41, v42;
	v51 =	vor.u32 v31, v51;
	v31 =	vld.idx.msk [tilespmem:v62+s12+$0x0], $0xffff;
	v62 =	vand.u32 $0x80, v54  }
0xee: {  	v61 =	vadd.s32 s5, v12;
	v33 =	vld.idx.msk [tilespmem:v49+s12+$0x0], $0xffff;
	[tilespmem:s23+$0x240] =	vst v37;
	v54 =	vand.u32 $0x80, v30;
	v53 =	vadd.s32 v4, v62  }
0xef: {  	v30 =	vand.u32 $0x7F, v30;
	v43 =	vld.idx.msk [tilespmem:v57+s12+$0x0], $0xffff;
	[tilespmem:s23+$0xFFFFFE40] =	vst v41;
	v37 =	vadd.s32 v4, v54;
	v42 =	vor.u32 v63, v53  }
0xf0: {  	v34 =	vadd.s32 s5, v11;
	v30 =	vor.u32 v30, v37;
	v37 =	vld.idx.msk [tilespmem:v45+s12+$0x0], $0xffff;
	v40 =	vadd.f32 v40, v44  }
0xf1: {  	v50 =	vadd.s32 s28, v22;
	v47 =	vadd.s32 s29, v22;
	v46 =	vadd.s32 s0, v6;
	v45 =	vld.idx.msk [tilespmem:v60+s12+$0x0], $0xffff  }
0xf2: {  	v59 =	vadd.s32 s11, v6;
	v56 =	vand.u32 $0x80, v38;
	v58 =	vadd.f32 v55, v52;
	v41 =	vld.idx.msk [tilespmem:v51+s12+$0x0], $0xffff;
	[tilespmem:s23+$0x40] =	vst v40  }
0xf3: {  	v38 =	vand.u32 $0x7F, v38;
	v49 =	vadd.s32 s0, v8;
	v57 =	vadd.s32 v4, v56;
	v48 =	vld.idx.msk [tilespmem:v61+s12+$0x0], $0xffff  }
0xf4: {  	v38 =	vor.u32 v38, v57;
	v57 =	vadd.s32 v4, v39;
	v63 =	vand.u32 $0x80, v46;
	[tilespmem:s23+$0xFFFFFC40] =	vst v58;
	v44 =	vld.idx.msk [tilespmem:v42+s12+$0x0], $0xffff  }
0xf5: {  	v60 =	vadd.s32 s5, v6;
	v56 =	vadd.s32 v4, v63;
	v61 =	vand.u32 $0x80, v59;
	v52 =	vld.idx.msk [tilespmem:v12+s12+$0x0], $0xffff  }
0xf6: {  	v51 =	vadd.s32 s11, v11;
	v40 =	vand.u32 $0x7F, v59;
	v62 =	vadd.s32 v4, v61;
	v30 =	vld.idx.msk [tilespmem:v30+s12+$0x0], $0xffff  }
0xf7: {  	v55 =	vand.u32 $0x7F, v46;
	v42 =	vld.idx.msk [tilespmem:v29+s12+$0x0], $0xffff;
	v29 =	vadd.f32 v45, v37;
	v54 =	vor.u32 v40, v62  }
0xf8: {  	v53 =	vand.u32 $0x80, v47;
	v58 =	vor.u32 v55, v56;
	v41 =	vadd.f32 v41, v43  }
0xf9: {  	v36 =	vor.u32 v36, v57;
	v46 =	vadd.s32 v4, v53;
	v59 =	vand.u32 $0x80, v60;
	v40 =	vld.idx.msk [tilespmem:v38+s12+$0x0], $0xffff;
	[tilespmem:s23+$0xFFFFFE50] =	vst v29  }
0xfa: {  	v60 =	vand.u32 $0x7F, v60;
	v55 =	vand.u32 $0x80, v50;
	v43 =	vadd.s32 v4, v59;
	v35 =	vld.idx.msk [tilespmem:v35+s12+$0x0], $0xffff;
	[tilespmem:s23+$0x250] =	vst v41  }
0xfb: {  	v61 =	vand.u32 $0x7F, v47;
	v37 =	vor.u32 v60, v43;
	v29 =	vadd.f32 v44, v48;
	v63 =	vld.idx.msk [tilespmem:v51+s12+$0x0], $0xffff  }
0xfc: {  	v47 =	vadd.s32 v4, v55;
	v62 =	vand.u32 $0x7F, v50;
	v30 =	vadd.f32 v30, v52;
	v56 =	vld.idx.msk [tilespmem:v54+s12+$0x0], $0xffff  }
0xfd: {  	v57 =	vor.u32 v61, v46;
	v39 =	vld.idx.msk [tilespmem:v58+s12+$0x0], $0xffff;
	v58 =	vadd.s32 s0, v5;
	[tilespmem:s23+$0x50] =	vst v29;
	v29 =	vadd.s32 s11, v5  }
0xfe: {  	v60 =	vadd.s32 s11, v8;
	v41 =	vor.u32 v62, v47;
	[tilespmem:s23+$0xFFFFFC50] =	vst v30;
	v34 =	vld.idx.msk [tilespmem:v34+s12+$0x0], $0xffff;
	v59 =	vand.u32 $0x80, v29  }
0xff: {  	s0 =	simm.s32 $0x7;
	v61 =	vand.u32 $0x80, v58;
	v29 =	vand.u32 $0x7F, v29;
	v50 =	vld.idx.msk [tilespmem:v11+s12+$0x0], $0xffff;
	v46 =	vadd.s32 v4, v59  }
0x100: {  	v44 =	vadd.s32 s0, v26;
	v62 =	vadd.s32 v4, v61;
	v30 =	vld.idx.msk [tilespmem:v37+s12+$0x0], $0xffff;
	v48 =	vor.u32 v29, v46  }
0x101: {  	v51 =	vadd.s32 s5, v8;
	v36 =	vld.idx.msk [tilespmem:v36+s12+$0x0], $0xffff;
	v29 =	vand.u32 $0x7F, v58;
	v43 =	vadd.f32 v56, v63  }
0x102: {  	v46 =	vld.idx.msk [tilespmem:v57+s12+$0x0], $0xffff;
	v57 =	vadd.s32 s0, v22;
	v63 =	vadd.s32 s5, v5;
	v56 =	vor.u32 v29, v62  }
0x103: {  	v35 =	vadd.f32 v39, v35;
	v47 =	vld.idx.msk [tilespmem:v41+s12+$0x0], $0xffff;
	v58 =	vand.u32 $0x80, v57;
	v29 =	vand.u32 $0x80, v63;
	[tilespmem:s23+$0x260] =	vst v43  }
0x104: {  	v39 =	vadd.s32 v4, v58;
	v59 =	vadd.s32 v4, v29;
	v29 =	vld.idx.msk [tilespmem:v60+s12+$0x0], $0xffff;
	v60 =	vand.u32 $0x7F, v57  }
0x105: {  	[tilespmem:s23+$0xFFFFFE60] =	vst v35;
	v62 =	vand.u32 $0x7F, v63;
	v61 =	vadd.f32 v30, v34;
	v34 =	vld.idx.msk [tilespmem:v48+s12+$0x0], $0xffff;
	v48 =	vor.u32 v60, v39  }
0x106: {  	v38 =	vmov v8;
	v63 =	vand.u32 $0x80, v32;
	v30 =	vld.idx.msk [tilespmem:v49+s12+$0x0], $0xffff;
	v41 =	vor.u32 v62, v59  }
0x107: {  	v32 =	vand.u32 $0x7F, v32;
	v37 =	vadd.s32 v4, v63;
	v39 =	vadd.f32 v36, v50;
	v35 =	vld.idx.msk [tilespmem:v56+s12+$0x0], $0xffff;
	[tilespmem:s23+$0x60] =	vst v61  }
0x108: {  	s31 =	smov.u32 s23;
	s30 =	smov.u32 s23;
	s1 =	simm.s32 $0x8;
	v7 =	vadd.s32 $0x44, v7;
	v37 =	vor.u32 v32, v37;
	v36 =	vadd.s32 s26, v28;
	v32 =	vld.idx.msk [tilespmem:v51+s12+$0x0], $0xffff  }
.LBB2_6:
0x109: {  	p1 =	slt.u32 s1, $0x3C;
	v49 =	vld.idx.msk [tilespmem:v44+s12+$0x0], $0xffff;
	v50 =	vadd.s32 s25, v27;
	v43 =	vadd.s32 s25, v23;
	v45 =	vadd.s32 s25, v20;
	[tilespmem:s31+$0xFFFFFC60] =	vst v39  }
0x10a: {  	v51 =	vadd.s32 s26, v19;
	v44 =	vadd.s32 s25, v21;
	v39 =	vadd.s32 s25, v16;
	v48 =	vld.idx.msk [tilespmem:v48+s12+$0x0], $0xffff  }
0x10b: {  	v52 =	vadd.s32 s29, v25;
	v53 =	vadd.s32 s29, v19;
	v29 =	vadd.f32 v34, v29;
	v41 =	vld.idx.msk [tilespmem:v41+s12+$0x0], $0xffff  }
0x10c: {  	v54 =	vadd.s32 s28, v19;
	v55 =	vadd.s32 s0, v19;
	v34 =	vand.u32 $0x7F, v53;
	v38 =	vld.idx.msk [tilespmem:v38+s12+$0x0], $0xffff  }
0x10d: {  	v56 =	vand.u32 $0x7F, v54;
	v57 =	vand.u32 $0x80, v55;
	v30 =	vadd.f32 v35, v30;
	v37 =	vld.idx.msk [tilespmem:v37+s12+$0x0], $0xffff;
	[tilespmem:s31+$0x270] =	vst v29  }
0x10e: {  	v35 =	vand.u32 $0x7F, v55;
	v55 =	vadd.s32 v4, v57;
	v29 =	vadd.s32 s0, v25  }
0x10f: {  	v53 =	vand.u32 $0x80, v53;
	v54 =	vand.u32 $0x80, v54;
	v35 =	vor.u32 v35, v55;
	[tilespmem:s31+$0xFFFFFE70] =	vst v30  }
0x110: {  	v30 =	vadd.s32 v4, v53;
	v53 =	vadd.s32 v4, v54;
	v48 =	vadd.f32 v48, v49  }
0x111: {  	v31 =	vadd.f32 v46, v31;
	s31 =	sadd.s32 $0x800, s31;
	v30 =	vor.u32 v34, v30;
	v41 =	vadd.f32 v41, v32  }
0x112: {  	v32 =	vadd.f32 v47, v33;
	v33 =	vadd.s32 s28, v25;
	v46 =	vor.u32 v56, v53;
	[tilespmem:s31+$0x200] =	vst v48  }
0x113: {  	v34 =	vadd.f32 v40, v42;
	v40 =	vand.u32 $0x80, v51;
	v37 =	vadd.f32 v37, v38;
	[tilespmem:s31+$0xFFFFFE00] =	vst v31;
	v42 =	vld.idx.msk [tilespmem:v29+s12+$0x0], $0xffff  }
0x114: {  	v38 =	vadd.s32 v4, v40;
	v31 =	vand.u32 $0x7F, v51;
	v29 =	vadd.s32 s25, v10;
	[tilespmem:s31+$0x0] =	vst v32;
	v35 =	vld.idx.msk [tilespmem:v35+s12+$0x0], $0xffff  }
0x115: {  	v38 =	vor.u32 v31, v38;
	v31 =	vadd.s32 s26, v6;
	v32 =	vadd.s32 s26, v5;
	[tilespmem:s31+$0xFFFFFC00] =	vst v34;
	v40 =	vld.idx.msk [tilespmem:v52+s12+$0x0], $0xffff  }
0x116: {  	v47 =	vadd.s32 s26, v18;
	v48 =	vadd.s32 s0, v18;
	v34 =	vadd.s32 s26, v9;
	v30 =	vld.idx.msk [tilespmem:v30+s12+$0x0], $0xffff;
	[tilespmem:s30+$0x70] =	vst v41  }
0x117: {  	v49 =	vadd.s32 s29, v18;
	v51 =	vand.u32 $0x80, v48;
	v41 =	vadd.s32 s29, v24;
	v33 =	vld.idx.msk [tilespmem:v33+s12+$0x0], $0xffff;
	[tilespmem:s30+$0xFFFFFC70] =	vst v37;
	s30 =	smov.u32 s31  }
0x118: {  	v48 =	vand.u32 $0x7F, v48;
	v51 =	vadd.s32 v4, v51;
	v37 =	vld.idx.msk [tilespmem:v46+s12+$0x0], $0xffff;
	v46 =	vadd.s32 s0, v24  }
0x119: {  	v53 =	vadd.s32 s28, v18;
	v52 =	vand.u32 $0x80, v49;
	v48 =	vor.u32 v48, v51;
	v50 =	vld.idx.msk [tilespmem:v50+s12+$0x0], $0xffff  }
0x11a: {  	v35 =	vadd.f32 v35, v42;
	v51 =	vld.idx.msk [tilespmem:v38+s12+$0x0], $0xffff;
	v38 =	vand.u32 $0x7F, v49;
	v49 =	vadd.s32 v4, v52  }
0x11b: {  	v42 =	vor.u32 v38, v49;
	v49 =	vadd.s32 s28, v24;
	v38 =	vand.u32 $0x80, v53  }
0x11c: {  	v30 =	vadd.f32 v30, v40;
	v40 =	vand.u32 $0x7F, v53;
	v38 =	vadd.s32 v4, v38;
	[tilespmem:s31+$0x210] =	vst v35  }
0x11d: {  	v52 =	vadd.s32 s26, v13;
	v35 =	vand.u32 $0x80, v47;
	v40 =	vor.u32 v40, v38;
	v46 =	vld.idx.msk [tilespmem:v46+s12+$0x0], $0xffff  }
0x11e: {  	v47 =	vand.u32 $0x7F, v47;
	v35 =	vadd.s32 v4, v35;
	v33 =	vadd.f32 v37, v33;
	[tilespmem:s31+$0xFFFFFE10] =	vst v30;
	v37 =	vld.idx.msk [tilespmem:v48+s12+$0x0], $0xffff  }
0x11f: {  	v38 =	vadd.s32 s1, v22;
	v35 =	vor.u32 v47, v35;
	v47 =	vadd.s32 s26, v15;
	v41 =	vld.idx.msk [tilespmem:v41+s12+$0x0], $0xffff  }
0x120: {  	v30 =	vadd.s32 s29, v8;
	v48 =	vadd.f32 v51, v50;
	v42 =	vld.idx.msk [tilespmem:v42+s12+$0x0], $0xffff;
	[tilespmem:s31+$0x10] =	vst v33;
	v33 =	vadd.s32 s0, v15  }
0x121: {  	v50 =	vadd.s32 s29, v17;
	v51 =	vadd.s32 s29, v15;
	v49 =	vld.idx.msk [tilespmem:v49+s12+$0x0], $0xffff;
	v53 =	vand.u32 $0x80, v33  }
0x122: {  	v33 =	vand.u32 $0x7F, v33;
	[tilespmem:s31+$0xFFFFFC10] =	vst v48;
	v40 =	vld.idx.msk [tilespmem:v40+s12+$0x0], $0xffff;
	v48 =	vadd.s32 s0, v17;
	v53 =	vadd.s32 v4, v53  }
0x123: {  	v55 =	vadd.s32 s28, v15;
	v54 =	vld.idx.msk [tilespmem:v43+s12+$0x0], $0xffff;
	v43 =	vand.u32 $0x80, v51;
	v33 =	vor.u32 v33, v53  }
0x124: {  	v37 =	vadd.f32 v37, v46;
	v53 =	vld.idx.msk [tilespmem:v35+s12+$0x0], $0xffff;
	v35 =	vand.u32 $0x7F, v51;
	v43 =	vadd.s32 v4, v43  }
0x125: {  	v51 =	vadd.s32 s28, v17;
	v46 =	vor.u32 v35, v43;
	v35 =	vand.u32 $0x80, v55  }
0x126: {  	v41 =	vadd.f32 v42, v41;
	v42 =	vand.u32 $0x7F, v55;
	v35 =	vadd.s32 v4, v35;
	[tilespmem:s31+$0x220] =	vst v37  }
0x127: {  	v43 =	vadd.s32 s28, v8;
	v37 =	vand.u32 $0x80, v47;
	v42 =	vor.u32 v42, v35;
	v48 =	vld.idx.msk [tilespmem:v48+s12+$0x0], $0xffff  }
0x128: {  	v35 =	vand.u32 $0x7F, v47;
	v37 =	vadd.s32 v4, v37;
	v40 =	vadd.f32 v40, v49;
	[tilespmem:s31+$0xFFFFFE20] =	vst v41;
	v33 =	vld.idx.msk [tilespmem:v33+s12+$0x0], $0xffff  }
0x129: {  	v47 =	vor.u32 v35, v37;
	v37 =	vadd.s32 s29, v11;
	v35 =	vadd.s32 s28, v11;
	v49 =	vld.idx.msk [tilespmem:v50+s12+$0x0], $0xffff  }
0x12a: {  	v41 =	vand.u32 $0x7F, v31;
	v50 =	vadd.f32 v53, v54;
	v46 =	vld.idx.msk [tilespmem:v46+s12+$0x0], $0xffff;
	[tilespmem:s31+$0x20] =	vst v40;
	v40 =	vadd.s32 s0, v13  }
0x12b: {  	v53 =	vadd.s32 s29, v14;
	v54 =	vadd.s32 s29, v13;
	v51 =	vld.idx.msk [tilespmem:v51+s12+$0x0], $0xffff;
	v55 =	vand.u32 $0x80, v40  }
0x12c: {  	v40 =	vand.u32 $0x7F, v40;
	[tilespmem:s31+$0xFFFFFC20] =	vst v50;
	v42 =	vld.idx.msk [tilespmem:v42+s12+$0x0], $0xffff;
	v50 =	vadd.s32 s0, v14;
	v55 =	vadd.s32 v4, v55  }
0x12d: {  	v57 =	vadd.s32 s28, v13;
	v56 =	vand.u32 $0x80, v54;
	v45 =	vld.idx.msk [tilespmem:v45+s12+$0x0], $0xffff;
	v40 =	vor.u32 v40, v55  }
0x12e: {  	v54 =	vand.u32 $0x7F, v54;
	v55 =	vadd.s32 v4, v56;
	v33 =	vadd.f32 v33, v48;
	v47 =	vld.idx.msk [tilespmem:v47+s12+$0x0], $0xffff  }
0x12f: {  	v48 =	vor.u32 v54, v55;
	v54 =	vadd.s32 s28, v14;
	v55 =	vand.u32 $0x80, v57  }
0x130: {  	v46 =	vadd.f32 v46, v49;
	v49 =	vand.u32 $0x7F, v57;
	v55 =	vadd.s32 v4, v55;
	[tilespmem:s31+$0x230] =	vst v33  }
0x131: {  	v56 =	vand.u32 $0x80, v31;
	v33 =	vand.u32 $0x80, v52;
	v31 =	vor.u32 v49, v55;
	v49 =	vld.idx.msk [tilespmem:v50+s12+$0x0], $0xffff  }
0x132: {  	v50 =	vand.u32 $0x7F, v52;
	v33 =	vadd.s32 v4, v33;
	v42 =	vadd.f32 v42, v51;
	[tilespmem:s31+$0xFFFFFE30] =	vst v46;
	v40 =	vld.idx.msk [tilespmem:v40+s12+$0x0], $0xffff  }
0x133: {  	s11 =	sadd.s32 $0x1, s1;
	v51 =	vadd.s32 s29, v6;
	v33 =	vor.u32 v50, v33;
	v50 =	vadd.s32 s29, v12;
	v46 =	vld.idx.msk [tilespmem:v53+s12+$0x0], $0xffff  }
0x134: {  	s10 =	sadd.s32 $0x2, s1;
	v52 =	vadd.s32 s11, v26;
	v45 =	vadd.f32 v47, v45;
	v47 =	vld.idx.msk [tilespmem:v48+s12+$0x0], $0xffff;
	[tilespmem:s31+$0x30] =	vst v42;
	v42 =	vadd.s32 s0, v9  }
0x135: {  	v53 =	vadd.s32 s29, v9;
	v48 =	vadd.s32 s10, v26;
	v54 =	vld.idx.msk [tilespmem:v54+s12+$0x0], $0xffff;
	v55 =	vand.u32 $0x80, v42  }
0x136: {  	v57 =	vadd.s32 s0, v12;
	[tilespmem:s31+$0xFFFFFC30] =	vst v45;
	v45 =	vld.idx.msk [tilespmem:v31+s12+$0x0], $0xffff;
	v31 =	vand.u32 $0x7F, v42;
	v42 =	vadd.s32 v4, v55  }
0x137: {  	v58 =	vadd.s32 s28, v9;
	v55 =	vand.u32 $0x80, v53;
	v44 =	vld.idx.msk [tilespmem:v44+s12+$0x0], $0xffff;
	v42 =	vor.u32 v31, v42  }
0x138: {  	v40 =	vadd.f32 v40, v49;
	v59 =	vld.idx.msk [tilespmem:v33+s12+$0x0], $0xffff;
	v33 =	vand.u32 $0x7F, v53;
	v53 =	vadd.s32 v4, v55  }
0x139: {  	v31 =	vld.idx.msk [tilespmem:v52+s12+$0x0], $0xffff;
	v49 =	vor.u32 v33, v53;
	v52 =	vadd.s32 s28, v12;
	v53 =	vand.u32 $0x80, v58  }
0x13a: {  	v46 =	vadd.f32 v47, v46;
	v47 =	vand.u32 $0x7F, v58;
	v33 =	vld.idx.msk [tilespmem:v48+s12+$0x0], $0xffff;
	v48 =	vadd.s32 v4, v53;
	[tilespmem:s31+$0x240] =	vst v40  }
0x13b: {  	v40 =	vand.u32 $0x80, v34;
	v34 =	vand.u32 $0x7F, v34;
	v47 =	vor.u32 v47, v48;
	v48 =	vld.idx.msk [tilespmem:v57+s12+$0x0], $0xffff  }
0x13c: {  	v53 =	vand.u32 $0x80, v38;
	v40 =	vadd.s32 v4, v40;
	v45 =	vadd.f32 v45, v54;
	[tilespmem:s31+$0xFFFFFE40] =	vst v46;
	v42 =	vld.idx.msk [tilespmem:v42+s12+$0x0], $0xffff  }
0x13d: {  	v38 =	vand.u32 $0x7F, v38;
	v46 =	vadd.s32 v4, v53;
	v34 =	vor.u32 v34, v40;
	v50 =	vld.idx.msk [tilespmem:v50+s12+$0x0], $0xffff  }
0x13e: {  	v38 =	vor.u32 v38, v46;
	v40 =	vadd.f32 v59, v44;
	v44 =	vld.idx.msk [tilespmem:v49+s12+$0x0], $0xffff;
	[tilespmem:s31+$0x40] =	vst v45;
	v45 =	vadd.s32 s0, v6  }
0x13f: {  	v46 =	vadd.s32 s11, v22;
	v49 =	vld.idx.msk [tilespmem:v52+s12+$0x0], $0xffff;
	v52 =	vadd.s32 s28, v6;
	v53 =	vand.u32 $0x80, v45  }
0x140: {  	v54 =	vadd.s32 s0, v11;
	[tilespmem:s31+$0xFFFFFC40] =	vst v40;
	v47 =	vld.idx.msk [tilespmem:v47+s12+$0x0], $0xffff;
	v40 =	vand.u32 $0x7F, v45;
	v45 =	vadd.s32 v4, v53  }
0x141: {  	v55 =	vand.u32 $0x80, v51;
	v53 =	vadd.s32 s10, v22;
	v39 =	vld.idx.msk [tilespmem:v39+s12+$0x0], $0xffff;
	v45 =	vor.u32 v40, v45  }
0x142: {  	v51 =	vand.u32 $0x7F, v51;
	v55 =	vadd.s32 v4, v55;
	v48 =	vadd.f32 v42, v48;
	v34 =	vld.idx.msk [tilespmem:v34+s12+$0x0], $0xffff  }
0x143: {  	v51 =	vor.u32 v51, v55;
	v55 =	vand.u32 $0x80, v52;
	v40 =	vld.idx.msk [tilespmem:v38+s12+$0x0], $0xffff;
	v38 =	vadd.s32 v4, v56  }
0x144: {  	v42 =	vld.idx.msk [tilespmem:v36+s12+$0x0], $0xffff;
	v36 =	vadd.f32 v44, v50;
	v44 =	vand.u32 $0x7F, v52;
	v50 =	vadd.s32 v4, v55;
	[tilespmem:s31+$0x250] =	vst v48  }
0x145: {  	v48 =	vand.u32 $0x7F, v46;
	v52 =	vand.u32 $0x7F, v53;
	v44 =	vor.u32 v44, v50;
	v50 =	vld.idx.msk [tilespmem:v54+s12+$0x0], $0xffff  }
0x146: {  	v46 =	vand.u32 $0x80, v46;
	v53 =	vand.u32 $0x80, v53;
	[tilespmem:s31+$0xFFFFFE50] =	vst v36;
	v36 =	vadd.f32 v47, v49;
	v45 =	vld.idx.msk [tilespmem:v45+s12+$0x0], $0xffff  }
0x147: {  	v38 =	vor.u32 v41, v38;
	v46 =	vadd.s32 v4, v46;
	v47 =	vadd.s32 v4, v53;
	v37 =	vld.idx.msk [tilespmem:v37+s12+$0x0], $0xffff  }
0x148: {  	v41 =	vor.u32 v48, v46;
	v34 =	vadd.f32 v34, v39;
	v39 =	vld.idx.msk [tilespmem:v51+s12+$0x0], $0xffff;
	[tilespmem:s31+$0x50] =	vst v36;
	v36 =	vadd.s32 s0, v5  }
0x149: {  	v46 =	vadd.s32 s29, v5;
	s29 =	smov.u32 s11;
	v47 =	vor.u32 v52, v47;
	v35 =	vld.idx.msk [tilespmem:v35+s12+$0x0], $0xffff;
	v48 =	vand.u32 $0x80, v36  }
0x14a: {  	v49 =	vadd.s32 s0, v8;
	v36 =	vand.u32 $0x7F, v36;
	[tilespmem:s31+$0xFFFFFC50] =	vst v34;
	v34 =	vld.idx.msk [tilespmem:v44+s12+$0x0], $0xffff;
	v44 =	vadd.s32 v4, v48  }
0x14b: {  	v52 =	vadd.s32 s28, v5;
	s28 =	smov.u32 s10;
	v51 =	vld.idx.msk [tilespmem:v29+s12+$0x0], $0xffff;
	v29 =	vand.u32 $0x80, v46;
	v36 =	vor.u32 v36, v44  }
0x14c: {  	s0 =	sadd.s32 $0x3, s1;
	v44 =	vadd.f32 v45, v50;
	v53 =	vld.idx.msk [tilespmem:v38+s12+$0x0], $0xffff;
	v38 =	vand.u32 $0x7F, v46;
	v29 =	vadd.s32 v4, v29  }
0x14d: {  	v46 =	vld.idx.msk [tilespmem:v41+s12+$0x0], $0xffff;
	v41 =	vadd.s32 s0, v22;
	v45 =	vor.u32 v38, v29;
	v29 =	vand.u32 $0x80, v52  }
0x14e: {  	v37 =	vadd.f32 v39, v37;
	v47 =	vld.idx.msk [tilespmem:v47+s12+$0x0], $0xffff;
	v38 =	vand.u32 $0x80, v41;
	v39 =	vadd.s32 v4, v29;
	[tilespmem:s31+$0x260] =	vst v44  }
.Ltmp1:
0x14f: {  	v44 =	vadd.s32 s0, v26;
	v41 =	vand.u32 $0x7F, v41;
	v38 =	vadd.s32 v4, v38;
	v29 =	vld.idx.msk [tilespmem:v49+s12+$0x0], $0xffff;
	(pc) =	sbr.rel @p1 .LBB2_6-.Ltmp1, $4  }
0x150: {  	v48 =	vor.u32 v41, v38;
	[tilespmem:s31+$0xFFFFFE60] =	vst v37;
	v37 =	vadd.f32 v34, v35;
	v35 =	vand.u32 $0x7F, v52;
	v34 =	vld.idx.msk [tilespmem:v36+s12+$0x0], $0xffff  }
0x151: {  	v36 =	vand.u32 $0x80, v32;
	v38 =	vadd.s32 s25, v7;
	s25 =	smov.u32 s26;
	s26 =	smov.u32 s1;
	v30 =	vld.idx.msk [tilespmem:v30+s12+$0x0], $0xffff;
	v41 =	vor.u32 v35, v39  }
0x152: {  	v32 =	vand.u32 $0x7F, v32;
	v39 =	vadd.f32 v53, v51;
	v49 =	vadd.s32 v4, v36;
	v35 =	vld.idx.msk [tilespmem:v45+s12+$0x0], $0xffff;
	[tilespmem:s31+$0x60] =	vst v37  }
0x153: {  	s1 =	sadd.s32 $0x4, s1;
	v36 =	vadd.s32 s26, v28;
	v37 =	vor.u32 v32, v49;
	v32 =	vld.idx.msk [tilespmem:v43+s12+$0x0], $0xffff  }
0x154: {  	_ =	sdelay $0x3  }
0x155: {  	v22 =	vld.idx.msk [tilespmem:v44+s12+$0x0], $0xffff;
	v28 =	vadd.s32 s0, v19;
	v27 =	vadd.s32 s25, v27;
	v43 =	vadd.s32 s26, v19  }
0x156: {  	v26 =	vld.idx.msk [tilespmem:v48+s12+$0x0], $0xffff;
	v59 =	vadd.s32 s29, v19;
	v45 =	vadd.s32 s0, v25;
	v60 =	vadd.s32 s29, v25  }
0x157: {  	v62 =	vadd.s32 s28, v19;
	v31 =	vadd.f32 v46, v31;
	v48 =	vadd.s32 s28, v25  }
0x158: {  	v49 =	vadd.f32 v47, v33;
	v40 =	vadd.f32 v40, v42;
	v36 =	vand.u32 $0x80, v28  }
0x159: {  	v54 =	vadd.s32 s26, v18;
	v28 =	vand.u32 $0x7F, v28;
	v36 =	vadd.s32 v4, v36  }
0x15a: {  	v55 =	vadd.s32 s0, v18;
	v61 =	vand.u32 $0x80, v59;
	v28 =	vor.u32 v28, v36  }
0x15b: {  	v44 =	vand.u32 $0x7F, v59;
	v22 =	vadd.f32 v26, v22;
	v26 =	vadd.s32 v4, v61  }
0x15c: {  	s1 =	sadd.s32 $0x800, s31;
	v57 =	vadd.s32 s29, v24;
	v19 =	vand.u32 $0x80, v62;
	v26 =	vor.u32 v44, v26  }
0x15d: {  	v58 =	vadd.s32 s29, v18;
	v63 =	vand.u32 $0x7F, v62;
	v19 =	vadd.s32 v4, v19;
	[tilespmem:s1+$0x200] =	vst v22  }
0x15e: {  	v23 =	vadd.s32 s25, v23;
	v50 =	vand.u32 $0x80, v43;
	v19 =	vor.u32 v63, v19;
	v51 =	vld.idx.msk [tilespmem:v45+s12+$0x0], $0xffff  }
0x15f: {  	v20 =	vadd.s32 s25, v20;
	v52 =	vand.u32 $0x7F, v43;
	[tilespmem:s1+$0xFFFFFE00] =	vst v31;
	v33 =	vadd.s32 v4, v50;
	v28 =	vld.idx.msk [tilespmem:v28+s12+$0x0], $0xffff  }
0x160: {  	v21 =	vadd.s32 s25, v21;
	v46 =	vadd.s32 s26, v13;
	v31 =	vor.u32 v52, v33;
	v53 =	vld.idx.msk [tilespmem:v60+s12+$0x0], $0xffff  }
0x161: {  	v59 =	vand.u32 $0x80, v55;
	v42 =	vand.u32 $0x7F, v55;
	v62 =	vadd.s32 s28, v18;
	[tilespmem:s1+$0x0] =	vst v49;
	v56 =	vld.idx.msk [tilespmem:v26+s12+$0x0], $0xffff  }
0x162: {  	v43 =	vand.u32 $0x7F, v58;
	v25 =	vld.idx.msk [tilespmem:v48+s12+$0x0], $0xffff;
	v60 =	vadd.s32 s0, v24;
	v45 =	vadd.s32 v4, v59  }
0x163: {  	v55 =	vadd.s32 s29, v17;
	[tilespmem:s1+$0xFFFFFC00] =	vst v40;
	v61 =	vand.u32 $0x80, v58;
	v19 =	vld.idx.msk [tilespmem:v19+s12+$0x0], $0xffff;
	v42 =	vor.u32 v42, v45  }
0x164: {  	v18 =	vand.u32 $0x7F, v62;
	v27 =	vld.idx.msk [tilespmem:v27+s12+$0x0], $0xffff;
	v40 =	vadd.s32 v4, v61;
	v28 =	vadd.f32 v28, v51  }
0x165: {  	v63 =	vadd.s32 s28, v24;
	v40 =	vor.u32 v43, v40;
	v31 =	vld.idx.msk [tilespmem:v31+s12+$0x0], $0xffff;
	v45 =	vand.u32 $0x80, v62  }
0x166: {  	v36 =	vand.u32 $0x7F, v54;
	v47 =	vadd.s32 v4, v45;
	[tilespmem:s1+$0x210] =	vst v28;
	v22 =	vadd.f32 v56, v53  }
0x167: {  	v52 =	vadd.s32 s26, v15;
	v48 =	vand.u32 $0x80, v54;
	v18 =	vor.u32 v18, v47;
	v49 =	vld.idx.msk [tilespmem:v60+s12+$0x0], $0xffff  }
0x168: {  	v54 =	vadd.s32 s0, v15;
	v19 =	vadd.f32 v19, v25;
	v28 =	vadd.s32 v4, v48;
	v50 =	vld.idx.msk [tilespmem:v42+s12+$0x0], $0xffff;
	[tilespmem:s1+$0xFFFFFE10] =	vst v22  }
0x169: {  	v58 =	vadd.s32 s0, v17;
	v43 =	vadd.s32 s28, v9;
	v51 =	vor.u32 v36, v28;
	v26 =	vld.idx.msk [tilespmem:v57+s12+$0x0], $0xffff  }
0x16a: {  	v47 =	vand.u32 $0x80, v52;
	v27 =	vadd.f32 v31, v27;
	[tilespmem:s1+$0x10] =	vst v19;
	v53 =	vld.idx.msk [tilespmem:v40+s12+$0x0], $0xffff;
	v57 =	vand.u32 $0x80, v54  }
0x16b: {  	v19 =	vand.u32 $0x7F, v54;
	v56 =	vadd.s32 s29, v15;
	v24 =	vld.idx.msk [tilespmem:v63+s12+$0x0], $0xffff;
	v42 =	vadd.s32 v4, v57  }
0x16c: {  	[tilespmem:s1+$0xFFFFFC10] =	vst v27;
	v18 =	vld.idx.msk [tilespmem:v18+s12+$0x0], $0xffff;
	v60 =	vadd.s32 s28, v15;
	v59 =	vand.u32 $0x80, v56;
	v19 =	vor.u32 v19, v42  }
0x16d: {  	v23 =	vld.idx.msk [tilespmem:v23+s12+$0x0], $0xffff;
	v61 =	vadd.s32 v4, v59;
	v40 =	vand.u32 $0x7F, v56;
	v22 =	vadd.f32 v50, v49  }
0x16e: {  	v63 =	vadd.s32 s28, v17;
	v44 =	vand.u32 $0x80, v60;
	v62 =	vor.u32 v40, v61;
	v25 =	vld.idx.msk [tilespmem:v51+s12+$0x0], $0xffff  }
0x16f: {  	v15 =	vand.u32 $0x7F, v60;
	v45 =	vadd.s32 v4, v44;
	[tilespmem:s1+$0x220] =	vst v22;
	v26 =	vadd.f32 v53, v26  }
0x170: {  	v48 =	vadd.s32 v4, v47;
	v47 =	vadd.s32 s26, v9;
	v15 =	vor.u32 v15, v45;
	v27 =	vld.idx.msk [tilespmem:v58+s12+$0x0], $0xffff  }
0x171: {  	v28 =	vand.u32 $0x7F, v52;
	v18 =	vadd.f32 v18, v24;
	v50 =	vadd.s32 s0, v13;
	[tilespmem:s1+$0xFFFFFE20] =	vst v26;
	v19 =	vld.idx.msk [tilespmem:v19+s12+$0x0], $0xffff  }
0x172: {  	v52 =	vadd.s32 s29, v14;
	v49 =	vor.u32 v28, v48;
	v54 =	vand.u32 $0x80, v50;
	v26 =	vld.idx.msk [tilespmem:v55+s12+$0x0], $0xffff  }
0x173: {  	v60 =	vand.u32 $0x80, v46;
	[tilespmem:s1+$0x20] =	vst v18;
	v33 =	vadd.s32 v4, v54;
	v23 =	vadd.f32 v25, v23;
	v51 =	vld.idx.msk [tilespmem:v62+s12+$0x0], $0xffff  }
0x174: {  	v53 =	vadd.s32 s29, v13;
	v17 =	vld.idx.msk [tilespmem:v63+s12+$0x0], $0xffff;
	v25 =	vand.u32 $0x7F, v50;
	v55 =	vadd.s32 s0, v14  }
0x175: {  	v57 =	vadd.s32 s28, v13;
	v15 =	vld.idx.msk [tilespmem:v15+s12+$0x0], $0xffff;
	v56 =	vand.u32 $0x80, v53;
	v25 =	vor.u32 v25, v33;
	[tilespmem:s1+$0xFFFFFC20] =	vst v23  }
0x176: {  	v31 =	vand.u32 $0x7F, v53;
	v23 =	vadd.s32 v4, v56;
	v20 =	vld.idx.msk [tilespmem:v20+s12+$0x0], $0xffff;
	v19 =	vadd.f32 v19, v27  }
0x177: {  	v59 =	vand.u32 $0x80, v57;
	v58 =	vadd.s32 s28, v14;
	v24 =	vld.idx.msk [tilespmem:v49+s12+$0x0], $0xffff;
	v23 =	vor.u32 v31, v23  }
0x178: {  	v13 =	vand.u32 $0x7F, v57;
	v27 =	vadd.s32 v4, v59;
	v26 =	vadd.f32 v51, v26;
	[tilespmem:s1+$0x230] =	vst v19  }
0x179: {  	v44 =	vadd.s32 s28, v12;
	v45 =	vand.u32 $0x80, v43;
	v13 =	vor.u32 v13, v27;
	v61 =	vld.idx.msk [tilespmem:v55+s12+$0x0], $0xffff  }
0x17a: {  	v22 =	vand.u32 $0x7F, v46;
	v15 =	vadd.f32 v15, v17;
	v19 =	vadd.s32 v4, v60;
	[tilespmem:s1+$0xFFFFFE30] =	vst v26;
	v62 =	vld.idx.msk [tilespmem:v25+s12+$0x0], $0xffff  }
0x17b: {  	v40 =	vadd.s32 s0, v12;
	v31 =	vadd.s32 s0, v9;
	v19 =	vor.u32 v22, v19;
	v18 =	vld.idx.msk [tilespmem:v52+s12+$0x0], $0xffff  }
0x17c: {  	v54 =	vadd.s32 s0, v6;
	v36 =	vand.u32 $0x80, v31;
	[tilespmem:s1+$0x30] =	vst v15;
	v20 =	vadd.f32 v24, v20;
	v23 =	vld.idx.msk [tilespmem:v23+s12+$0x0], $0xffff  }
0x17d: {  	v33 =	vadd.s32 s29, v9;
	v14 =	vld.idx.msk [tilespmem:v58+s12+$0x0], $0xffff;
	v25 =	vand.u32 $0x7F, v31;
	v24 =	vadd.s32 v4, v36  }
0x17e: {  	v63 =	vadd.s32 s29, v12;
	v42 =	vand.u32 $0x80, v33;
	v24 =	vor.u32 v25, v24;
	[tilespmem:s1+$0xFFFFFC30] =	vst v20;
	v13 =	vld.idx.msk [tilespmem:v13+s12+$0x0], $0xffff  }
0x17f: {  	v15 =	vand.u32 $0x7F, v33;
	v20 =	vadd.s32 v4, v42;
	v21 =	vld.idx.msk [tilespmem:v21+s12+$0x0], $0xffff;
	v17 =	vadd.f32 v62, v61  }
0x180: {  	[tilespmem:s31+$0xFFFFFC60] =	vst v39;
	v46 =	vand.u32 $0x7F, v43;
	v56 =	vand.u32 $0x80, v54;
	v15 =	vor.u32 v15, v20;
	v19 =	vld.idx.msk [tilespmem:v19+s12+$0x0], $0xffff  }
0x181: {  	v58 =	vand.u32 $0x7F, v54;
	v54 =	vld.idx.msk [tilespmem:v37+s12+$0x0], $0xffff;
	v20 =	vadd.s32 v4, v45;
	v18 =	vadd.f32 v23, v18;
	[tilespmem:s1+$0x240] =	vst v17  }
0x182: {  	v16 =	vadd.s32 s25, v16;
	v51 =	vand.u32 $0x80, v47;
	v20 =	vor.u32 v46, v20;
	v49 =	vld.idx.msk [tilespmem:v40+s12+$0x0], $0xffff  }
0x183: {  	v9 =	vand.u32 $0x7F, v47;
	v53 =	vadd.s32 v4, v51;
	[tilespmem:s1+$0xFFFFFE40] =	vst v18;
	v13 =	vadd.f32 v13, v14;
	v52 =	vld.idx.msk [tilespmem:v24+s12+$0x0], $0xffff  }
0x184: {  	v10 =	vadd.s32 s25, v10;
	v9 =	vor.u32 v9, v53;
	v22 =	vld.idx.msk [tilespmem:v63+s12+$0x0], $0xffff  }
0x185: {  	v48 =	vadd.s32 s29, v11;
	v28 =	vadd.s32 s28, v11;
	v15 =	vld.idx.msk [tilespmem:v15+s12+$0x0], $0xffff;
	v55 =	vadd.f32 v19, v21;
	[tilespmem:s1+$0x40] =	vst v13  }
0x186: {  	v57 =	vadd.s32 s0, v11;
	v50 =	vadd.s32 s29, v6;
	v13 =	vadd.s32 v4, v56;
	v12 =	vld.idx.msk [tilespmem:v44+s12+$0x0], $0xffff  }
0x187: {  	v59 =	vadd.s32 s28, v6;
	v60 =	vand.u32 $0x80, v50;
	v20 =	vld.idx.msk [tilespmem:v20+s12+$0x0], $0xffff;
	v13 =	vor.u32 v58, v13;
	[tilespmem:s1+$0xFFFFFC40] =	vst v55  }
0x188: {  	v62 =	vand.u32 $0x7F, v50;
	v63 =	vadd.s32 v4, v60;
	v14 =	vadd.f32 v52, v49;
	v16 =	vld.idx.msk [tilespmem:v16+s12+$0x0], $0xffff  }
0x189: {  	v33 =	vand.u32 $0x7F, v59;
	v31 =	vand.u32 $0x80, v59;
	v18 =	vor.u32 v62, v63;
	v9 =	vld.idx.msk [tilespmem:v9+s12+$0x0], $0xffff  }
0x18a: {  	v36 =	vadd.s32 s26, v6;
	v61 =	vld.idx.msk [tilespmem:v41+s12+$0x0], $0xffff;
	v23 =	vadd.s32 v4, v31;
	v15 =	vadd.f32 v15, v22;
	[tilespmem:s1+$0x250] =	vst v14  }
0x18b: {  	v47 =	vadd.s32 s29, v5;
	v42 =	vand.u32 $0x80, v36;
	v40 =	vor.u32 v33, v23;
	v19 =	vld.idx.msk [tilespmem:v57+s12+$0x0], $0xffff  }
0x18c: {  	v6 =	vand.u32 $0x7F, v36;
	v43 =	vadd.s32 v4, v42;
	[tilespmem:s1+$0xFFFFFE50] =	vst v15;
	v12 =	vadd.f32 v20, v12;
	v13 =	vld.idx.msk [tilespmem:v13+s12+$0x0], $0xffff  }
0x18d: {  	v51 =	vand.u32 $0x80, v47;
	v6 =	vor.u32 v6, v43;
	v46 =	vadd.s32 s0, v5;
	v17 =	vld.idx.msk [tilespmem:v48+s12+$0x0], $0xffff  }
0x18e: {  	v41 =	vadd.s32 s26, v5;
	v45 =	vld.idx.msk [tilespmem:v18+s12+$0x0], $0xffff;
	v48 =	vand.u32 $0x80, v46;
	[tilespmem:s1+$0x50] =	vst v12;
	v9 =	vadd.f32 v9, v16  }
0x18f: {  	v49 =	vadd.s32 s0, v8;
	v12 =	vand.u32 $0x7F, v46;
	v18 =	vadd.s32 v4, v48;
	v11 =	vld.idx.msk [tilespmem:v28+s12+$0x0], $0xffff  }
0x190: {  	v5 =	vadd.s32 s28, v5;
	v44 =	vadd.s32 s29, v8;
	v14 =	vld.idx.msk [tilespmem:v40+s12+$0x0], $0xffff;
	v12 =	vor.u32 v12, v18;
	[tilespmem:s1+$0xFFFFFC50] =	vst v9  }
0x191: {  	v16 =	vand.u32 $0x7F, v47;
	v9 =	vadd.s32 v4, v51;
	v10 =	vld.idx.msk [tilespmem:v10+s12+$0x0], $0xffff;
	v13 =	vadd.f32 v13, v19  }
0x192: {  	v53 =	vand.u32 $0x80, v5;
	v5 =	vand.u32 $0x7F, v5;
	v6 =	vld.idx.msk [tilespmem:v6+s12+$0x0], $0xffff;
	v9 =	vor.u32 v16, v9  }
0x193: {  	v50 =	vld.idx.msk [tilespmem:v38+s12+$0x0], $0xffff;
	v52 =	vadd.s32 s28, v8;
	v16 =	vadd.s32 v4, v53;
	v15 =	vadd.f32 v45, v17;
	[tilespmem:s1+$0x260] =	vst v13  }
0x194: {  	v7 =	vadd.s32 s25, v7;
	v55 =	vand.u32 $0x80, v41;
	v5 =	vor.u32 v5, v16;
	v13 =	vld.idx.msk [tilespmem:v49+s12+$0x0], $0xffff  }
0x195: {  	v56 =	vand.u32 $0x7F, v41;
	v4 =	vadd.s32 v4, v55;
	v11 =	vadd.f32 v14, v11;
	[tilespmem:s1+$0xFFFFFE60] =	vst v15;
	v12 =	vld.idx.msk [tilespmem:v12+s12+$0x0], $0xffff  }
0x196: {  	v4 =	vor.u32 v56, v4;
	v57 =	vld.idx.msk [tilespmem:v44+s12+$0x0], $0xffff  }
0x197: {  	v6 =	vadd.f32 v6, v10;
	v9 =	vld.idx.msk [tilespmem:v9+s12+$0x0], $0xffff;
	[tilespmem:s1+$0x60] =	vst v11  }
0x198: {  	v8 =	vld.idx.msk [tilespmem:v52+s12+$0x0], $0xffff  }
0x199: {  	v59 =	vadd.f32 v35, v30;
	v5 =	vld.idx.msk [tilespmem:v5+s12+$0x0], $0xffff;
	[tilespmem:s1+$0xFFFFFC60] =	vst v6  }
0x19a: {  	v60 =	vadd.f32 v61, v32;
	v7 =	vld.idx.msk [tilespmem:v7+s12+$0x0], $0xffff  }
0x19b: {  	[tilespmem:s31+$0xFFFFFE70] =	vst v59;
	v61 =	vadd.f32 v54, v50;
	v4 =	vld.idx.msk [tilespmem:v4+s12+$0x0], $0xffff  }
0x19c: {  	s24 =	sadd.s32 $0x1, s24;
	v58 =	vadd.f32 v34, v29;
	[tilespmem:s30+$0x70] =	vst v60  }
0x19d: {  	p1 =	sne.s32 s24, $0x4;
	[tilespmem:s30+$0xFFFFFC70] =	vst v61;
	v62 =	vadd.f32 v12, v13  }
.Ltmp2:
0x19e: {  	[tilespmem:s31+$0x270] =	vst v58;
	v63 =	vadd.f32 v9, v57;
	(pc) =	sbr.rel @p1 .LBB2_5-.Ltmp2, $4  }
0x19f: {  	[tilespmem:s1+$0x270] =	vst v62;
	v5 =	vadd.f32 v5, v8  }
0x1a0: {  	[tilespmem:s1+$0xFFFFFE70] =	vst v63;
	v4 =	vadd.f32 v4, v7  }
0x1a1: {  	[tilespmem:s1+$0x70] =	vst v5  }
0x1a2: {  	s23 =	sadd.s32 $0x80, s23;
	[tilespmem:s1+$0xFFFFFC70] =	vst v4  }
0x1a3: {  	s0 =	sshll.u32 s22, $0x4  }
0x1a4: {  	s0 =	sadd.s32 s2, s0  }
0x1a5: {  	[hbm4b:s0+s13] =	stream.strided.scatter [tilespmem:s15], [sflag:$0x1], $0x8000, s14, s13, $0x38;
	[tilespmem:$0x1C080] =	vst v63  }
0x1a6: {  	s0 =	simm.s32 @!p0 $0x2  }
0x1a7: {  	s21 =	sor.u32 $0x4, s21;
	_ =	swait.ge @!p0 [sflag:s0], $0x8000  }
0x1a8: {  	s23 =	simm.s32 $0x0;
	s24 =	simm.s32 $0x14480;
	[sflag:s0] =	ssyncset.done @!p0 $0x0  }
0x1a9: {  	s25 =	simm.s32 $0x0;
	s22 =	sadd.s32 s4, s21;
	[sflag:s0] =	ssyncadd.s32 @!p0 $0xFFFF8000  }
.LBB2_9:
0x1aa: {  	s0 =	sor.u32 s21, s25  }
0x1ab: {  	s26 =	sshll.u32 s0, $0x8  }
0x1ac: {  	v4 =	vld [tilespmem:s26+$0x4000]  }
0x1ad: {  	v5 =	vld [tilespmem:s26+$0x4010]  }
0x1ae: {  	v6 =	vld [tilespmem:s26+$0x4020]  }
0x1af: {  	v7 =	vld [tilespmem:s26+$0x4030];
	_ =	sdelay $0x1  }
0x1b0: {  	(xrf0) =	vmax.scan.msk.f32 $0xffff, v4  }
0x1b1: {  	(xrf0) =	vmax.scan.msk.f32 $0xffff, v5  }
0x1b2: {  	(xrf0) =	vmax.scan.msk.f32 $0xffff, v6  }
0x1b3: {  	(xrf0) =	vmax.scan.msk.f32 $0xffff, v7;
	_ =	sdelay $0x2  }
0x1b4: {  	v8, _, _ =	vpop (xrf0)  }
0x1b5: {  	(v2sf) =	vpush v8, $0xF;
	v8, _, _ =	vpop (xrf0)  }
0x1b6: {  	(v2sf) =	vpush v8, $0xF;
	v8, _, _ =	vpop (xrf0)  }
0x1b7: {  	(v2sf) =	vpush v8, $0xF;
	v8, _, _ =	vpop (xrf0)  }
0x1b8: {  	(v2sf) =	vpush v8, $0xF;
	_ =	sdelay $0xb  }
0x1b9: {  	s11 =	spop (v2sf)  }
0x1ba: {  	s1 =	spop (v2sf)  }
0x1bb: {  	s0 =	smax.f32 s11, s1;
	s5 =	spop (v2sf)  }
0x1bc: {  	s0 =	smax.f32 s0, s5;
	s10 =	spop (v2sf)  }
0x1bd: {  	s0 =	smax.f32 s0, s10  }
0x1be: {  	vm0 =	veq.f32 v4, s0  }
0x1bf: {  	vm6 =	veq.f32 v5, s0;
	v5 =	vld [tilespmem:s26+$0x4080];
	v4 =	vnsel vm0, $0x8000007F, v0  }
0x1c0: {  	vm7 =	veq.f32 v6, s0;
	v6 =	vld [tilespmem:s26+$0x4090];
	(xrf0) =	vmin.scan.msk.u32 $0xffff, v4;
	v4 =	vnsel vm6, $0x8000007F, v1  }
0x1c1: {  	vm8 =	veq.f32 v7, s0;
	v7 =	vld [tilespmem:s26+$0x40A0];
	(xrf0) =	vmin.scan.msk.u32 $0xffff, v4;
	v4 =	vnsel vm7, $0x8000007F, v2  }
0x1c2: {  	v8 =	vld [tilespmem:s26+$0x40B0];
	(xrf0) =	vmin.scan.msk.u32 $0xffff, v4;
	v4 =	vnsel vm8, $0x8000007F, v3  }
0x1c3: {  	(xrf0) =	vmin.scan.msk.u32 $0xffff, v4  }
0x1c4: {  	(xrf0) =	vmax.scan.msk.f32 $0xffff, v5  }
0x1c5: {  	(xrf0) =	vmax.scan.msk.f32 $0xffff, v6  }
0x1c6: {  	v4, _, _ =	vpop (xrf0);
	(xrf0) =	vmax.scan.msk.f32 $0xffff, v7  }
0x1c7: {  	(v2sf) =	vpush v4, $0xF;
	v4, _, _ =	vpop (xrf0);
	(xrf0) =	vmax.scan.msk.f32 $0xffff, v8  }
0x1c8: {  	v9, _, _ =	vpop (xrf0);
	(v2sf) =	vpush v4, $0xF  }
0x1c9: {  	v4, _, _ =	vpop (xrf0);
	(v2sf) =	vpush v9, $0xF  }
0x1ca: {  	v9, _, _ =	vpop (xrf0);
	(v2sf) =	vpush v4, $0xF  }
0x1cb: {  	(v2sf) =	vpush v9, $0xF;
	v4, _, _ =	vpop (xrf0)  }
0x1cc: {  	(v2sf) =	vpush v4, $0xF;
	v4, _, _ =	vpop (xrf0)  }
0x1cd: {  	(v2sf) =	vpush v4, $0xF;
	v4, _, _ =	vpop (xrf0)  }
0x1ce: {  	(v2sf) =	vpush v4, $0xF;
	_ =	sdelay $0x7  }
0x1cf: {  	s0 =	spop (v2sf)  }
0x1d0: {  	s1 =	spop (v2sf)  }
0x1d1: {  	s5 =	spop (v2sf)  }
0x1d2: {  	s10 =	spop (v2sf)  }
0x1d3: {  	s11 =	spop (v2sf)  }
0x1d4: {  	s28 =	spop (v2sf)  }
0x1d5: {  	s11 =	smax.f32 s11, s28;
	s28 =	spop (v2sf)  }
0x1d6: {  	s11 =	smax.f32 s11, s28;
	s28 =	spop (v2sf)  }
0x1d7: {  	s11 =	smax.f32 s11, s28  }
0x1d8: {  	vm9 =	veq.f32 v5, s11  }
0x1d9: {  	vm10 =	veq.f32 v6, s11;
	v4 =	vnsel vm9, $0x8000007F, v0  }
0x1da: {  	(xrf0) =	vmin.scan.msk.u32 $0xffff, v4;
	v4 =	vnsel vm10, $0x8000007F, v1  }
0x1db: {  	vm11 =	veq.f32 v7, s11;
	(xrf0) =	vmin.scan.msk.u32 $0xffff, v4  }
0x1dc: {  	v4 =	vnsel vm11, $0x8000007F, v2  }
0x1dd: {  	vm12 =	veq.f32 v8, s11;
	(xrf0) =	vmin.scan.msk.u32 $0xffff, v4  }
0x1de: {  	v4 =	vnsel vm12, $0x8000007F, v3;
	_ =	sdelay $0x1  }
0x1df: {  	v5, _, _ =	vpop (xrf0);
	(xrf0) =	vmin.scan.msk.u32 $0xffff, v4  }
0x1e0: {  	v4, _, _ =	vpop (xrf0);
	(v2sf) =	vpush v5, $0xF  }
0x1e1: {  	(v2sf) =	vpush v4, $0xF  }
0x1e2: {  	v5, _, _ =	vpop (xrf0)  }
0x1e3: {  	(v2sf) =	vpush v5, $0xF;
	_ =	sdelay $0x1  }
0x1e4: {  	v4, _, _ =	vpop (xrf0)  }
0x1e5: {  	(v2sf) =	vpush v4, $0xF;
	_ =	sdelay $0x8  }
0x1e6: {  	s0 =	sxor.u32 $0x80000000, s0;
	s1 =	sxor.u32 $0x80000000, s1;
	s11 =	spop (v2sf)  }
0x1e7: {  	p0 =	slt.s32 s0, s1;
	s28 =	spop (v2sf)  }
0x1e8: {  	v10 =	vld [tilespmem:s26+$0x8030];
	s1 =	smov.u32 @p0 s0;
	s11 =	sxor.u32 $0x80000000, s11;
	s28 =	sxor.u32 $0x80000000, s28  }
0x1e9: {  	v11 =	vld [tilespmem:s26+$0x80B0];
	s0 =	sxor.u32 $0x80000000, s5;
	s29 =	spop (v2sf);
	p0 =	slt.s32 s11, s28  }
0x1ea: {  	v9 =	vld [tilespmem:s26+$0x80A0];
	p1 =	slt.s32 s1, s0;
	s5 =	sxor.u32 $0x80000000, s29;
	s28 =	smov.u32 @p0 s11  }
0x1eb: {  	s10 =	sxor.u32 $0x80000000, s10;
	s0 =	smov.u32 @p1 s1;
	v6 =	vld [tilespmem:s26+$0x8010];
	p0 =	slt.s32 s28, s5  }
0x1ec: {  	v4 =	vld [tilespmem:s26+$0x8000];
	s11 =	spop (v2sf);
	s5 =	smov.u32 @p0 s28;
	p0 =	slt.s32 s0, s10  }
0x1ed: {  	v8 =	vld [tilespmem:s26+$0x8020];
	s1 =	sxor.u32 $0x80000000, s11;
	s10 =	smov.u32 @p0 s0  }
0x1ee: {  	v5 =	vld [tilespmem:s26+$0x8080];
	p1 =	slt.s32 s5, s1;
	p0 =	slt.s32 s10, $0x40  }
0x1ef: {  	v7 =	vld [tilespmem:s26+$0x8090];
	s1 =	smov.u32 @p1 s5;
	s10 =	simm.s32 @!p0 $0x40  }
0x1f0: {  	v14 =	vld [tilespmem:s26+$0x80D0];
	p1 =	slt.s32 s1, $0x40;
	s11 =	ssub.s32 $0x3F, s10  }
0x1f1: {  	v16 =	vld [tilespmem:s26+$0x80E0];
	s1 =	simm.s32 @!p1 $0x40;
	vm13 =	vlt.s32 v4, s11;
	vm14 =	vlt.s32 v6, s11  }
0x1f2: {  	vm4 =	vlt.s32 v8, s11;
	vm6 =	vlt.s32 v10, s11;
	s1 =	ssub.s32 $0x3F, s1;
	v4 =	vnsel vm13, s11, v4  }
0x1f3: {  	v10 =	vnsel vm6, s11, v10;
	vm1 =	vlt.s32 v5, s1;
	v4 =	vand.u32 $0x3F, v4  }
0x1f4: {  	vm15 =	vlt.s32 v7, s1;
	vm5 =	vlt.s32 v9, s1;
	vm7 =	vlt.s32 v11, s1  }
0x1f5: {  	v17 =	vld [tilespmem:s26+$0x8070];
	v10 =	vand.u32 $0x3F, v10;
	vm11 =	vlt.s32 v14, s1;
	v5 =	vnsel vm1, s1, v5  }
0x1f6: {  	vm13 =	vlt.s32 v16, s1;
	v4 =	vsub.s32 s26, v4;
	v5 =	vand.u32 $0x3F, v5  }
0x1f7: {  	v26 =	vadd.s32 $0x40, v4;
	v4 =	vmov s26;
	v22 =	vsub.s32 $0x40, v5  }
0x1f8: {  	v5 =	vnsel vm14, s11, v6;
	v28 =	vadd.s32 $0x4, v26;
	v4 =	vor.u32 $0x80, v4  }
0x1f9: {  	s0 =	simm.s32 $0x1;
	s5 =	simm.s32 $0x2;
	v12 =	vand.u32 $0x3F, v5;
	v5 =	vnsel vm15, s1, v7;
	v7 =	vnsel vm4, s11, v8  }
0x1fa: {  	vm15 =	vlt.s32 v17, s11;
	v31 =	vadd.s32 s0, v22;
	v32 =	vadd.s32 s5, v22  }
0x1fb: {  	v5 =	vand.u32 $0x3F, v5;
	v7 =	vand.u32 $0x3F, v7;
	v12 =	vsub.s32 s26, v12  }
0x1fc: {  	v34 =	vand.u32 $0x7F, v31;
	v31 =	vand.u32 $0x80, v31;
	v37 =	vand.u32 $0x80, v32  }
0x1fd: {  	v32 =	vand.u32 $0x7F, v32;
	v19 =	vsub.s32 $0x40, v5;
	v5 =	vnsel vm5, s1, v9  }
0x1fe: {  	v25 =	vadd.s32 $0x40, v12;
	v27 =	vadd.s32 $0x44, v12;
	v7 =	vsub.s32 s26, v7  }
0x1ff: {  	v6 =	vld [tilespmem:s26+$0x8040];
	v31 =	vadd.s32 v4, v31;
	v60 =	vadd.s32 v4, v37;
	v5 =	vand.u32 $0x3F, v5  }
0x200: {  	v8 =	vld [tilespmem:s26+$0x80C0];
	v24 =	vadd.s32 $0x40, v7;
	v23 =	vadd.s32 $0x44, v7;
	v7 =	vsub.s32 s26, v10  }
0x201: {  	v10 =	vadd.s32 s23, v22;
	v31 =	vor.u32 v34, v31;
	v32 =	vor.u32 v32, v60  }
0x202: {  	v63 =	vadd.s32 s23, v19;
	v48 =	vadd.s32 s0, v25;
	v38 =	vadd.s32 s0, v19  }
0x203: {  	v9 =	vld [tilespmem:s26+$0x8050];
	v41 =	vadd.s32 s5, v19;
	v18 =	vsub.s32 $0x40, v5;
	v5 =	vnsel vm7, s1, v11  }
0x204: {  	v51 =	vadd.s32 s5, v25;
	v11 =	vld [tilespmem:s26+$0x8060];
	vm8 =	vlt.s32 v6, s11;
	v5 =	vand.u32 $0x3F, v5  }
0x205: {  	vm9 =	vlt.s32 v8, s1;
	v15 =	vsub.s32 $0x40, v5;
	v5 =	vnsel vm8, s11, v6  }
0x206: {  	v20 =	vadd.s32 $0x44, v7;
	v21 =	vand.u32 $0x3F, v5;
	v5 =	vnsel vm9, s1, v8;
	v8 =	vld [tilespmem:s26+$0x80F0]  }
0x207: {  	v30 =	vand.u32 $0x80, v10;
	v10 =	vand.u32 $0x7F, v10;
	v5 =	vand.u32 $0x3F, v5  }
0x208: {  	vm10 =	vlt.s32 v9, s11;
	v13 =	vsub.s32 $0x40, v5;
	v5 =	vnsel vm11, s1, v14  }
0x209: {  	v6 =	vnsel vm10, s11, v9;
	vm12 =	vlt.s32 v11, s11;
	v5 =	vand.u32 $0x3F, v5  }
0x20a: {  	v29 =	vand.u32 $0x3F, v6;
	v9 =	vsub.s32 $0x40, v5;
	v5 =	vnsel vm13, s1, v16  }
0x20b: {  	v11 =	vnsel vm12, s11, v11;
	v5 =	vand.u32 $0x3F, v5;
	vm14 =	vlt.s32 v8, s1  }
0x20c: {  	v6 =	vsub.s32 $0x40, v5;
	v5 =	vnsel vm14, s1, v8;
	v8 =	vnsel vm15, s11, v17;
	s11 =	simm.s32 $0x3  }
0x20d: {  	v40 =	vand.u32 $0x7F, v38;
	v45 =	vand.u32 $0x7F, v41;
	v33 =	vadd.s32 s11, v22  }
0x20e: {  	v38 =	vand.u32 $0x80, v38;
	v16 =	vadd.s32 s0, v26;
	v35 =	vand.u32 $0x80, v33  }
0x20f: {  	v36 =	vadd.s32 s11, v26;
	v33 =	vand.u32 $0x7F, v33;
	v35 =	vadd.s32 v4, v35  }
0x210: {  	v41 =	vand.u32 $0x80, v41;
	v58 =	vadd.s32 s0, v24;
	v33 =	vor.u32 v33, v35  }
0x211: {  	v44 =	vld.idx.msk [tilespmem:v26+s12+$0x0], $0xffff;
	v30 =	vadd.s32 v4, v30;
	v17 =	vadd.s32 $0x40, v7;
	v7 =	vsub.s32 s26, v21  }
0x212: {  	v38 =	vadd.s32 v4, v38;
	v30 =	vor.u32 v10, v30;
	v31 =	vld.idx.msk [tilespmem:v31+s12+$0x0], $0xffff;
	v14 =	vadd.s32 $0x40, v7  }
0x213: {  	v21 =	vadd.s32 $0x44, v7;
	v7 =	vsub.s32 s26, v29;
	v29 =	vadd.s32 s5, v26;
	v61 =	vld.idx.msk [tilespmem:v16+s12+$0x0], $0xffff  }
0x214: {  	v49 =	vadd.s32 v4, v41;
	v56 =	vadd.s32 s23, v18;
	v59 =	vadd.s32 s0, v18;
	v62 =	vld.idx.msk [tilespmem:v36+s12+$0x0], $0xffff  }
0x215: {  	v50 =	vor.u32 v40, v38;
	v52 =	vor.u32 v45, v49;
	v40 =	vand.u32 $0x7F, v56;
	v33 =	vld.idx.msk [tilespmem:v33+s12+$0x0], $0xffff  }
0x216: {  	v32 =	vld.idx.msk [tilespmem:v32+s12+$0x0], $0xffff;
	v45 =	vadd.s32 s23, v13;
	v11 =	vand.u32 $0x3F, v11;
	v39 =	vadd.s32 s11, v19  }
0x217: {  	v30 =	vld.idx.msk [tilespmem:v30+s12+$0x0], $0xffff;
	v5 =	vand.u32 $0x3F, v5;
	v43 =	vadd.s32 s11, v25;
	v42 =	vand.u32 $0x80, v39  }
0x218: {  	v39 =	vand.u32 $0x7F, v39;
	v42 =	vadd.s32 v4, v42;
	v29 =	vld.idx.msk [tilespmem:v29+s12+$0x0], $0xffff;
	v31 =	vadd.f32 v31, v61  }
0x219: {  	v8 =	vand.u32 $0x3F, v8;
	v57 =	vadd.s32 s11, v18;
	v39 =	vor.u32 v39, v42  }
0x21a: {  	v46 =	vadd.s32 s11, v24;
	v5 =	vsub.s32 $0x40, v5;
	[tilespmem:s24+$0xFFFFFE00] =	vst v31;
	v33 =	vadd.f32 v33, v62  }
0x21b: {  	v12 =	vadd.s32 $0x40, v7;
	v16 =	vadd.s32 $0x44, v7;
	v7 =	vsub.s32 s26, v11;
	v37 =	vld.idx.msk [tilespmem:v48+s12+$0x0], $0xffff  }
0x21c: {  	v60 =	vand.u32 $0x80, v57;
	v55 =	vadd.f32 v30, v44;
	v11 =	vadd.s32 $0x40, v7;
	v34 =	vld.idx.msk [tilespmem:v50+s12+$0x0], $0xffff;
	[tilespmem:s24+$0x200] =	vst v33  }
0x21d: {  	v10 =	vadd.s32 $0x44, v7;
	v32 =	vadd.f32 v32, v29;
	v29 =	vand.u32 $0x80, v63;
	v53 =	vld.idx.msk [tilespmem:v43+s12+$0x0], $0xffff  }
0x21e: {  	v7 =	vsub.s32 s26, v8;
	v36 =	vand.u32 $0x7F, v63;
	v54 =	vadd.s32 v4, v29;
	v31 =	vld.idx.msk [tilespmem:v39+s12+$0x0], $0xffff  }
0x21f: {  	v30 =	vadd.s32 s23, v9;
	v8 =	vadd.s32 $0x40, v7;
	v36 =	vor.u32 v36, v54  }
0x220: {  	v61 =	vand.u32 $0x7F, v57;
	v63 =	vand.u32 $0x80, v59;
	v48 =	vand.u32 $0x7F, v59;
	[tilespmem:s24+$0x0] =	vst v32  }
0x221: {  	[tilespmem:s24+$0xFFFFFC00] =	vst v55;
	v50 =	vadd.s32 s5, v18;
	v59 =	vadd.s32 s0, v15;
	v38 =	vld.idx.msk [tilespmem:v51+s12+$0x0], $0xffff;
	v62 =	vadd.s32 v4, v60  }
0x222: {  	v49 =	vadd.s32 v4, v63;
	v41 =	vor.u32 v61, v62;
	v33 =	vld.idx.msk [tilespmem:v52+s12+$0x0], $0xffff;
	v34 =	vadd.f32 v34, v37  }
0x223: {  	v47 =	vld.idx.msk [tilespmem:v25+s12+$0x0], $0xffff;
	v29 =	vadd.s32 s23, v28;
	v51 =	vor.u32 v48, v49;
	v31 =	vadd.f32 v31, v53  }
0x224: {  	v63 =	vand.u32 $0x80, v59;
	v32 =	vadd.s32 s23, v5;
	v36 =	vld.idx.msk [tilespmem:v36+s12+$0x0], $0xffff;
	[tilespmem:s24+$0xFFFFFE10] =	vst v34;
	v53 =	vand.u32 $0x80, v50  }
0x225: {  	v54 =	vand.u32 $0x7F, v50;
	v52 =	vadd.s32 s5, v24;
	v57 =	vld.idx.msk [tilespmem:v58+s12+$0x0], $0xffff;
	v44 =	vadd.s32 v4, v53;
	[tilespmem:s24+$0x210] =	vst v31  }
0x226: {  	v48 =	vadd.s32 s11, v17;
	v31 =	vand.u32 $0x80, v56;
	v37 =	vor.u32 v54, v44;
	v55 =	vld.idx.msk [tilespmem:v46+s12+$0x0], $0xffff  }
0x227: {  	v49 =	vadd.s32 s5, v15;
	v33 =	vadd.f32 v33, v38;
	v31 =	vadd.s32 v4, v31;
	v56 =	vld.idx.msk [tilespmem:v41+s12+$0x0], $0xffff  }
0x228: {  	v39 =	vadd.s32 s23, v6;
	v35 =	vld.idx.msk [tilespmem:v51+s12+$0x0], $0xffff;
	v58 =	vadd.s32 s11, v15;
	v31 =	vor.u32 v40, v31  }
0x229: {  	v43 =	vadd.s32 s0, v17;
	v60 =	vand.u32 $0x80, v58;
	v36 =	vadd.f32 v36, v47;
	[tilespmem:s24+$0x10] =	vst v33  }
0x22a: {  	s26 =	simm.s32 $0x4;
	v51 =	vadd.s32 s5, v13;
	v62 =	vadd.s32 v4, v60;
	v33 =	vand.u32 $0x7F, v58;
	v42 =	vld.idx.msk [tilespmem:v52+s12+$0x0], $0xffff  }
0x22b: {  	v38 =	vadd.s32 s26, v22;
	v53 =	vadd.s32 v4, v63;
	v33 =	vor.u32 v33, v62;
	[tilespmem:s24+$0xFFFFFC10] =	vst v36;
	v61 =	vld.idx.msk [tilespmem:v37+s12+$0x0], $0xffff  }
0x22c: {  	v52 =	vand.u32 $0x7F, v59;
	v54 =	vand.u32 $0x80, v49;
	v50 =	vld.idx.msk [tilespmem:v24+s12+$0x0], $0xffff;
	v34 =	vadd.f32 v56, v55  }
0x22d: {  	v35 =	vadd.f32 v35, v57;
	v44 =	vadd.s32 v4, v54;
	v37 =	vor.u32 v52, v53;
	v31 =	vld.idx.msk [tilespmem:v31+s12+$0x0], $0xffff  }
0x22e: {  	v40 =	vadd.s32 s23, v15;
	v55 =	vadd.s32 s5, v17;
	v56 =	vand.u32 $0x7F, v49;
	[tilespmem:s24+$0x220] =	vst v34  }
0x22f: {  	v60 =	vadd.s32 s11, v13;
	v57 =	vand.u32 $0x80, v40;
	v58 =	vor.u32 v56, v44;
	v59 =	vld.idx.msk [tilespmem:v48+s12+$0x0], $0xffff  }
0x230: {  	[tilespmem:s24+$0xFFFFFE20] =	vst v35;
	v40 =	vand.u32 $0x7F, v40;
	v34 =	vadd.s32 v4, v57;
	v33 =	vld.idx.msk [tilespmem:v33+s12+$0x0], $0xffff;
	v42 =	vadd.f32 v61, v42  }
0x231: {  	v63 =	vadd.s32 s11, v14;
	v47 =	vand.u32 $0x7F, v60;
	v43 =	vld.idx.msk [tilespmem:v43+s12+$0x0], $0xffff;
	v40 =	vor.u32 v40, v34  }
0x232: {  	v62 =	vand.u32 $0x80, v60;
	v36 =	vand.u32 $0x7F, v39;
	v37 =	vld.idx.msk [tilespmem:v37+s12+$0x0], $0xffff;
	v31 =	vadd.f32 v31, v50;
	[tilespmem:s24+$0x20] =	vst v42  }
0x233: {  	v39 =	vand.u32 $0x80, v39;
	v49 =	vadd.s32 v4, v62;
	v61 =	vadd.s32 s0, v13;
	v46 =	vld.idx.msk [tilespmem:v55+s12+$0x0], $0xffff  }
0x234: {  	v47 =	vor.u32 v47, v49;
	v54 =	vand.u32 $0x80, v61;
	v48 =	vand.u32 $0x7F, v61;
	[tilespmem:s24+$0xFFFFFC20] =	vst v31;
	v31 =	vld.idx.msk [tilespmem:v58+s12+$0x0], $0xffff  }
0x235: {  	v42 =	vadd.s32 s0, v14;
	v41 =	vadd.s32 v4, v54;
	v33 =	vadd.f32 v33, v59;
	v55 =	vld.idx.msk [tilespmem:v17+s12+$0x0], $0xffff  }
0x236: {  	v56 =	vadd.s32 s5, v14;
	v57 =	vand.u32 $0x80, v51;
	v41 =	vor.u32 v48, v41;
	v40 =	vld.idx.msk [tilespmem:v40+s12+$0x0], $0xffff  }
0x237: {  	v48 =	vadd.s32 v4, v57;
	v58 =	vand.u32 $0x7F, v51;
	v37 =	vadd.f32 v37, v43;
	[tilespmem:s24+$0x230] =	vst v33  }
0x238: {  	v35 =	vadd.s32 s0, v11;
	v59 =	vand.u32 $0x80, v45;
	v43 =	vor.u32 v58, v48;
	v60 =	vld.idx.msk [tilespmem:v63+s12+$0x0], $0xffff  }
0x239: {  	s29 =	simm.s32 $0x5;
	s28 =	simm.s32 $0x6;
	v45 =	vand.u32 $0x7F, v45;
	v33 =	vadd.s32 v4, v59;
	[tilespmem:s24+$0xFFFFFE30] =	vst v37;
	v61 =	vld.idx.msk [tilespmem:v47+s12+$0x0], $0xffff;
	v31 =	vadd.f32 v31, v46  }
0x23a: {  	v62 =	vadd.s32 s29, v26;
	v49 =	vadd.s32 s28, v26;
	v33 =	vor.u32 v45, v33;
	v42 =	vld.idx.msk [tilespmem:v42+s12+$0x0], $0xffff  }
0x23b: {  	v54 =	vadd.s32 s5, v9;
	v63 =	vadd.s32 s0, v9;
	v41 =	vld.idx.msk [tilespmem:v41+s12+$0x0], $0xffff;
	v40 =	vadd.f32 v40, v55;
	[tilespmem:s24+$0x30] =	vst v31  }
0x23c: {  	v57 =	vadd.s32 s11, v12;
	v45 =	vadd.s32 s0, v12;
	v53 =	vand.u32 $0x80, v63;
	v44 =	vld.idx.msk [tilespmem:v56+s12+$0x0], $0xffff  }
0x23d: {  	v58 =	vand.u32 $0x7F, v63;
	v63 =	vand.u32 $0x7F, v54;
	v31 =	vadd.s32 s11, v9;
	[tilespmem:s24+$0xFFFFFC30] =	vst v40;
	v40 =	vld.idx.msk [tilespmem:v43+s12+$0x0], $0xffff  }
0x23e: {  	v59 =	vadd.s32 v4, v53;
	v56 =	vand.u32 $0x80, v31;
	v31 =	vand.u32 $0x7F, v31;
	v52 =	vld.idx.msk [tilespmem:v14+s12+$0x0], $0xffff  }
0x23f: {  	v37 =	vadd.f32 v61, v60;
	v60 =	vor.u32 v58, v59;
	v51 =	vadd.s32 v4, v56;
	v55 =	vld.idx.msk [tilespmem:v33+s12+$0x0], $0xffff  }
0x240: {  	v41 =	vadd.f32 v41, v42;
	v51 =	vor.u32 v31, v51;
	v31 =	vld.idx.msk [tilespmem:v62+s12+$0x0], $0xffff;
	v62 =	vand.u32 $0x80, v54  }
0x241: {  	v61 =	vadd.s32 s5, v12;
	v33 =	vld.idx.msk [tilespmem:v49+s12+$0x0], $0xffff;
	[tilespmem:s24+$0x240] =	vst v37;
	v54 =	vand.u32 $0x80, v30;
	v53 =	vadd.s32 v4, v62  }
0x242: {  	v30 =	vand.u32 $0x7F, v30;
	v43 =	vld.idx.msk [tilespmem:v57+s12+$0x0], $0xffff;
	v37 =	vadd.s32 v4, v54;
	[tilespmem:s24+$0xFFFFFE40] =	vst v41;
	v42 =	vor.u32 v63, v53  }
0x243: {  	v34 =	vadd.s32 s5, v11;
	v30 =	vor.u32 v30, v37;
	v37 =	vld.idx.msk [tilespmem:v45+s12+$0x0], $0xffff;
	v40 =	vadd.f32 v40, v44  }
0x244: {  	v50 =	vadd.s32 s28, v22;
	v47 =	vadd.s32 s29, v22;
	v46 =	vadd.s32 s0, v6;
	v45 =	vld.idx.msk [tilespmem:v60+s12+$0x0], $0xffff  }
0x245: {  	v59 =	vadd.s32 s11, v6;
	v56 =	vand.u32 $0x80, v38;
	v58 =	vadd.f32 v55, v52;
	v41 =	vld.idx.msk [tilespmem:v51+s12+$0x0], $0xffff;
	[tilespmem:s24+$0x40] =	vst v40  }
0x246: {  	v38 =	vand.u32 $0x7F, v38;
	v49 =	vadd.s32 s0, v8;
	v57 =	vadd.s32 v4, v56;
	v48 =	vld.idx.msk [tilespmem:v61+s12+$0x0], $0xffff  }
0x247: {  	v38 =	vor.u32 v38, v57;
	v63 =	vand.u32 $0x80, v46;
	v57 =	vadd.s32 v4, v39;
	[tilespmem:s24+$0xFFFFFC40] =	vst v58;
	v44 =	vld.idx.msk [tilespmem:v42+s12+$0x0], $0xffff  }
0x248: {  	v53 =	vand.u32 $0x80, v47;
	v56 =	vadd.s32 v4, v63;
	v61 =	vand.u32 $0x80, v59;
	v52 =	vld.idx.msk [tilespmem:v12+s12+$0x0], $0xffff  }
0x249: {  	v51 =	vadd.s32 s11, v11;
	v40 =	vand.u32 $0x7F, v59;
	v62 =	vadd.s32 v4, v61;
	v30 =	vld.idx.msk [tilespmem:v30+s12+$0x0], $0xffff  }
0x24a: {  	v55 =	vand.u32 $0x7F, v46;
	v42 =	vld.idx.msk [tilespmem:v29+s12+$0x0], $0xffff;
	v54 =	vor.u32 v40, v62;
	v29 =	vadd.f32 v45, v37  }
0x24b: {  	v60 =	vadd.s32 s5, v6;
	v58 =	vor.u32 v55, v56;
	v41 =	vadd.f32 v41, v43  }
0x24c: {  	v36 =	vor.u32 v36, v57;
	v46 =	vadd.s32 v4, v53;
	v59 =	vand.u32 $0x80, v60;
	v40 =	vld.idx.msk [tilespmem:v38+s12+$0x0], $0xffff;
	[tilespmem:s24+$0xFFFFFE50] =	vst v29  }
0x24d: {  	v60 =	vand.u32 $0x7F, v60;
	v55 =	vand.u32 $0x80, v50;
	v43 =	vadd.s32 v4, v59;
	v35 =	vld.idx.msk [tilespmem:v35+s12+$0x0], $0xffff;
	[tilespmem:s24+$0x250] =	vst v41  }
0x24e: {  	v61 =	vand.u32 $0x7F, v47;
	v37 =	vor.u32 v60, v43;
	v29 =	vadd.f32 v44, v48;
	v63 =	vld.idx.msk [tilespmem:v51+s12+$0x0], $0xffff  }
0x24f: {  	v47 =	vadd.s32 v4, v55;
	v62 =	vand.u32 $0x7F, v50;
	v30 =	vadd.f32 v30, v52;
	v56 =	vld.idx.msk [tilespmem:v54+s12+$0x0], $0xffff  }
0x250: {  	v57 =	vor.u32 v61, v46;
	v39 =	vld.idx.msk [tilespmem:v58+s12+$0x0], $0xffff;
	v58 =	vadd.s32 s0, v5;
	[tilespmem:s24+$0x50] =	vst v29;
	v29 =	vadd.s32 s11, v5  }
0x251: {  	v60 =	vadd.s32 s11, v8;
	v41 =	vor.u32 v62, v47;
	[tilespmem:s24+$0xFFFFFC50] =	vst v30;
	v34 =	vld.idx.msk [tilespmem:v34+s12+$0x0], $0xffff;
	v59 =	vand.u32 $0x80, v29  }
0x252: {  	s1 =	simm.s32 $0x7;
	v61 =	vand.u32 $0x80, v58;
	v29 =	vand.u32 $0x7F, v29;
	v50 =	vld.idx.msk [tilespmem:v11+s12+$0x0], $0xffff;
	v46 =	vadd.s32 v4, v59  }
0x253: {  	v44 =	vadd.s32 s1, v26;
	v62 =	vadd.s32 v4, v61;
	v30 =	vld.idx.msk [tilespmem:v37+s12+$0x0], $0xffff;
	v48 =	vor.u32 v29, v46  }
0x254: {  	v51 =	vadd.s32 s5, v8;
	v36 =	vld.idx.msk [tilespmem:v36+s12+$0x0], $0xffff;
	v29 =	vand.u32 $0x7F, v58;
	v43 =	vadd.f32 v56, v63  }
0x255: {  	v46 =	vld.idx.msk [tilespmem:v57+s12+$0x0], $0xffff;
	v57 =	vadd.s32 s1, v22;
	v63 =	vadd.s32 s5, v5;
	v56 =	vor.u32 v29, v62  }
0x256: {  	v35 =	vadd.f32 v39, v35;
	v47 =	vld.idx.msk [tilespmem:v41+s12+$0x0], $0xffff;
	v58 =	vand.u32 $0x80, v57;
	v29 =	vand.u32 $0x80, v63;
	[tilespmem:s24+$0x260] =	vst v43  }
0x257: {  	v39 =	vadd.s32 v4, v58;
	v59 =	vadd.s32 v4, v29;
	v29 =	vld.idx.msk [tilespmem:v60+s12+$0x0], $0xffff;
	v60 =	vand.u32 $0x7F, v57  }
0x258: {  	[tilespmem:s24+$0xFFFFFE60] =	vst v35;
	v62 =	vand.u32 $0x7F, v63;
	v61 =	vadd.f32 v30, v34;
	v34 =	vld.idx.msk [tilespmem:v48+s12+$0x0], $0xffff;
	v48 =	vor.u32 v60, v39  }
0x259: {  	v38 =	vmov v8;
	v63 =	vand.u32 $0x80, v32;
	v30 =	vld.idx.msk [tilespmem:v49+s12+$0x0], $0xffff;
	v41 =	vor.u32 v62, v59  }
0x25a: {  	s31 =	smov.u32 s24;
	v32 =	vand.u32 $0x7F, v32;
	v37 =	vadd.s32 v4, v63;
	v39 =	vadd.f32 v36, v50;
	v35 =	vld.idx.msk [tilespmem:v56+s12+$0x0], $0xffff;
	[tilespmem:s24+$0x60] =	vst v61  }
0x25b: {  	s30 =	smov.u32 s24;
	s10 =	simm.s32 $0x8;
	v7 =	vadd.s32 $0x44, v7;
	s0 =	simm.s32 $0x0;
	v37 =	vor.u32 v32, v37;
	v36 =	vadd.s32 s26, v28;
	v32 =	vld.idx.msk [tilespmem:v51+s12+$0x0], $0xffff  }
.LBB2_10:
0x25c: {  	p0 =	slt.u32 s10, $0x3C;
	v49 =	vld.idx.msk [tilespmem:v44+s12+$0x0], $0xffff;
	v50 =	vadd.s32 s0, v27;
	v43 =	vadd.s32 s0, v23;
	v45 =	vadd.s32 s0, v20;
	[tilespmem:s31+$0xFFFFFC60] =	vst v39  }
0x25d: {  	v51 =	vadd.s32 s26, v19;
	v44 =	vadd.s32 s0, v21;
	v39 =	vadd.s32 s0, v16;
	v48 =	vld.idx.msk [tilespmem:v48+s12+$0x0], $0xffff  }
0x25e: {  	v52 =	vadd.s32 s29, v25;
	v53 =	vadd.s32 s29, v19;
	v29 =	vadd.f32 v34, v29;
	v41 =	vld.idx.msk [tilespmem:v41+s12+$0x0], $0xffff  }
0x25f: {  	v54 =	vadd.s32 s28, v19;
	v55 =	vadd.s32 s1, v19;
	v34 =	vand.u32 $0x7F, v53;
	v38 =	vld.idx.msk [tilespmem:v38+s12+$0x0], $0xffff  }
0x260: {  	v56 =	vand.u32 $0x7F, v54;
	v57 =	vand.u32 $0x80, v55;
	v30 =	vadd.f32 v35, v30;
	v37 =	vld.idx.msk [tilespmem:v37+s12+$0x0], $0xffff;
	[tilespmem:s31+$0x270] =	vst v29  }
0x261: {  	v35 =	vand.u32 $0x7F, v55;
	v55 =	vadd.s32 v4, v57;
	v29 =	vadd.s32 s1, v25  }
0x262: {  	v53 =	vand.u32 $0x80, v53;
	v54 =	vand.u32 $0x80, v54;
	v35 =	vor.u32 v35, v55;
	[tilespmem:s31+$0xFFFFFE70] =	vst v30  }
0x263: {  	v30 =	vadd.s32 v4, v53;
	v53 =	vadd.s32 v4, v54;
	v48 =	vadd.f32 v48, v49  }
0x264: {  	v31 =	vadd.f32 v46, v31;
	s31 =	sadd.s32 $0x800, s31;
	v30 =	vor.u32 v34, v30;
	v41 =	vadd.f32 v41, v32  }
0x265: {  	v32 =	vadd.f32 v47, v33;
	v33 =	vadd.s32 s28, v25;
	v46 =	vor.u32 v56, v53;
	[tilespmem:s31+$0x200] =	vst v48  }
0x266: {  	v34 =	vadd.f32 v40, v42;
	v40 =	vand.u32 $0x80, v51;
	v37 =	vadd.f32 v37, v38;
	[tilespmem:s31+$0xFFFFFE00] =	vst v31;
	v42 =	vld.idx.msk [tilespmem:v29+s12+$0x0], $0xffff  }
0x267: {  	v38 =	vadd.s32 v4, v40;
	v31 =	vand.u32 $0x7F, v51;
	v29 =	vadd.s32 s0, v10;
	[tilespmem:s31+$0x0] =	vst v32;
	v35 =	vld.idx.msk [tilespmem:v35+s12+$0x0], $0xffff  }
0x268: {  	v38 =	vor.u32 v31, v38;
	v31 =	vadd.s32 s26, v6;
	v32 =	vadd.s32 s26, v5;
	[tilespmem:s31+$0xFFFFFC00] =	vst v34;
	v40 =	vld.idx.msk [tilespmem:v52+s12+$0x0], $0xffff  }
0x269: {  	v47 =	vadd.s32 s26, v18;
	v48 =	vadd.s32 s1, v18;
	v34 =	vadd.s32 s26, v9;
	v30 =	vld.idx.msk [tilespmem:v30+s12+$0x0], $0xffff;
	[tilespmem:s30+$0x70] =	vst v41  }
0x26a: {  	v49 =	vadd.s32 s29, v18;
	v51 =	vand.u32 $0x80, v48;
	v41 =	vadd.s32 s29, v24;
	v33 =	vld.idx.msk [tilespmem:v33+s12+$0x0], $0xffff;
	[tilespmem:s30+$0xFFFFFC70] =	vst v37;
	s30 =	smov.u32 s31  }
0x26b: {  	v48 =	vand.u32 $0x7F, v48;
	v51 =	vadd.s32 v4, v51;
	v37 =	vld.idx.msk [tilespmem:v46+s12+$0x0], $0xffff;
	v46 =	vadd.s32 s1, v24  }
0x26c: {  	v53 =	vadd.s32 s28, v18;
	v52 =	vand.u32 $0x80, v49;
	v48 =	vor.u32 v48, v51;
	v50 =	vld.idx.msk [tilespmem:v50+s12+$0x0], $0xffff  }
0x26d: {  	v35 =	vadd.f32 v35, v42;
	v51 =	vld.idx.msk [tilespmem:v38+s12+$0x0], $0xffff;
	v38 =	vand.u32 $0x7F, v49;
	v49 =	vadd.s32 v4, v52  }
0x26e: {  	v42 =	vor.u32 v38, v49;
	v49 =	vadd.s32 s28, v24;
	v38 =	vand.u32 $0x80, v53  }
0x26f: {  	v30 =	vadd.f32 v30, v40;
	v40 =	vand.u32 $0x7F, v53;
	v38 =	vadd.s32 v4, v38;
	[tilespmem:s31+$0x210] =	vst v35  }
0x270: {  	v52 =	vadd.s32 s26, v13;
	v35 =	vand.u32 $0x80, v47;
	v40 =	vor.u32 v40, v38;
	v46 =	vld.idx.msk [tilespmem:v46+s12+$0x0], $0xffff  }
0x271: {  	v47 =	vand.u32 $0x7F, v47;
	v35 =	vadd.s32 v4, v35;
	v33 =	vadd.f32 v37, v33;
	[tilespmem:s31+$0xFFFFFE10] =	vst v30;
	v37 =	vld.idx.msk [tilespmem:v48+s12+$0x0], $0xffff  }
0x272: {  	v38 =	vadd.s32 s10, v22;
	v35 =	vor.u32 v47, v35;
	v47 =	vadd.s32 s26, v15;
	v41 =	vld.idx.msk [tilespmem:v41+s12+$0x0], $0xffff  }
0x273: {  	v30 =	vadd.s32 s29, v8;
	v48 =	vadd.f32 v51, v50;
	v42 =	vld.idx.msk [tilespmem:v42+s12+$0x0], $0xffff;
	[tilespmem:s31+$0x10] =	vst v33;
	v33 =	vadd.s32 s1, v15  }
0x274: {  	v50 =	vadd.s32 s29, v17;
	v51 =	vadd.s32 s29, v15;
	v49 =	vld.idx.msk [tilespmem:v49+s12+$0x0], $0xffff;
	v53 =	vand.u32 $0x80, v33  }
0x275: {  	v33 =	vand.u32 $0x7F, v33;
	[tilespmem:s31+$0xFFFFFC10] =	vst v48;
	v40 =	vld.idx.msk [tilespmem:v40+s12+$0x0], $0xffff;
	v48 =	vadd.s32 s1, v17;
	v53 =	vadd.s32 v4, v53  }
0x276: {  	v55 =	vadd.s32 s28, v15;
	v54 =	vld.idx.msk [tilespmem:v43+s12+$0x0], $0xffff;
	v43 =	vand.u32 $0x80, v51;
	v33 =	vor.u32 v33, v53  }
0x277: {  	v37 =	vadd.f32 v37, v46;
	v53 =	vld.idx.msk [tilespmem:v35+s12+$0x0], $0xffff;
	v35 =	vand.u32 $0x7F, v51;
	v43 =	vadd.s32 v4, v43  }
0x278: {  	v51 =	vadd.s32 s28, v17;
	v46 =	vor.u32 v35, v43;
	v35 =	vand.u32 $0x80, v55  }
0x279: {  	v41 =	vadd.f32 v42, v41;
	v42 =	vand.u32 $0x7F, v55;
	v35 =	vadd.s32 v4, v35;
	[tilespmem:s31+$0x220] =	vst v37  }
0x27a: {  	v43 =	vadd.s32 s28, v8;
	v37 =	vand.u32 $0x80, v47;
	v42 =	vor.u32 v42, v35;
	v48 =	vld.idx.msk [tilespmem:v48+s12+$0x0], $0xffff  }
0x27b: {  	v35 =	vand.u32 $0x7F, v47;
	v37 =	vadd.s32 v4, v37;
	v40 =	vadd.f32 v40, v49;
	[tilespmem:s31+$0xFFFFFE20] =	vst v41;
	v33 =	vld.idx.msk [tilespmem:v33+s12+$0x0], $0xffff  }
0x27c: {  	v47 =	vor.u32 v35, v37;
	v37 =	vadd.s32 s29, v11;
	v35 =	vadd.s32 s28, v11;
	v49 =	vld.idx.msk [tilespmem:v50+s12+$0x0], $0xffff  }
0x27d: {  	v41 =	vand.u32 $0x7F, v31;
	v50 =	vadd.f32 v53, v54;
	v46 =	vld.idx.msk [tilespmem:v46+s12+$0x0], $0xffff;
	[tilespmem:s31+$0x20] =	vst v40;
	v40 =	vadd.s32 s1, v13  }
0x27e: {  	v53 =	vadd.s32 s29, v14;
	v54 =	vadd.s32 s29, v13;
	v51 =	vld.idx.msk [tilespmem:v51+s12+$0x0], $0xffff;
	v55 =	vand.u32 $0x80, v40  }
0x27f: {  	v40 =	vand.u32 $0x7F, v40;
	[tilespmem:s31+$0xFFFFFC20] =	vst v50;
	v42 =	vld.idx.msk [tilespmem:v42+s12+$0x0], $0xffff;
	v50 =	vadd.s32 s1, v14;
	v55 =	vadd.s32 v4, v55  }
0x280: {  	v57 =	vadd.s32 s28, v13;
	v56 =	vand.u32 $0x80, v54;
	v45 =	vld.idx.msk [tilespmem:v45+s12+$0x0], $0xffff;
	v40 =	vor.u32 v40, v55  }
0x281: {  	v54 =	vand.u32 $0x7F, v54;
	v55 =	vadd.s32 v4, v56;
	v33 =	vadd.f32 v33, v48;
	v47 =	vld.idx.msk [tilespmem:v47+s12+$0x0], $0xffff  }
0x282: {  	v48 =	vor.u32 v54, v55;
	v54 =	vadd.s32 s28, v14;
	v55 =	vand.u32 $0x80, v57  }
0x283: {  	v46 =	vadd.f32 v46, v49;
	v49 =	vand.u32 $0x7F, v57;
	v55 =	vadd.s32 v4, v55;
	[tilespmem:s31+$0x230] =	vst v33  }
0x284: {  	v56 =	vand.u32 $0x80, v31;
	v33 =	vand.u32 $0x80, v52;
	v31 =	vor.u32 v49, v55;
	v49 =	vld.idx.msk [tilespmem:v50+s12+$0x0], $0xffff  }
0x285: {  	v50 =	vand.u32 $0x7F, v52;
	v33 =	vadd.s32 v4, v33;
	v42 =	vadd.f32 v42, v51;
	[tilespmem:s31+$0xFFFFFE30] =	vst v46;
	v40 =	vld.idx.msk [tilespmem:v40+s12+$0x0], $0xffff  }
0x286: {  	s5 =	sadd.s32 $0x1, s10;
	v51 =	vadd.s32 s29, v6;
	v33 =	vor.u32 v50, v33;
	v50 =	vadd.s32 s29, v12;
	v46 =	vld.idx.msk [tilespmem:v53+s12+$0x0], $0xffff  }
0x287: {  	s11 =	sadd.s32 $0x2, s10;
	v52 =	vadd.s32 s5, v26;
	v45 =	vadd.f32 v47, v45;
	v47 =	vld.idx.msk [tilespmem:v48+s12+$0x0], $0xffff;
	[tilespmem:s31+$0x30] =	vst v42;
	v42 =	vadd.s32 s1, v9  }
0x288: {  	v53 =	vadd.s32 s29, v9;
	v48 =	vadd.s32 s11, v26;
	v54 =	vld.idx.msk [tilespmem:v54+s12+$0x0], $0xffff;
	v55 =	vand.u32 $0x80, v42  }
0x289: {  	v57 =	vadd.s32 s1, v12;
	[tilespmem:s31+$0xFFFFFC30] =	vst v45;
	v45 =	vld.idx.msk [tilespmem:v31+s12+$0x0], $0xffff;
	v31 =	vand.u32 $0x7F, v42;
	v42 =	vadd.s32 v4, v55  }
0x28a: {  	v58 =	vadd.s32 s28, v9;
	v55 =	vand.u32 $0x80, v53;
	v44 =	vld.idx.msk [tilespmem:v44+s12+$0x0], $0xffff;
	v42 =	vor.u32 v31, v42  }
0x28b: {  	v40 =	vadd.f32 v40, v49;
	v59 =	vld.idx.msk [tilespmem:v33+s12+$0x0], $0xffff;
	v33 =	vand.u32 $0x7F, v53;
	v53 =	vadd.s32 v4, v55  }
0x28c: {  	v31 =	vld.idx.msk [tilespmem:v52+s12+$0x0], $0xffff;
	v49 =	vor.u32 v33, v53;
	v52 =	vadd.s32 s28, v12;
	v53 =	vand.u32 $0x80, v58  }
0x28d: {  	v46 =	vadd.f32 v47, v46;
	v47 =	vand.u32 $0x7F, v58;
	v33 =	vld.idx.msk [tilespmem:v48+s12+$0x0], $0xffff;
	v48 =	vadd.s32 v4, v53;
	[tilespmem:s31+$0x240] =	vst v40  }
0x28e: {  	v40 =	vand.u32 $0x80, v34;
	v34 =	vand.u32 $0x7F, v34;
	v47 =	vor.u32 v47, v48;
	v48 =	vld.idx.msk [tilespmem:v57+s12+$0x0], $0xffff  }
0x28f: {  	v53 =	vand.u32 $0x80, v38;
	v40 =	vadd.s32 v4, v40;
	v45 =	vadd.f32 v45, v54;
	[tilespmem:s31+$0xFFFFFE40] =	vst v46;
	v42 =	vld.idx.msk [tilespmem:v42+s12+$0x0], $0xffff  }
0x290: {  	v38 =	vand.u32 $0x7F, v38;
	v46 =	vadd.s32 v4, v53;
	v34 =	vor.u32 v34, v40;
	v50 =	vld.idx.msk [tilespmem:v50+s12+$0x0], $0xffff  }
0x291: {  	v38 =	vor.u32 v38, v46;
	v40 =	vadd.f32 v59, v44;
	v44 =	vld.idx.msk [tilespmem:v49+s12+$0x0], $0xffff;
	[tilespmem:s31+$0x40] =	vst v45;
	v45 =	vadd.s32 s1, v6  }
0x292: {  	v46 =	vadd.s32 s5, v22;
	v49 =	vld.idx.msk [tilespmem:v52+s12+$0x0], $0xffff;
	v52 =	vadd.s32 s28, v6;
	v53 =	vand.u32 $0x80, v45  }
0x293: {  	v54 =	vadd.s32 s1, v11;
	[tilespmem:s31+$0xFFFFFC40] =	vst v40;
	v47 =	vld.idx.msk [tilespmem:v47+s12+$0x0], $0xffff;
	v40 =	vand.u32 $0x7F, v45;
	v45 =	vadd.s32 v4, v53  }
0x294: {  	v55 =	vand.u32 $0x80, v51;
	v53 =	vadd.s32 s11, v22;
	v39 =	vld.idx.msk [tilespmem:v39+s12+$0x0], $0xffff;
	v45 =	vor.u32 v40, v45  }
0x295: {  	v51 =	vand.u32 $0x7F, v51;
	v55 =	vadd.s32 v4, v55;
	v48 =	vadd.f32 v42, v48;
	v34 =	vld.idx.msk [tilespmem:v34+s12+$0x0], $0xffff  }
0x296: {  	v51 =	vor.u32 v51, v55;
	v55 =	vand.u32 $0x80, v52;
	v40 =	vld.idx.msk [tilespmem:v38+s12+$0x0], $0xffff;
	v38 =	vadd.s32 v4, v56  }
0x297: {  	v42 =	vld.idx.msk [tilespmem:v36+s12+$0x0], $0xffff;
	v36 =	vadd.f32 v44, v50;
	v44 =	vand.u32 $0x7F, v52;
	v50 =	vadd.s32 v4, v55;
	[tilespmem:s31+$0x250] =	vst v48  }
0x298: {  	v48 =	vand.u32 $0x7F, v46;
	v52 =	vand.u32 $0x7F, v53;
	v44 =	vor.u32 v44, v50;
	v50 =	vld.idx.msk [tilespmem:v54+s12+$0x0], $0xffff  }
0x299: {  	v46 =	vand.u32 $0x80, v46;
	v53 =	vand.u32 $0x80, v53;
	[tilespmem:s31+$0xFFFFFE50] =	vst v36;
	v36 =	vadd.f32 v47, v49;
	v45 =	vld.idx.msk [tilespmem:v45+s12+$0x0], $0xffff  }
0x29a: {  	v38 =	vor.u32 v41, v38;
	v46 =	vadd.s32 v4, v46;
	v47 =	vadd.s32 v4, v53;
	v37 =	vld.idx.msk [tilespmem:v37+s12+$0x0], $0xffff  }
0x29b: {  	v41 =	vor.u32 v48, v46;
	v34 =	vadd.f32 v34, v39;
	v39 =	vld.idx.msk [tilespmem:v51+s12+$0x0], $0xffff;
	[tilespmem:s31+$0x50] =	vst v36;
	v36 =	vadd.s32 s1, v5  }
0x29c: {  	v46 =	vadd.s32 s29, v5;
	s29 =	smov.u32 s5;
	v47 =	vor.u32 v52, v47;
	v35 =	vld.idx.msk [tilespmem:v35+s12+$0x0], $0xffff;
	v48 =	vand.u32 $0x80, v36  }
0x29d: {  	v49 =	vadd.s32 s1, v8;
	v36 =	vand.u32 $0x7F, v36;
	[tilespmem:s31+$0xFFFFFC50] =	vst v34;
	v34 =	vld.idx.msk [tilespmem:v44+s12+$0x0], $0xffff;
	v44 =	vadd.s32 v4, v48  }
0x29e: {  	v52 =	vadd.s32 s28, v5;
	s28 =	smov.u32 s11;
	v51 =	vld.idx.msk [tilespmem:v29+s12+$0x0], $0xffff;
	v29 =	vand.u32 $0x80, v46;
	v36 =	vor.u32 v36, v44  }
0x29f: {  	s1 =	sadd.s32 $0x3, s10;
	v44 =	vadd.f32 v45, v50;
	v53 =	vld.idx.msk [tilespmem:v38+s12+$0x0], $0xffff;
	v38 =	vand.u32 $0x7F, v46;
	v29 =	vadd.s32 v4, v29  }
0x2a0: {  	v46 =	vld.idx.msk [tilespmem:v41+s12+$0x0], $0xffff;
	v41 =	vadd.s32 s1, v22;
	v45 =	vor.u32 v38, v29;
	v29 =	vand.u32 $0x80, v52  }
0x2a1: {  	v37 =	vadd.f32 v39, v37;
	v47 =	vld.idx.msk [tilespmem:v47+s12+$0x0], $0xffff;
	v38 =	vand.u32 $0x80, v41;
	v39 =	vadd.s32 v4, v29;
	[tilespmem:s31+$0x260] =	vst v44  }
.Ltmp3:
0x2a2: {  	v44 =	vadd.s32 s1, v26;
	v41 =	vand.u32 $0x7F, v41;
	v38 =	vadd.s32 v4, v38;
	v29 =	vld.idx.msk [tilespmem:v49+s12+$0x0], $0xffff;
	(pc) =	sbr.rel @p0 .LBB2_10-.Ltmp3, $4  }
0x2a3: {  	v48 =	vor.u32 v41, v38;
	[tilespmem:s31+$0xFFFFFE60] =	vst v37;
	v37 =	vadd.f32 v34, v35;
	v35 =	vand.u32 $0x7F, v52;
	v34 =	vld.idx.msk [tilespmem:v36+s12+$0x0], $0xffff  }
0x2a4: {  	v36 =	vand.u32 $0x80, v32;
	v38 =	vadd.s32 s0, v7;
	s0 =	smov.u32 s26;
	s26 =	smov.u32 s10;
	v30 =	vld.idx.msk [tilespmem:v30+s12+$0x0], $0xffff;
	v41 =	vor.u32 v35, v39  }
0x2a5: {  	v32 =	vand.u32 $0x7F, v32;
	v39 =	vadd.f32 v53, v51;
	v49 =	vadd.s32 v4, v36;
	v35 =	vld.idx.msk [tilespmem:v45+s12+$0x0], $0xffff;
	[tilespmem:s31+$0x60] =	vst v37  }
0x2a6: {  	s10 =	sadd.s32 $0x4, s10;
	v36 =	vadd.s32 s26, v28;
	v37 =	vor.u32 v32, v49;
	v32 =	vld.idx.msk [tilespmem:v43+s12+$0x0], $0xffff  }
0x2a7: {  	_ =	sdelay $0x3  }
0x2a8: {  	v22 =	vld.idx.msk [tilespmem:v44+s12+$0x0], $0xffff;
	v28 =	vadd.s32 s1, v19;
	v27 =	vadd.s32 s0, v27;
	v43 =	vadd.s32 s26, v19  }
0x2a9: {  	v26 =	vld.idx.msk [tilespmem:v48+s12+$0x0], $0xffff;
	v59 =	vadd.s32 s29, v19;
	v45 =	vadd.s32 s1, v25;
	v60 =	vadd.s32 s29, v25  }
0x2aa: {  	v62 =	vadd.s32 s28, v19;
	v31 =	vadd.f32 v46, v31;
	v48 =	vadd.s32 s28, v25  }
0x2ab: {  	v49 =	vadd.f32 v47, v33;
	v40 =	vadd.f32 v40, v42;
	v36 =	vand.u32 $0x80, v28  }
0x2ac: {  	v54 =	vadd.s32 s26, v18;
	v28 =	vand.u32 $0x7F, v28;
	v36 =	vadd.s32 v4, v36  }
0x2ad: {  	v55 =	vadd.s32 s1, v18;
	v61 =	vand.u32 $0x80, v59;
	v28 =	vor.u32 v28, v36  }
0x2ae: {  	v44 =	vand.u32 $0x7F, v59;
	v22 =	vadd.f32 v26, v22;
	v26 =	vadd.s32 v4, v61  }
0x2af: {  	s10 =	sadd.s32 $0x800, s31;
	v57 =	vadd.s32 s29, v24;
	v19 =	vand.u32 $0x80, v62;
	v26 =	vor.u32 v44, v26  }
0x2b0: {  	v58 =	vadd.s32 s29, v18;
	v63 =	vand.u32 $0x7F, v62;
	v19 =	vadd.s32 v4, v19;
	[tilespmem:s10+$0x200] =	vst v22  }
0x2b1: {  	v23 =	vadd.s32 s0, v23;
	v50 =	vand.u32 $0x80, v43;
	v19 =	vor.u32 v63, v19;
	v51 =	vld.idx.msk [tilespmem:v45+s12+$0x0], $0xffff  }
0x2b2: {  	v20 =	vadd.s32 s0, v20;
	v52 =	vand.u32 $0x7F, v43;
	[tilespmem:s10+$0xFFFFFE00] =	vst v31;
	v33 =	vadd.s32 v4, v50;
	v28 =	vld.idx.msk [tilespmem:v28+s12+$0x0], $0xffff  }
0x2b3: {  	v21 =	vadd.s32 s0, v21;
	v46 =	vadd.s32 s26, v13;
	v31 =	vor.u32 v52, v33;
	v53 =	vld.idx.msk [tilespmem:v60+s12+$0x0], $0xffff  }
0x2b4: {  	v59 =	vand.u32 $0x80, v55;
	v42 =	vand.u32 $0x7F, v55;
	v62 =	vadd.s32 s28, v18;
	[tilespmem:s10+$0x0] =	vst v49;
	v56 =	vld.idx.msk [tilespmem:v26+s12+$0x0], $0xffff  }
0x2b5: {  	v43 =	vand.u32 $0x7F, v58;
	v25 =	vld.idx.msk [tilespmem:v48+s12+$0x0], $0xffff;
	v60 =	vadd.s32 s1, v24;
	v45 =	vadd.s32 v4, v59  }
0x2b6: {  	v55 =	vadd.s32 s29, v17;
	[tilespmem:s10+$0xFFFFFC00] =	vst v40;
	v61 =	vand.u32 $0x80, v58;
	v19 =	vld.idx.msk [tilespmem:v19+s12+$0x0], $0xffff;
	v42 =	vor.u32 v42, v45  }
0x2b7: {  	v18 =	vand.u32 $0x7F, v62;
	v27 =	vld.idx.msk [tilespmem:v27+s12+$0x0], $0xffff;
	v40 =	vadd.s32 v4, v61;
	v28 =	vadd.f32 v28, v51  }
0x2b8: {  	v63 =	vadd.s32 s28, v24;
	v40 =	vor.u32 v43, v40;
	v31 =	vld.idx.msk [tilespmem:v31+s12+$0x0], $0xffff;
	v45 =	vand.u32 $0x80, v62  }
0x2b9: {  	v36 =	vand.u32 $0x7F, v54;
	v47 =	vadd.s32 v4, v45;
	[tilespmem:s10+$0x210] =	vst v28;
	v22 =	vadd.f32 v56, v53  }
0x2ba: {  	v52 =	vadd.s32 s26, v15;
	v48 =	vand.u32 $0x80, v54;
	v18 =	vor.u32 v18, v47;
	v49 =	vld.idx.msk [tilespmem:v60+s12+$0x0], $0xffff  }
0x2bb: {  	v54 =	vadd.s32 s1, v15;
	v19 =	vadd.f32 v19, v25;
	v28 =	vadd.s32 v4, v48;
	v50 =	vld.idx.msk [tilespmem:v42+s12+$0x0], $0xffff;
	[tilespmem:s10+$0xFFFFFE10] =	vst v22  }
0x2bc: {  	v58 =	vadd.s32 s1, v17;
	v43 =	vadd.s32 s28, v9;
	v51 =	vor.u32 v36, v28;
	v26 =	vld.idx.msk [tilespmem:v57+s12+$0x0], $0xffff  }
0x2bd: {  	v47 =	vand.u32 $0x80, v52;
	v27 =	vadd.f32 v31, v27;
	[tilespmem:s10+$0x10] =	vst v19;
	v53 =	vld.idx.msk [tilespmem:v40+s12+$0x0], $0xffff;
	v57 =	vand.u32 $0x80, v54  }
0x2be: {  	v19 =	vand.u32 $0x7F, v54;
	v56 =	vadd.s32 s29, v15;
	v24 =	vld.idx.msk [tilespmem:v63+s12+$0x0], $0xffff;
	v42 =	vadd.s32 v4, v57  }
0x2bf: {  	[tilespmem:s10+$0xFFFFFC10] =	vst v27;
	v18 =	vld.idx.msk [tilespmem:v18+s12+$0x0], $0xffff;
	v60 =	vadd.s32 s28, v15;
	v59 =	vand.u32 $0x80, v56;
	v19 =	vor.u32 v19, v42  }
0x2c0: {  	v23 =	vld.idx.msk [tilespmem:v23+s12+$0x0], $0xffff;
	v61 =	vadd.s32 v4, v59;
	v40 =	vand.u32 $0x7F, v56;
	v22 =	vadd.f32 v50, v49  }
0x2c1: {  	v63 =	vadd.s32 s28, v17;
	v44 =	vand.u32 $0x80, v60;
	v62 =	vor.u32 v40, v61;
	v25 =	vld.idx.msk [tilespmem:v51+s12+$0x0], $0xffff  }
0x2c2: {  	v15 =	vand.u32 $0x7F, v60;
	v45 =	vadd.s32 v4, v44;
	[tilespmem:s10+$0x220] =	vst v22;
	v26 =	vadd.f32 v53, v26  }
0x2c3: {  	v48 =	vadd.s32 v4, v47;
	v47 =	vadd.s32 s26, v9;
	v15 =	vor.u32 v15, v45;
	v27 =	vld.idx.msk [tilespmem:v58+s12+$0x0], $0xffff  }
0x2c4: {  	v28 =	vand.u32 $0x7F, v52;
	v18 =	vadd.f32 v18, v24;
	v50 =	vadd.s32 s1, v13;
	[tilespmem:s10+$0xFFFFFE20] =	vst v26;
	v19 =	vld.idx.msk [tilespmem:v19+s12+$0x0], $0xffff  }
0x2c5: {  	v52 =	vadd.s32 s29, v14;
	v49 =	vor.u32 v28, v48;
	v54 =	vand.u32 $0x80, v50;
	v26 =	vld.idx.msk [tilespmem:v55+s12+$0x0], $0xffff  }
0x2c6: {  	v60 =	vand.u32 $0x80, v46;
	[tilespmem:s10+$0x20] =	vst v18;
	v33 =	vadd.s32 v4, v54;
	v23 =	vadd.f32 v25, v23;
	v51 =	vld.idx.msk [tilespmem:v62+s12+$0x0], $0xffff  }
0x2c7: {  	v53 =	vadd.s32 s29, v13;
	v17 =	vld.idx.msk [tilespmem:v63+s12+$0x0], $0xffff;
	v25 =	vand.u32 $0x7F, v50;
	v55 =	vadd.s32 s1, v14  }
0x2c8: {  	v57 =	vadd.s32 s28, v13;
	v15 =	vld.idx.msk [tilespmem:v15+s12+$0x0], $0xffff;
	v56 =	vand.u32 $0x80, v53;
	v25 =	vor.u32 v25, v33;
	[tilespmem:s10+$0xFFFFFC20] =	vst v23  }
0x2c9: {  	v31 =	vand.u32 $0x7F, v53;
	v23 =	vadd.s32 v4, v56;
	v20 =	vld.idx.msk [tilespmem:v20+s12+$0x0], $0xffff;
	v19 =	vadd.f32 v19, v27  }
0x2ca: {  	v59 =	vand.u32 $0x80, v57;
	v58 =	vadd.s32 s28, v14;
	v24 =	vld.idx.msk [tilespmem:v49+s12+$0x0], $0xffff;
	v23 =	vor.u32 v31, v23  }
0x2cb: {  	v13 =	vand.u32 $0x7F, v57;
	v27 =	vadd.s32 v4, v59;
	v26 =	vadd.f32 v51, v26;
	[tilespmem:s10+$0x230] =	vst v19  }
0x2cc: {  	v44 =	vadd.s32 s28, v12;
	v45 =	vand.u32 $0x80, v43;
	v13 =	vor.u32 v13, v27;
	v61 =	vld.idx.msk [tilespmem:v55+s12+$0x0], $0xffff  }
0x2cd: {  	v22 =	vand.u32 $0x7F, v46;
	v15 =	vadd.f32 v15, v17;
	v19 =	vadd.s32 v4, v60;
	[tilespmem:s10+$0xFFFFFE30] =	vst v26;
	v62 =	vld.idx.msk [tilespmem:v25+s12+$0x0], $0xffff  }
0x2ce: {  	v40 =	vadd.s32 s1, v12;
	v31 =	vadd.s32 s1, v9;
	v19 =	vor.u32 v22, v19;
	v18 =	vld.idx.msk [tilespmem:v52+s12+$0x0], $0xffff  }
0x2cf: {  	v54 =	vadd.s32 s1, v6;
	v36 =	vand.u32 $0x80, v31;
	[tilespmem:s10+$0x30] =	vst v15;
	v20 =	vadd.f32 v24, v20;
	v23 =	vld.idx.msk [tilespmem:v23+s12+$0x0], $0xffff  }
0x2d0: {  	v33 =	vadd.s32 s29, v9;
	v14 =	vld.idx.msk [tilespmem:v58+s12+$0x0], $0xffff;
	v25 =	vand.u32 $0x7F, v31;
	v24 =	vadd.s32 v4, v36  }
0x2d1: {  	v63 =	vadd.s32 s29, v12;
	v42 =	vand.u32 $0x80, v33;
	v24 =	vor.u32 v25, v24;
	[tilespmem:s10+$0xFFFFFC30] =	vst v20;
	v13 =	vld.idx.msk [tilespmem:v13+s12+$0x0], $0xffff  }
0x2d2: {  	v15 =	vand.u32 $0x7F, v33;
	v20 =	vadd.s32 v4, v42;
	v21 =	vld.idx.msk [tilespmem:v21+s12+$0x0], $0xffff;
	v17 =	vadd.f32 v62, v61  }
0x2d3: {  	[tilespmem:s31+$0xFFFFFC60] =	vst v39;
	v46 =	vand.u32 $0x7F, v43;
	v56 =	vand.u32 $0x80, v54;
	v15 =	vor.u32 v15, v20;
	v19 =	vld.idx.msk [tilespmem:v19+s12+$0x0], $0xffff  }
0x2d4: {  	v58 =	vand.u32 $0x7F, v54;
	v54 =	vld.idx.msk [tilespmem:v37+s12+$0x0], $0xffff;
	v20 =	vadd.s32 v4, v45;
	v18 =	vadd.f32 v23, v18;
	[tilespmem:s10+$0x240] =	vst v17  }
0x2d5: {  	v16 =	vadd.s32 s0, v16;
	v51 =	vand.u32 $0x80, v47;
	v20 =	vor.u32 v46, v20;
	v49 =	vld.idx.msk [tilespmem:v40+s12+$0x0], $0xffff  }
0x2d6: {  	v9 =	vand.u32 $0x7F, v47;
	v53 =	vadd.s32 v4, v51;
	[tilespmem:s10+$0xFFFFFE40] =	vst v18;
	v13 =	vadd.f32 v13, v14;
	v52 =	vld.idx.msk [tilespmem:v24+s12+$0x0], $0xffff  }
0x2d7: {  	v10 =	vadd.s32 s0, v10;
	v9 =	vor.u32 v9, v53;
	v22 =	vld.idx.msk [tilespmem:v63+s12+$0x0], $0xffff  }
0x2d8: {  	v48 =	vadd.s32 s29, v11;
	v28 =	vadd.s32 s28, v11;
	v15 =	vld.idx.msk [tilespmem:v15+s12+$0x0], $0xffff;
	v55 =	vadd.f32 v19, v21;
	[tilespmem:s10+$0x40] =	vst v13  }
0x2d9: {  	v57 =	vadd.s32 s1, v11;
	v50 =	vadd.s32 s29, v6;
	v13 =	vadd.s32 v4, v56;
	v12 =	vld.idx.msk [tilespmem:v44+s12+$0x0], $0xffff  }
0x2da: {  	v59 =	vadd.s32 s28, v6;
	v60 =	vand.u32 $0x80, v50;
	v20 =	vld.idx.msk [tilespmem:v20+s12+$0x0], $0xffff;
	v13 =	vor.u32 v58, v13;
	[tilespmem:s10+$0xFFFFFC40] =	vst v55  }
0x2db: {  	v62 =	vand.u32 $0x7F, v50;
	v63 =	vadd.s32 v4, v60;
	v14 =	vadd.f32 v52, v49;
	v16 =	vld.idx.msk [tilespmem:v16+s12+$0x0], $0xffff  }
0x2dc: {  	v33 =	vand.u32 $0x7F, v59;
	v31 =	vand.u32 $0x80, v59;
	v18 =	vor.u32 v62, v63;
	v9 =	vld.idx.msk [tilespmem:v9+s12+$0x0], $0xffff  }
0x2dd: {  	v36 =	vadd.s32 s26, v6;
	v61 =	vld.idx.msk [tilespmem:v41+s12+$0x0], $0xffff;
	v23 =	vadd.s32 v4, v31;
	v15 =	vadd.f32 v15, v22;
	[tilespmem:s10+$0x250] =	vst v14  }
0x2de: {  	v47 =	vadd.s32 s29, v5;
	v42 =	vand.u32 $0x80, v36;
	v40 =	vor.u32 v33, v23;
	v19 =	vld.idx.msk [tilespmem:v57+s12+$0x0], $0xffff  }
0x2df: {  	v6 =	vand.u32 $0x7F, v36;
	v43 =	vadd.s32 v4, v42;
	[tilespmem:s10+$0xFFFFFE50] =	vst v15;
	v12 =	vadd.f32 v20, v12;
	v13 =	vld.idx.msk [tilespmem:v13+s12+$0x0], $0xffff  }
0x2e0: {  	v51 =	vand.u32 $0x80, v47;
	v6 =	vor.u32 v6, v43;
	v46 =	vadd.s32 s1, v5;
	v17 =	vld.idx.msk [tilespmem:v48+s12+$0x0], $0xffff  }
0x2e1: {  	v41 =	vadd.s32 s26, v5;
	v45 =	vld.idx.msk [tilespmem:v18+s12+$0x0], $0xffff;
	v48 =	vand.u32 $0x80, v46;
	[tilespmem:s10+$0x50] =	vst v12;
	v9 =	vadd.f32 v9, v16  }
0x2e2: {  	v49 =	vadd.s32 s1, v8;
	v12 =	vand.u32 $0x7F, v46;
	v18 =	vadd.s32 v4, v48;
	v11 =	vld.idx.msk [tilespmem:v28+s12+$0x0], $0xffff  }
0x2e3: {  	v5 =	vadd.s32 s28, v5;
	v44 =	vadd.s32 s29, v8;
	v14 =	vld.idx.msk [tilespmem:v40+s12+$0x0], $0xffff;
	v12 =	vor.u32 v12, v18;
	[tilespmem:s10+$0xFFFFFC50] =	vst v9  }
0x2e4: {  	v16 =	vand.u32 $0x7F, v47;
	v9 =	vadd.s32 v4, v51;
	v10 =	vld.idx.msk [tilespmem:v10+s12+$0x0], $0xffff;
	v13 =	vadd.f32 v13, v19  }
0x2e5: {  	v53 =	vand.u32 $0x80, v5;
	v5 =	vand.u32 $0x7F, v5;
	v6 =	vld.idx.msk [tilespmem:v6+s12+$0x0], $0xffff;
	v9 =	vor.u32 v16, v9  }
0x2e6: {  	v50 =	vld.idx.msk [tilespmem:v38+s12+$0x0], $0xffff;
	v52 =	vadd.s32 s28, v8;
	v16 =	vadd.s32 v4, v53;
	v15 =	vadd.f32 v45, v17;
	[tilespmem:s10+$0x260] =	vst v13  }
0x2e7: {  	v7 =	vadd.s32 s0, v7;
	v55 =	vand.u32 $0x80, v41;
	v5 =	vor.u32 v5, v16;
	v13 =	vld.idx.msk [tilespmem:v49+s12+$0x0], $0xffff  }
0x2e8: {  	v56 =	vand.u32 $0x7F, v41;
	v4 =	vadd.s32 v4, v55;
	v11 =	vadd.f32 v14, v11;
	[tilespmem:s10+$0xFFFFFE60] =	vst v15;
	v12 =	vld.idx.msk [tilespmem:v12+s12+$0x0], $0xffff  }
0x2e9: {  	v4 =	vor.u32 v56, v4;
	v57 =	vld.idx.msk [tilespmem:v44+s12+$0x0], $0xffff  }
0x2ea: {  	v6 =	vadd.f32 v6, v10;
	v9 =	vld.idx.msk [tilespmem:v9+s12+$0x0], $0xffff;
	[tilespmem:s10+$0x60] =	vst v11  }
0x2eb: {  	v8 =	vld.idx.msk [tilespmem:v52+s12+$0x0], $0xffff  }
0x2ec: {  	v59 =	vadd.f32 v35, v30;
	v5 =	vld.idx.msk [tilespmem:v5+s12+$0x0], $0xffff;
	[tilespmem:s10+$0xFFFFFC60] =	vst v6  }
0x2ed: {  	v60 =	vadd.f32 v61, v32;
	v7 =	vld.idx.msk [tilespmem:v7+s12+$0x0], $0xffff  }
0x2ee: {  	[tilespmem:s31+$0xFFFFFE70] =	vst v59;
	v61 =	vadd.f32 v54, v50;
	v4 =	vld.idx.msk [tilespmem:v4+s12+$0x0], $0xffff  }
0x2ef: {  	s25 =	sadd.s32 $0x1, s25;
	v58 =	vadd.f32 v34, v29;
	[tilespmem:s30+$0x70] =	vst v60  }
0x2f0: {  	p0 =	sne.s32 s25, $0x4;
	[tilespmem:s30+$0xFFFFFC70] =	vst v61;
	v62 =	vadd.f32 v12, v13  }
.Ltmp4:
0x2f1: {  	[tilespmem:s31+$0x270] =	vst v58;
	v63 =	vadd.f32 v9, v57;
	(pc) =	sbr.rel @p0 .LBB2_9-.Ltmp4, $4  }
0x2f2: {  	[tilespmem:s10+$0x270] =	vst v62;
	v5 =	vadd.f32 v5, v8  }
0x2f3: {  	[tilespmem:s10+$0xFFFFFE70] =	vst v63;
	v4 =	vadd.f32 v4, v7  }
0x2f4: {  	[tilespmem:s10+$0x70] =	vst v5  }
0x2f5: {  	s24 =	sadd.s32 $0x80, s24;
	[tilespmem:s10+$0xFFFFFC70] =	vst v4  }
0x2f6: {  	s20 =	sadd.s32 $0x1, s20  }
0x2f7: {  	p0 =	sne.s32 s20, $0x8  }
.Ltmp5:
0x2f8: {  	_ = 	snop;
	(pc) =	sbr.rel @p0 .LBB2_4-.Ltmp5, $4  }
0x2f9: {  	_ = 	snop  }
0x2fa: {  	s0 =	sshll.u32 s22, $0x4  }
0x2fb: {  	s0 =	sadd.s32 s2, s0  }
0x2fc: {  	[hbm4b:s0+s13] =	stream.strided.scatter [tilespmem:s16], [sflag:$0x2], $0x8000, s14, s13, $0x38;
	[tilespmem:$0x1C080] =	vst v63  }
0x2fd: {  	s19 =	sadd.s32 $0x1, s19  }
0x2fe: {  	_ =	swait.ge [sflag:s17], $0x8000;
	p0 =	sne.s32 s19, s8  }
.Ltmp6:
0x2ff: {  	[sflag:s17] =	ssyncset.done $0x0;
	(pc) =	sbr.rel @p0 .LBB2_1-.Ltmp6, $4  }
0x300: {  	[sflag:s17] =	ssyncadd.s32 $0xFFFF8000  }
0x301: {  	_ =	swait.ge [sflag:s18], $0x8000  }
0x302: {  	[sflag:s18] =	ssyncset.done $0x0  }
0x303: {  	[sflag:s18] =	ssyncadd.s32 $0xFFFF8000  }
0x304: {  	_ =	sfence.sel $0x180000  }
0x305: {  	[bflag:$0x0] =	sbarrier.arrive $0xFFFF  }
0x306: {  	_ =	strace $0x90000047  }
0x307: {  	s0 =	stileid.u32;
	[bflag:$0x2] =	sbarrier.arrive $0xFFFF  }
0x308: {  	p0 =	sne.s32 s0, $0x0;
	s0 =	rddreg [dreg:$0x2]  }
0x309: {  	s0 =	sadd.s32 @!p0 $0x100000, s0  }
0x30a: {  	[sflag:s0] =	ssyncadd.tile.s32 @!p0 $0x1;
	_ =	shalt  }
.Lfunc_end2:
_tile_overlayer_lowered:
.L_overlay_start_2:
0x30b: {  	(tag) =	ssettag $0x2  }
0x30c: {  	s0 =	rddreg [dreg:$0x0];
	s2 =	stileid.u32  }
0x30d: {  	s1 =	rddreg [dreg:$0x1];
	p0 =	sne.s32 s2, $0x0  }
0x30e: {  	s3 =	rddreg [dreg:$0x2];
	[bflag:$0x3] =	sbarrier.arrive $0xFFFF;
	s2 =	simm.s32 @!p0 $0x1C03  }
0x30f: {  	[timem:s3], [sflag:s2] =	dma.local @!p0 [hbm:s0], s1  }
0x310: {  	s0 =	simm.s32 @!p0 $0x3  }
0x311: {  	_ =	swait.ge @!p0 [sflag:s0], s1  }
0x312: {  	s1 =	ssub.s32 @!p0 $0x0, s1;
	[sflag:s0] =	ssyncset.done @!p0 $0x0  }
0x313: {  	[sflag:s0] =	ssyncadd.s32 @!p0 s1  }
0x314: {  	[bflag:$0x3] =	sbarrier.arrive $0xFFFF  }
0x315: {  	_ =	shalt  }

</sc_bundles>
